<compile_context>
chip_gen: v7x
topology: tpu7x:2x2x1
jax: 0.10.2.dev20260603
libtpu: 0.0.44.dev20260713+nightly
codegen_flags: <defaults>
</compile_context>

<pallas_src>
import functools

import jax
import jax.numpy as jnp
from jax import lax
from jax.experimental import pallas as pl
from jax.experimental.pallas import tpu as pltpu
from jax.experimental.pallas import tpu_sc as plsc

N = 10000
NP = 10240
D = 128
E = 320000
NC = 2
NS = 16
CHUNK = 128
IB = 16
NBLK = 5
CHUNKS = NBLK * IB
E_PAD = NC * NS * CHUNKS * CHUNK
RPT = NP // NS

_mesh = plsc.VectorSubcoreMesh(core_axis_name="c", subcore_axis_name="s")



def _sc_deg_body(ed_hbm, ones_hbm, onesd_hbm, zeros_hbm, out_hbm,
                 dst_v, ones_v, deg_sh, sem):
    c = lax.axis_index("c")
    s = lax.axis_index("s")

    @pl.when(c == 0)
    def _init_ones():
        pltpu.sync_copy(onesd_hbm.at[pl.ds(s * RPT, RPT)],
                        deg_sh.at[pl.ds(s * RPT, RPT)])

    @pl.when(c != 0)
    def _init_zeros():
        pltpu.sync_copy(zeros_hbm.at[pl.ds(s * RPT, RPT)],
                        deg_sh.at[pl.ds(s * RPT, RPT)])
    for b in range(NBLK):
        pltpu.sync_copy(ed_hbm.at[c, s, b, 1], dst_v.at[b])
    pltpu.sync_copy(ones_hbm, ones_v)
    plsc.subcore_barrier()

    def body(b, carry):
        def fire(j, carry2):
            pltpu.async_copy(ones_v, deg_sh.at[dst_v.at[b, j]], sem,
                             add=True)
            return carry2

        lax.fori_loop(0, IB, fire, carry)

        def drain(j, carry2):
            pltpu.make_async_copy(ones_v, deg_sh.at[dst_v.at[b, j]],
                                  sem).wait()
            return carry2

        return lax.fori_loop(0, IB, drain, carry)

    lax.fori_loop(0, NBLK, body, 0)
    plsc.subcore_barrier()
    pltpu.sync_copy(deg_sh.at[pl.ds(s * RPT, RPT)],
                    out_hbm.at[c, pl.ds(s * RPT, RPT)])


_sc_deg = functools.partial(
    pl.kernel,
    out_type=jax.ShapeDtypeStruct((NC, NP, D), jnp.float32),
    mesh=_mesh,
    scratch_types=[
        pltpu.VMEM((NBLK, IB, CHUNK), jnp.int32),
        pltpu.VMEM((CHUNK, D), jnp.float32),
        pltpu.VMEM_SHARED((NP, D), jnp.float32),
        pltpu.SemaphoreType.DMA,
    ],
)(_sc_deg_body)



def _sc_agg_body(h_hbm, ed_hbm, zeros_hbm, out_hbm,
                 ed_v, rows_v, acc_sh, sem_i, sem_a, sem_b, sem_sa, sem_sb):
    c = lax.axis_index("c")
    s = lax.axis_index("s")

    @pl.when(c == 0)
    def _init_h():
        pltpu.sync_copy(h_hbm.at[pl.ds(s * RPT, RPT)],
                        acc_sh.at[pl.ds(s * RPT, RPT)])

    @pl.when(c != 0)
    def _init_zeros():
        pltpu.sync_copy(zeros_hbm.at[pl.ds(s * RPT, RPT)],
                        acc_sh.at[pl.ds(s * RPT, RPT)])
    pltpu.sync_copy(ed_hbm.at[c, s, 0], ed_v.at[0])
    plsc.subcore_barrier()

    def blk(b, carry):
        pb = lax.rem(b, 2)
        nb = 1 - pb

        @pl.when(b < NBLK - 1)
        def _prefetch_idx():
            pltpu.async_copy(ed_hbm.at[c, s, b + 1], ed_v.at[nb], sem_i)

        pltpu.async_copy(h_hbm.at[ed_v.at[pb, 0, 0, pl.ds(0, CHUNK // 2)]],
                         rows_v.at[0, pl.ds(0, CHUNK // 2)], sem_a)
        pltpu.async_copy(
            h_hbm.at[ed_v.at[pb, 0, 0, pl.ds(CHUNK // 2, CHUNK // 2)]],
            rows_v.at[0, pl.ds(CHUNK // 2, CHUNK // 2)], sem_a)

        H = CHUNK // 2

        def _gather(j, slot, sem):
            pltpu.async_copy(h_hbm.at[ed_v.at[pb, 0, j, pl.ds(0, H)]],
                             rows_v.at[slot, pl.ds(0, H)], sem)
            pltpu.async_copy(h_hbm.at[ed_v.at[pb, 0, j, pl.ds(H, H)]],
                             rows_v.at[slot, pl.ds(H, H)], sem)

        def _gwait(j, slot, sem):
            pltpu.make_async_copy(h_hbm.at[ed_v.at[pb, 0, j, pl.ds(0, H)]],
                                  rows_v.at[slot, pl.ds(0, H)], sem).wait()
            pltpu.make_async_copy(h_hbm.at[ed_v.at[pb, 0, j, pl.ds(H, H)]],
                                  rows_v.at[slot, pl.ds(H, H)], sem).wait()

        def pair(g, carry2):
            j0 = 2 * g
            j1 = j0 + 1
            _gather(j1, 1, sem_b)
            _gwait(j0, 0, sem_a)
            pltpu.async_copy(rows_v.at[0], acc_sh.at[ed_v.at[pb, 1, j0]],
                             sem_sa, add=True)

            @pl.when(g < IB // 2 - 1)
            def _reuse_buf0():
                pltpu.make_async_copy(rows_v.at[0],
                                      acc_sh.at[ed_v.at[pb, 1, j0]],
                                      sem_sa).wait()
                _gather(j0 + 2, 0, sem_a)

            _gwait(j1, 1, sem_b)
            pltpu.async_copy(rows_v.at[1], acc_sh.at[ed_v.at[pb, 1, j1]],
                             sem_sb, add=True)

            @pl.when(g < IB // 2 - 1)
            def _drain_buf1():
                pltpu.make_async_copy(rows_v.at[1],
                                      acc_sh.at[ed_v.at[pb, 1, j1]],
                                      sem_sb).wait()
            return carry2

        lax.fori_loop(0, IB // 2, pair, 0)
        pltpu.make_async_copy(rows_v.at[0], acc_sh.at[ed_v.at[pb, 1, IB - 2]],
                              sem_sa).wait()
        pltpu.make_async_copy(rows_v.at[1], acc_sh.at[ed_v.at[pb, 1, IB - 1]],
                              sem_sb).wait()

        @pl.when(b < NBLK - 1)
        def _wait_idx():
            pltpu.make_async_copy(ed_hbm.at[c, s, b + 1], ed_v.at[nb],
                                  sem_i).wait()

        return carry

    lax.fori_loop(0, NBLK, blk, 0)
    plsc.subcore_barrier()
    pltpu.sync_copy(acc_sh.at[pl.ds(s * RPT, RPT)],
                    out_hbm.at[c, pl.ds(s * RPT, RPT)])


_sc_agg = functools.partial(
    pl.kernel,
    out_type=jax.ShapeDtypeStruct((NC, NP, D), jnp.float32),
    mesh=_mesh,
    scratch_types=[
        pltpu.VMEM((2, 2, IB, CHUNK), jnp.int32),
        pltpu.VMEM((2, CHUNK, D), jnp.float32),
        pltpu.VMEM_SHARED((NP, D), jnp.float32),
        pltpu.SemaphoreType.DMA,
        pltpu.SemaphoreType.DMA,
        pltpu.SemaphoreType.DMA,
        pltpu.SemaphoreType.DMA,
        pltpu.SemaphoreType.DMA,
    ],
)(_sc_agg_body)



BR = 2048


def _dinv_of(deg_ref):
    deg = deg_ref[0, :, 0] + deg_ref[1, :, 0]
    return jnp.where(deg > 0, lax.rsqrt(deg), 0.0)


def _tc_pre_body(x_ref, w_ref, deg_ref, o_ref):
    dinv = _dinv_of(deg_ref)
    h = jnp.dot(x_ref[...], w_ref[...], preferred_element_type=jnp.float32)
    o_ref[...] = h * dinv[:, None]


def _tc_mid_body(acc_ref, deg_ref, b_ref, w_ref, o_ref):
    dinv = _dinv_of(deg_ref)
    t = (acc_ref[0] + acc_ref[1]) * dinv[:, None] + b_ref[...]
    r = jnp.maximum(t, 0.0)
    o_ref[...] = jnp.dot(r, w_ref[...],
                         preferred_element_type=jnp.float32) * dinv[:, None]


def _tc_post_body(acc_ref, deg_ref, b_ref, o_ref):
    dinv = _dinv_of(deg_ref)
    o_ref[...] = (acc_ref[0] + acc_ref[1]) * dinv[:, None] + b_ref[...]


_acc_spec = pl.BlockSpec((NC, BR, D), lambda i: (0, i, 0))
_deg_spec = _acc_spec
_row_spec = pl.BlockSpec((BR, D), lambda i: (i, 0))
_w_spec = pl.BlockSpec((D, D), lambda i: (0, 0))
_b_spec = pl.BlockSpec((1, D), lambda i: (0, 0))

_tc_pre = pl.pallas_call(
    _tc_pre_body,
    grid=(NP // BR,),
    in_specs=[_row_spec, _w_spec, _deg_spec],
    out_specs=_row_spec,
    out_shape=jax.ShapeDtypeStruct((NP, D), jnp.float32),
)

_tc_mid = pl.pallas_call(
    _tc_mid_body,
    grid=(NP // BR,),
    in_specs=[_acc_spec, _deg_spec, _b_spec, _w_spec],
    out_specs=_row_spec,
    out_shape=jax.ShapeDtypeStruct((NP, D), jnp.float32),
)

_tc_post = pl.pallas_call(
    _tc_post_body,
    grid=(NP // BR,),
    in_specs=[_acc_spec, _deg_spec, _b_spec],
    out_specs=_row_spec,
    out_shape=jax.ShapeDtypeStruct((NP, D), jnp.float32),
)



def kernel(x, edge_index, W1, b1, W2, b2):
    pad = E_PAD - E
    pad_ar = jnp.arange(pad, dtype=jnp.int32)
    src = jnp.concatenate([
        edge_index[0].astype(jnp.int32),
        pad_ar % N,
    ]).reshape(NC, NS, NBLK, 1, IB, CHUNK)
    dst = jnp.concatenate([
        edge_index[1].astype(jnp.int32),
        N + pad_ar % (NP - N),
    ]).reshape(NC, NS, NBLK, 1, IB, CHUNK)
    ed = jnp.concatenate([src, dst], axis=3)

    x_pad = jnp.pad(x, ((0, NP - N), (0, 0)))
    zeros_d = jnp.zeros((NP, D), jnp.float32)
    ones_d = jnp.ones((NP, D), jnp.float32)
    b1r = b1.reshape(1, D)
    b2r = b2.reshape(1, D)

    ones_chunk = jnp.ones((CHUNK, D), jnp.float32)
    deg_parts = _sc_deg(ed, ones_chunk, ones_d, zeros_d)
    h1 = _tc_pre(x_pad, W1, deg_parts)
    acc1 = _sc_agg(h1, ed, zeros_d)
    h2 = _tc_mid(acc1, deg_parts, b1r, W2)
    acc2 = _sc_agg(h2, ed, zeros_d)
    out = _tc_post(acc2, deg_parts, b2r)
    return out[:N]

# --- scband reference (transcript-rebuilt; emitter-appended) ---
"""Pipeline reference for scband-gcn-20779051778398 (READ-ONLY COPY).

The authoritative reference and input builder live on the scoring server;
editing this copy changes nothing except your own understanding.
"""

import jax, jax.numpy as jnp
import numpy as np

N_NODES = 10000
N_EDGES = 320000
D_IN = 128
D_HID = 128
D_OUT = 128


def setup_inputs(seed: int = 0) -> dict:
    key = jax.random.key(seed)
    k1, k2, k3, k4, k5, k6 = jax.random.split(key, 6)
    x = jax.random.normal(k1, (N_NODES, D_IN), dtype=jnp.float32)
    edge_index = jax.random.randint(k2, (2, N_EDGES), 0, N_NODES, dtype=jnp.int64)
    s1 = 1.0 / np.sqrt(D_IN)
    s2 = 1.0 / np.sqrt(D_HID)
    W1 = jax.random.uniform(k3, (D_IN, D_HID), dtype=jnp.float32, minval=-s1, maxval=s1)
    b1 = jnp.zeros((D_HID,), dtype=jnp.float32)
    W2 = jax.random.uniform(k4, (D_HID, D_OUT), dtype=jnp.float32, minval=-s2, maxval=s2)
    b2 = jnp.zeros((D_OUT,), dtype=jnp.float32)
    return {"x": x, "edge_index": edge_index, "W1": W1, "b1": b1, "W2": W2, "b2": b2}


def _gcn_conv(x, edge_index, W, b, num_nodes):
    # PyG GCNConv with normalize=True: add self-loops, symmetric normalization
    src = edge_index[0]
    dst = edge_index[1]
    loop = jnp.arange(num_nodes, dtype=src.dtype)
    src = jnp.concatenate([src, loop])
    dst = jnp.concatenate([dst, loop])
    ew = jnp.ones((src.shape[0],), dtype=x.dtype)
    deg = jnp.zeros((num_nodes,), dtype=x.dtype).at[dst].add(ew)
    deg_inv_sqrt = jnp.where(deg > 0, 1.0 / jnp.sqrt(deg), 0.0)
    norm = deg_inv_sqrt[src] * ew * deg_inv_sqrt[dst]
    h = x @ W
    msg = h[src] * norm[:, None]
    out = jnp.zeros((num_nodes, W.shape[1]), dtype=x.dtype).at[dst].add(msg)
    return out + b


def reference(x, edge_index, W1, b1, W2, b2):
    # eval mode: dropout is identity
    h = _gcn_conv(x, edge_index, W1, b1, N_NODES)
    h = jax.nn.relu(h)
    out = _gcn_conv(h, edge_index, W2, b2, N_NODES)
    return out

if __name__ == "__main__":
    import jax
    _d = setup_inputs()
    print(jax.jit(kernel)(*tuple(_d.values())))

</pallas_src>

<mosaic_0001>
#map = affine_map<(d0, d1) -> (0, 0, 0, 0, 0, 0)>
#map1 = affine_map<(d0, d1) -> (0, 0)>
#map2 = affine_map<(d0, d1) -> (0, 0, 0)>
module attributes {stable_mosaic.version = 14 : i64} {
  func.func @_sc_deg_body(%arg0: i32, %arg1: i32, %arg2: memref<2x16x5x2x16x128xi32, #tpu.memory_space<hbm>>, %arg3: memref<128x128xf32, #tpu.memory_space<hbm>>, %arg4: memref<10240x128xf32, #tpu.memory_space<hbm>>, %arg5: memref<10240x128xf32, #tpu.memory_space<hbm>>, %arg6: memref<2x10240x128xf32, #tpu.memory_space<hbm>>, %arg7: memref<5x16x128xi32, #tpu.memory_space<vmem>>, %arg8: memref<128x128xf32, #tpu.memory_space<vmem>>, %arg9: memref<10240x128xf32, #tpu.memory_space<vmem_shared>>, %arg10: memref<!tpu.dma_semaphore, #tpu.memory_space<semaphore_mem>>) attributes {dimension_semantics = [#tpu.dimension_semantics<core_parallel>, #tpu.dimension_semantics<subcore_parallel>], iteration_bounds = array<i64: 2, 16>, scalar_prefetch = 0 : i64, scratch_operands = 4 : i64, tpu.core_type = #tpu.core_type<sc_vector_subcore>, window_params = [{transform_indices = #map}, {transform_indices = #map1}, {transform_indices = #map1}, {transform_indices = #map1}, {transform_indices = #map2}]} {
    %eq3A = arith.constant 0 : i32
    %eq3A_0 = arith.cmpi eq, %arg0, %eq3A : i32
    %convert_element_type3A = arith.extui %eq3A_0 : i1 to i32
    %cond3A = arith.constant 0 : i32
    %cond3A_1 = arith.cmpi ne, %convert_element_type3A, %cond3A : i32
    scf.if %cond3A_1 {
      %mul3A_29 = arith.constant 640 : i32
      %mul3A_30 = arith.muli %arg1, %mul3A_29 : i32
      %mul3A_31 = arith.constant 640 : i32
      %mul3A_32 = arith.muli %arg1, %mul3A_31 : i32
      "tpu.region"() ({
        %run_scoped3A_33 = tpu.sem_alloc : memref<!tpu.dma_semaphore, #tpu.memory_space<semaphore_mem>>
        %dma_start3A = arith.constant 0 : i32
        %dma_start3A_34 = tpu.memref_slice %arg9[%mul3A_32, %dma_start3A] : memref<10240x128xf32, #tpu.memory_space<vmem_shared>> -> memref<640x128xf32, #tpu.memory_space<vmem_shared>>
        %dma_start3A_35 = arith.constant 0 : i32
        %dma_start3A_36 = tpu.memref_slice %arg4[%mul3A_30, %dma_start3A_35] : memref<10240x128xf32, #tpu.memory_space<hbm>> -> memref<640x128xf32, #tpu.memory_space<hbm>>
        tpu.enqueue_dma source(%dma_start3A_36 : memref<640x128xf32, #tpu.memory_space<hbm>>) target(%dma_start3A_34 : memref<640x128xf32, #tpu.memory_space<vmem_shared>>) target_semaphore(%run_scoped3A_33 : memref<!tpu.dma_semaphore, #tpu.memory_space<semaphore_mem>>)
        %dma_wait3A = arith.constant 0 : i32
        %dma_wait3A_37 = tpu.memref_slice %arg9[%mul3A_32, %dma_wait3A] : memref<10240x128xf32, #tpu.memory_space<vmem_shared>> -> memref<640x128xf32, #tpu.memory_space<vmem_shared>>
        %dma_wait3A_38 = arith.constant 0 : i32
        %dma_wait3A_39 = tpu.memref_slice %arg4[%mul3A_30, %dma_wait3A_38] : memref<10240x128xf32, #tpu.memory_space<hbm>> -> memref<640x128xf32, #tpu.memory_space<hbm>>
        tpu.wait_dma2 semaphore(%run_scoped3A_33 : memref<!tpu.dma_semaphore, #tpu.memory_space<semaphore_mem>>) src(%dma_wait3A_39 : memref<640x128xf32, #tpu.memory_space<hbm>>) dst(%dma_wait3A_37 : memref<640x128xf32, #tpu.memory_space<vmem_shared>>)
        tpu.yield
      }) : () -> ()
    } else {
    }
    %ne3A = arith.constant 0 : i32
    %ne3A_2 = arith.cmpi ne, %arg0, %ne3A : i32
    %convert_element_type3A_3 = arith.extui %ne3A_2 : i1 to i32
    %cond3A_4 = arith.constant 0 : i32
    %cond3A_5 = arith.cmpi ne, %convert_element_type3A_3, %cond3A_4 : i32
    scf.if %cond3A_5 {
      %mul3A_29 = arith.constant 640 : i32
      %mul3A_30 = arith.muli %arg1, %mul3A_29 : i32
      %mul3A_31 = arith.constant 640 : i32
      %mul3A_32 = arith.muli %arg1, %mul3A_31 : i32
      "tpu.region"() ({
        %run_scoped3A_33 = tpu.sem_alloc : memref<!tpu.dma_semaphore, #tpu.memory_space<semaphore_mem>>
        %dma_start3A = arith.constant 0 : i32
        %dma_start3A_34 = tpu.memref_slice %arg9[%mul3A_32, %dma_start3A] : memref<10240x128xf32, #tpu.memory_space<vmem_shared>> -> memref<640x128xf32, #tpu.memory_space<vmem_shared>>
        %dma_start3A_35 = arith.constant 0 : i32
        %dma_start3A_36 = tpu.memref_slice %arg5[%mul3A_30, %dma_start3A_35] : memref<10240x128xf32, #tpu.memory_space<hbm>> -> memref<640x128xf32, #tpu.memory_space<hbm>>
        tpu.enqueue_dma source(%dma_start3A_36 : memref<640x128xf32, #tpu.memory_space<hbm>>) target(%dma_start3A_34 : memref<640x128xf32, #tpu.memory_space<vmem_shared>>) target_semaphore(%run_scoped3A_33 : memref<!tpu.dma_semaphore, #tpu.memory_space<semaphore_mem>>)
        %dma_wait3A = arith.constant 0 : i32
        %dma_wait3A_37 = tpu.memref_slice %arg9[%mul3A_32, %dma_wait3A] : memref<10240x128xf32, #tpu.memory_space<vmem_shared>> -> memref<640x128xf32, #tpu.memory_space<vmem_shared>>
        %dma_wait3A_38 = arith.constant 0 : i32
        %dma_wait3A_39 = tpu.memref_slice %arg5[%mul3A_30, %dma_wait3A_38] : memref<10240x128xf32, #tpu.memory_space<hbm>> -> memref<640x128xf32, #tpu.memory_space<hbm>>
        tpu.wait_dma2 semaphore(%run_scoped3A_33 : memref<!tpu.dma_semaphore, #tpu.memory_space<semaphore_mem>>) src(%dma_wait3A_39 : memref<640x128xf32, #tpu.memory_space<hbm>>) dst(%dma_wait3A_37 : memref<640x128xf32, #tpu.memory_space<vmem_shared>>)
        tpu.yield
      }) : () -> ()
    } else {
    }
    %run_scoped3A = arith.constant 0 : i32
    %run_scoped3A_6 = arith.constant 1 : i32
    %run_scoped3A_7 = arith.constant 0 : i32
    "tpu.region"() ({
      %run_scoped3A_29 = tpu.sem_alloc : memref<!tpu.dma_semaphore, #tpu.memory_space<semaphore_mem>>
      %dma_start3A = arith.constant 0 : i32
      %dma_start3A_30 = arith.constant 0 : i32
      %dma_start3A_31 = tpu.memref_slice %arg7[%run_scoped3A_7, %dma_start3A, %dma_start3A_30] : memref<5x16x128xi32, #tpu.memory_space<vmem>> -> memref<1x16x128xi32, #tpu.memory_space<vmem>>
      %dma_start3A_32 = tpu.memref_squeeze %dma_start3A_31 : memref<1x16x128xi32, #tpu.memory_space<vmem>> -> memref<16x128xi32, #tpu.memory_space<vmem>>
      %dma_start3A_33 = arith.constant 0 : i32
      %dma_start3A_34 = arith.constant 0 : i32
      %dma_start3A_35 = tpu.memref_slice %arg2[%arg0, %arg1, %run_scoped3A, %run_scoped3A_6, %dma_start3A_33, %dma_start3A_34] : memref<2x16x5x2x16x128xi32, #tpu.memory_space<hbm>> -> memref<1x1x1x1x16x128xi32, #tpu.memory_space<hbm>>
      %dma_start3A_36 = tpu.memref_squeeze %dma_start3A_35 : memref<1x1x1x1x16x128xi32, #tpu.memory_space<hbm>> -> memref<16x128xi32, #tpu.memory_space<hbm>>
      %dma_start3A_37 = arith.constant 0 : i32
      %dma_start3A_38 = arith.constant 0 : i32
      %dma_start3A_39 = tpu.memref_slice %arg7[%run_scoped3A_7, %dma_start3A_37, %dma_start3A_38] : memref<5x16x128xi32, #tpu.memory_space<vmem>> -> memref<1x16x128xi32, #tpu.memory_space<vmem>>
      %dma_start3A_40 = tpu.memref_squeeze %dma_start3A_39 : memref<1x16x128xi32, #tpu.memory_space<vmem>> -> memref<16x128xi32, #tpu.memory_space<vmem>>
      %dma_start3A_41 = arith.constant 0 : i32
      %dma_start3A_42 = arith.constant 0 : i32
      %dma_start3A_43 = tpu.memref_slice %arg2[%arg0, %arg1, %run_scoped3A, %run_scoped3A_6, %dma_start3A_41, %dma_start3A_42] : memref<2x16x5x2x16x128xi32, #tpu.memory_space<hbm>> -> memref<1x1x1x1x16x128xi32, #tpu.memory_space<hbm>>
      %dma_start3A_44 = tpu.memref_squeeze %dma_start3A_43 : memref<1x1x1x1x16x128xi32, #tpu.memory_space<hbm>> -> memref<16x128xi32, #tpu.memory_space<hbm>>
      tpu.enqueue_dma source(%dma_start3A_44 : memref<16x128xi32, #tpu.memory_space<hbm>>) target(%dma_start3A_40 : memref<16x128xi32, #tpu.memory_space<vmem>>) target_semaphore(%run_scoped3A_29 : memref<!tpu.dma_semaphore, #tpu.memory_space<semaphore_mem>>)
      %dma_wait3A = arith.constant 0 : i32
      %dma_wait3A_45 = arith.constant 0 : i32
      %dma_wait3A_46 = tpu.memref_slice %arg7[%run_scoped3A_7, %dma_wait3A, %dma_wait3A_45] : memref<5x16x128xi32, #tpu.memory_space<vmem>> -> memref<1x16x128xi32, #tpu.memory_space<vmem>>
      %dma_wait3A_47 = tpu.memref_squeeze %dma_wait3A_46 : memref<1x16x128xi32, #tpu.memory_space<vmem>> -> memref<16x128xi32, #tpu.memory_space<vmem>>
      %dma_wait3A_48 = arith.constant 0 : i32
      %dma_wait3A_49 = arith.constant 0 : i32
      %dma_wait3A_50 = tpu.memref_slice %arg2[%arg0, %arg1, %run_scoped3A, %run_scoped3A_6, %dma_wait3A_48, %dma_wait3A_49] : memref<2x16x5x2x16x128xi32, #tpu.memory_space<hbm>> -> memref<1x1x1x1x16x128xi32, #tpu.memory_space<hbm>>
      %dma_wait3A_51 = tpu.memref_squeeze %dma_wait3A_50 : memref<1x1x1x1x16x128xi32, #tpu.memory_space<hbm>> -> memref<16x128xi32, #tpu.memory_space<hbm>>
      %dma_wait3A_52 = arith.constant 0 : i32
      %dma_wait3A_53 = arith.constant 0 : i32
      %dma_wait3A_54 = tpu.memref_slice %arg7[%run_scoped3A_7, %dma_wait3A_52, %dma_wait3A_53] : memref<5x16x128xi32, #tpu.memory_space<vmem>> -> memref<1x16x128xi32, #tpu.memory_space<vmem>>
      %dma_wait3A_55 = tpu.memref_squeeze %dma_wait3A_54 : memref<1x16x128xi32, #tpu.memory_space<vmem>> -> memref<16x128xi32, #tpu.memory_space<vmem>>
      %dma_wait3A_56 = arith.constant 0 : i32
      %dma_wait3A_57 = arith.constant 0 : i32
      %dma_wait3A_58 = tpu.memref_slice %arg2[%arg0, %arg1, %run_scoped3A, %run_scoped3A_6, %dma_wait3A_56, %dma_wait3A_57] : memref<2x16x5x2x16x128xi32, #tpu.memory_space<hbm>> -> memref<1x1x1x1x16x128xi32, #tpu.memory_space<hbm>>
      %dma_wait3A_59 = tpu.memref_squeeze %dma_wait3A_58 : memref<1x1x1x1x16x128xi32, #tpu.memory_space<hbm>> -> memref<16x128xi32, #tpu.memory_space<hbm>>
      tpu.wait_dma2 semaphore(%run_scoped3A_29 : memref<!tpu.dma_semaphore, #tpu.memory_space<semaphore_mem>>) src(%dma_wait3A_59 : memref<16x128xi32, #tpu.memory_space<hbm>>) dst(%dma_wait3A_55 : memref<16x128xi32, #tpu.memory_space<vmem>>)
      tpu.yield
    }) : () -> ()
    %run_scoped3A_8 = arith.constant 1 : i32
    %run_scoped3A_9 = arith.constant 1 : i32
    %run_scoped3A_10 = arith.constant 1 : i32
    "tpu.region"() ({
      %run_scoped3A_29 = tpu.sem_alloc : memref<!tpu.dma_semaphore, #tpu.memory_space<semaphore_mem>>
      %dma_start3A = arith.constant 0 : i32
      %dma_start3A_30 = arith.constant 0 : i32
      %dma_start3A_31 = tpu.memref_slice %arg7[%run_scoped3A_10, %dma_start3A, %dma_start3A_30] : memref<5x16x128xi32, #tpu.memory_space<vmem>> -> memref<1x16x128xi32, #tpu.memory_space<vmem>>
      %dma_start3A_32 = tpu.memref_squeeze %dma_start3A_31 : memref<1x16x128xi32, #tpu.memory_space<vmem>> -> memref<16x128xi32, #tpu.memory_space<vmem>>
      %dma_start3A_33 = arith.constant 0 : i32
      %dma_start3A_34 = arith.constant 0 : i32
      %dma_start3A_35 = tpu.memref_slice %arg2[%arg0, %arg1, %run_scoped3A_8, %run_scoped3A_9, %dma_start3A_33, %dma_start3A_34] : memref<2x16x5x2x16x128xi32, #tpu.memory_space<hbm>> -> memref<1x1x1x1x16x128xi32, #tpu.memory_space<hbm>>
      %dma_start3A_36 = tpu.memref_squeeze %dma_start3A_35 : memref<1x1x1x1x16x128xi32, #tpu.memory_space<hbm>> -> memref<16x128xi32, #tpu.memory_space<hbm>>
      %dma_start3A_37 = arith.constant 0 : i32
      %dma_start3A_38 = arith.constant 0 : i32
      %dma_start3A_39 = tpu.memref_slice %arg7[%run_scoped3A_10, %dma_start3A_37, %dma_start3A_38] : memref<5x16x128xi32, #tpu.memory_space<vmem>> -> memref<1x16x128xi32, #tpu.memory_space<vmem>>
      %dma_start3A_40 = tpu.memref_squeeze %dma_start3A_39 : memref<1x16x128xi32, #tpu.memory_space<vmem>> -> memref<16x128xi32, #tpu.memory_space<vmem>>
      %dma_start3A_41 = arith.constant 0 : i32
      %dma_start3A_42 = arith.constant 0 : i32
      %dma_start3A_43 = tpu.memref_slice %arg2[%arg0, %arg1, %run_scoped3A_8, %run_scoped3A_9, %dma_start3A_41, %dma_start3A_42] : memref<2x16x5x2x16x128xi32, #tpu.memory_space<hbm>> -> memref<1x1x1x1x16x128xi32, #tpu.memory_space<hbm>>
      %dma_start3A_44 = tpu.memref_squeeze %dma_start3A_43 : memref<1x1x1x1x16x128xi32, #tpu.memory_space<hbm>> -> memref<16x128xi32, #tpu.memory_space<hbm>>
      tpu.enqueue_dma source(%dma_start3A_44 : memref<16x128xi32, #tpu.memory_space<hbm>>) target(%dma_start3A_40 : memref<16x128xi32, #tpu.memory_space<vmem>>) target_semaphore(%run_scoped3A_29 : memref<!tpu.dma_semaphore, #tpu.memory_space<semaphore_mem>>)
      %dma_wait3A = arith.constant 0 : i32
      %dma_wait3A_45 = arith.constant 0 : i32
      %dma_wait3A_46 = tpu.memref_slice %arg7[%run_scoped3A_10, %dma_wait3A, %dma_wait3A_45] : memref<5x16x128xi32, #tpu.memory_space<vmem>> -> memref<1x16x128xi32, #tpu.memory_space<vmem>>
      %dma_wait3A_47 = tpu.memref_squeeze %dma_wait3A_46 : memref<1x16x128xi32, #tpu.memory_space<vmem>> -> memref<16x128xi32, #tpu.memory_space<vmem>>
      %dma_wait3A_48 = arith.constant 0 : i32
      %dma_wait3A_49 = arith.constant 0 : i32
      %dma_wait3A_50 = tpu.memref_slice %arg2[%arg0, %arg1, %run_scoped3A_8, %run_scoped3A_9, %dma_wait3A_48, %dma_wait3A_49] : memref<2x16x5x2x16x128xi32, #tpu.memory_space<hbm>> -> memref<1x1x1x1x16x128xi32, #tpu.memory_space<hbm>>
      %dma_wait3A_51 = tpu.memref_squeeze %dma_wait3A_50 : memref<1x1x1x1x16x128xi32, #tpu.memory_space<hbm>> -> memref<16x128xi32, #tpu.memory_space<hbm>>
      %dma_wait3A_52 = arith.constant 0 : i32
      %dma_wait3A_53 = arith.constant 0 : i32
      %dma_wait3A_54 = tpu.memref_slice %arg7[%run_scoped3A_10, %dma_wait3A_52, %dma_wait3A_53] : memref<5x16x128xi32, #tpu.memory_space<vmem>> -> memref<1x16x128xi32, #tpu.memory_space<vmem>>
      %dma_wait3A_55 = tpu.memref_squeeze %dma_wait3A_54 : memref<1x16x128xi32, #tpu.memory_space<vmem>> -> memref<16x128xi32, #tpu.memory_space<vmem>>
      %dma_wait3A_56 = arith.constant 0 : i32
      %dma_wait3A_57 = arith.constant 0 : i32
      %dma_wait3A_58 = tpu.memref_slice %arg2[%arg0, %arg1, %run_scoped3A_8, %run_scoped3A_9, %dma_wait3A_56, %dma_wait3A_57] : memref<2x16x5x2x16x128xi32, #tpu.memory_space<hbm>> -> memref<1x1x1x1x16x128xi32, #tpu.memory_space<hbm>>
      %dma_wait3A_59 = tpu.memref_squeeze %dma_wait3A_58 : memref<1x1x1x1x16x128xi32, #tpu.memory_space<hbm>> -> memref<16x128xi32, #tpu.memory_space<hbm>>
      tpu.wait_dma2 semaphore(%run_scoped3A_29 : memref<!tpu.dma_semaphore, #tpu.memory_space<semaphore_mem>>) src(%dma_wait3A_59 : memref<16x128xi32, #tpu.memory_space<hbm>>) dst(%dma_wait3A_55 : memref<16x128xi32, #tpu.memory_space<vmem>>)
      tpu.yield
    }) : () -> ()
    %run_scoped3A_11 = arith.constant 2 : i32
    %run_scoped3A_12 = arith.constant 1 : i32
    %run_scoped3A_13 = arith.constant 2 : i32
    "tpu.region"() ({
      %run_scoped3A_29 = tpu.sem_alloc : memref<!tpu.dma_semaphore, #tpu.memory_space<semaphore_mem>>
      %dma_start3A = arith.constant 0 : i32
      %dma_start3A_30 = arith.constant 0 : i32
      %dma_start3A_31 = tpu.memref_slice %arg7[%run_scoped3A_13, %dma_start3A, %dma_start3A_30] : memref<5x16x128xi32, #tpu.memory_space<vmem>> -> memref<1x16x128xi32, #tpu.memory_space<vmem>>
      %dma_start3A_32 = tpu.memref_squeeze %dma_start3A_31 : memref<1x16x128xi32, #tpu.memory_space<vmem>> -> memref<16x128xi32, #tpu.memory_space<vmem>>
      %dma_start3A_33 = arith.constant 0 : i32
      %dma_start3A_34 = arith.constant 0 : i32
      %dma_start3A_35 = tpu.memref_slice %arg2[%arg0, %arg1, %run_scoped3A_11, %run_scoped3A_12, %dma_start3A_33, %dma_start3A_34] : memref<2x16x5x2x16x128xi32, #tpu.memory_space<hbm>> -> memref<1x1x1x1x16x128xi32, #tpu.memory_space<hbm>>
      %dma_start3A_36 = tpu.memref_squeeze %dma_start3A_35 : memref<1x1x1x1x16x128xi32, #tpu.memory_space<hbm>> -> memref<16x128xi32, #tpu.memory_space<hbm>>
      %dma_start3A_37 = arith.constant 0 : i32
      %dma_start3A_38 = arith.constant 0 : i32
      %dma_start3A_39 = tpu.memref_slice %arg7[%run_scoped3A_13, %dma_start3A_37, %dma_start3A_38] : memref<5x16x128xi32, #tpu.memory_space<vmem>> -> memref<1x16x128xi32, #tpu.memory_space<vmem>>
      %dma_start3A_40 = tpu.memref_squeeze %dma_start3A_39 : memref<1x16x128xi32, #tpu.memory_space<vmem>> -> memref<16x128xi32, #tpu.memory_space<vmem>>
      %dma_start3A_41 = arith.constant 0 : i32
      %dma_start3A_42 = arith.constant 0 : i32
      %dma_start3A_43 = tpu.memref_slice %arg2[%arg0, %arg1, %run_scoped3A_11, %run_scoped3A_12, %dma_start3A_41, %dma_start3A_42] : memref<2x16x5x2x16x128xi32, #tpu.memory_space<hbm>> -> memref<1x1x1x1x16x128xi32, #tpu.memory_space<hbm>>
      %dma_start3A_44 = tpu.memref_squeeze %dma_start3A_43 : memref<1x1x1x1x16x128xi32, #tpu.memory_space<hbm>> -> memref<16x128xi32, #tpu.memory_space<hbm>>
      tpu.enqueue_dma source(%dma_start3A_44 : memref<16x128xi32, #tpu.memory_space<hbm>>) target(%dma_start3A_40 : memref<16x128xi32, #tpu.memory_space<vmem>>) target_semaphore(%run_scoped3A_29 : memref<!tpu.dma_semaphore, #tpu.memory_space<semaphore_mem>>)
      %dma_wait3A = arith.constant 0 : i32
      %dma_wait3A_45 = arith.constant 0 : i32
      %dma_wait3A_46 = tpu.memref_slice %arg7[%run_scoped3A_13, %dma_wait3A, %dma_wait3A_45] : memref<5x16x128xi32, #tpu.memory_space<vmem>> -> memref<1x16x128xi32, #tpu.memory_space<vmem>>
      %dma_wait3A_47 = tpu.memref_squeeze %dma_wait3A_46 : memref<1x16x128xi32, #tpu.memory_space<vmem>> -> memref<16x128xi32, #tpu.memory_space<vmem>>
      %dma_wait3A_48 = arith.constant 0 : i32
      %dma_wait3A_49 = arith.constant 0 : i32
      %dma_wait3A_50 = tpu.memref_slice %arg2[%arg0, %arg1, %run_scoped3A_11, %run_scoped3A_12, %dma_wait3A_48, %dma_wait3A_49] : memref<2x16x5x2x16x128xi32, #tpu.memory_space<hbm>> -> memref<1x1x1x1x16x128xi32, #tpu.memory_space<hbm>>
      %dma_wait3A_51 = tpu.memref_squeeze %dma_wait3A_50 : memref<1x1x1x1x16x128xi32, #tpu.memory_space<hbm>> -> memref<16x128xi32, #tpu.memory_space<hbm>>
      %dma_wait3A_52 = arith.constant 0 : i32
      %dma_wait3A_53 = arith.constant 0 : i32
      %dma_wait3A_54 = tpu.memref_slice %arg7[%run_scoped3A_13, %dma_wait3A_52, %dma_wait3A_53] : memref<5x16x128xi32, #tpu.memory_space<vmem>> -> memref<1x16x128xi32, #tpu.memory_space<vmem>>
      %dma_wait3A_55 = tpu.memref_squeeze %dma_wait3A_54 : memref<1x16x128xi32, #tpu.memory_space<vmem>> -> memref<16x128xi32, #tpu.memory_space<vmem>>
      %dma_wait3A_56 = arith.constant 0 : i32
      %dma_wait3A_57 = arith.constant 0 : i32
      %dma_wait3A_58 = tpu.memref_slice %arg2[%arg0, %arg1, %run_scoped3A_11, %run_scoped3A_12, %dma_wait3A_56, %dma_wait3A_57] : memref<2x16x5x2x16x128xi32, #tpu.memory_space<hbm>> -> memref<1x1x1x1x16x128xi32, #tpu.memory_space<hbm>>
      %dma_wait3A_59 = tpu.memref_squeeze %dma_wait3A_58 : memref<1x1x1x1x16x128xi32, #tpu.memory_space<hbm>> -> memref<16x128xi32, #tpu.memory_space<hbm>>
      tpu.wait_dma2 semaphore(%run_scoped3A_29 : memref<!tpu.dma_semaphore, #tpu.memory_space<semaphore_mem>>) src(%dma_wait3A_59 : memref<16x128xi32, #tpu.memory_space<hbm>>) dst(%dma_wait3A_55 : memref<16x128xi32, #tpu.memory_space<vmem>>)
      tpu.yield
    }) : () -> ()
    %run_scoped3A_14 = arith.constant 3 : i32
    %run_scoped3A_15 = arith.constant 1 : i32
    %run_scoped3A_16 = arith.constant 3 : i32
    "tpu.region"() ({
      %run_scoped3A_29 = tpu.sem_alloc : memref<!tpu.dma_semaphore, #tpu.memory_space<semaphore_mem>>
      %dma_start3A = arith.constant 0 : i32
      %dma_start3A_30 = arith.constant 0 : i32
      %dma_start3A_31 = tpu.memref_slice %arg7[%run_scoped3A_16, %dma_start3A, %dma_start3A_30] : memref<5x16x128xi32, #tpu.memory_space<vmem>> -> memref<1x16x128xi32, #tpu.memory_space<vmem>>
      %dma_start3A_32 = tpu.memref_squeeze %dma_start3A_31 : memref<1x16x128xi32, #tpu.memory_space<vmem>> -> memref<16x128xi32, #tpu.memory_space<vmem>>
      %dma_start3A_33 = arith.constant 0 : i32
      %dma_start3A_34 = arith.constant 0 : i32
      %dma_start3A_35 = tpu.memref_slice %arg2[%arg0, %arg1, %run_scoped3A_14, %run_scoped3A_15, %dma_start3A_33, %dma_start3A_34] : memref<2x16x5x2x16x128xi32, #tpu.memory_space<hbm>> -> memref<1x1x1x1x16x128xi32, #tpu.memory_space<hbm>>
      %dma_start3A_36 = tpu.memref_squeeze %dma_start3A_35 : memref<1x1x1x1x16x128xi32, #tpu.memory_space<hbm>> -> memref<16x128xi32, #tpu.memory_space<hbm>>
      %dma_start3A_37 = arith.constant 0 : i32
      %dma_start3A_38 = arith.constant 0 : i32
      %dma_start3A_39 = tpu.memref_slice %arg7[%run_scoped3A_16, %dma_start3A_37, %dma_start3A_38] : memref<5x16x128xi32, #tpu.memory_space<vmem>> -> memref<1x16x128xi32, #tpu.memory_space<vmem>>
      %dma_start3A_40 = tpu.memref_squeeze %dma_start3A_39 : memref<1x16x128xi32, #tpu.memory_space<vmem>> -> memref<16x128xi32, #tpu.memory_space<vmem>>
      %dma_start3A_41 = arith.constant 0 : i32
      %dma_start3A_42 = arith.constant 0 : i32
      %dma_start3A_43 = tpu.memref_slice %arg2[%arg0, %arg1, %run_scoped3A_14, %run_scoped3A_15, %dma_start3A_41, %dma_start3A_42] : memref<2x16x5x2x16x128xi32, #tpu.memory_space<hbm>> -> memref<1x1x1x1x16x128xi32, #tpu.memory_space<hbm>>
      %dma_start3A_44 = tpu.memref_squeeze %dma_start3A_43 : memref<1x1x1x1x16x128xi32, #tpu.memory_space<hbm>> -> memref<16x128xi32, #tpu.memory_space<hbm>>
      tpu.enqueue_dma source(%dma_start3A_44 : memref<16x128xi32, #tpu.memory_space<hbm>>) target(%dma_start3A_40 : memref<16x128xi32, #tpu.memory_space<vmem>>) target_semaphore(%run_scoped3A_29 : memref<!tpu.dma_semaphore, #tpu.memory_space<semaphore_mem>>)
      %dma_wait3A = arith.constant 0 : i32
      %dma_wait3A_45 = arith.constant 0 : i32
      %dma_wait3A_46 = tpu.memref_slice %arg7[%run_scoped3A_16, %dma_wait3A, %dma_wait3A_45] : memref<5x16x128xi32, #tpu.memory_space<vmem>> -> memref<1x16x128xi32, #tpu.memory_space<vmem>>
      %dma_wait3A_47 = tpu.memref_squeeze %dma_wait3A_46 : memref<1x16x128xi32, #tpu.memory_space<vmem>> -> memref<16x128xi32, #tpu.memory_space<vmem>>
      %dma_wait3A_48 = arith.constant 0 : i32
      %dma_wait3A_49 = arith.constant 0 : i32
      %dma_wait3A_50 = tpu.memref_slice %arg2[%arg0, %arg1, %run_scoped3A_14, %run_scoped3A_15, %dma_wait3A_48, %dma_wait3A_49] : memref<2x16x5x2x16x128xi32, #tpu.memory_space<hbm>> -> memref<1x1x1x1x16x128xi32, #tpu.memory_space<hbm>>
      %dma_wait3A_51 = tpu.memref_squeeze %dma_wait3A_50 : memref<1x1x1x1x16x128xi32, #tpu.memory_space<hbm>> -> memref<16x128xi32, #tpu.memory_space<hbm>>
      %dma_wait3A_52 = arith.constant 0 : i32
      %dma_wait3A_53 = arith.constant 0 : i32
      %dma_wait3A_54 = tpu.memref_slice %arg7[%run_scoped3A_16, %dma_wait3A_52, %dma_wait3A_53] : memref<5x16x128xi32, #tpu.memory_space<vmem>> -> memref<1x16x128xi32, #tpu.memory_space<vmem>>
      %dma_wait3A_55 = tpu.memref_squeeze %dma_wait3A_54 : memref<1x16x128xi32, #tpu.memory_space<vmem>> -> memref<16x128xi32, #tpu.memory_space<vmem>>
      %dma_wait3A_56 = arith.constant 0 : i32
      %dma_wait3A_57 = arith.constant 0 : i32
      %dma_wait3A_58 = tpu.memref_slice %arg2[%arg0, %arg1, %run_scoped3A_14, %run_scoped3A_15, %dma_wait3A_56, %dma_wait3A_57] : memref<2x16x5x2x16x128xi32, #tpu.memory_space<hbm>> -> memref<1x1x1x1x16x128xi32, #tpu.memory_space<hbm>>
      %dma_wait3A_59 = tpu.memref_squeeze %dma_wait3A_58 : memref<1x1x1x1x16x128xi32, #tpu.memory_space<hbm>> -> memref<16x128xi32, #tpu.memory_space<hbm>>
      tpu.wait_dma2 semaphore(%run_scoped3A_29 : memref<!tpu.dma_semaphore, #tpu.memory_space<semaphore_mem>>) src(%dma_wait3A_59 : memref<16x128xi32, #tpu.memory_space<hbm>>) dst(%dma_wait3A_55 : memref<16x128xi32, #tpu.memory_space<vmem>>)
      tpu.yield
    }) : () -> ()
    %run_scoped3A_17 = arith.constant 4 : i32
    %run_scoped3A_18 = arith.constant 1 : i32
    %run_scoped3A_19 = arith.constant 4 : i32
    "tpu.region"() ({
      %run_scoped3A_29 = tpu.sem_alloc : memref<!tpu.dma_semaphore, #tpu.memory_space<semaphore_mem>>
      %dma_start3A = arith.constant 0 : i32
      %dma_start3A_30 = arith.constant 0 : i32
      %dma_start3A_31 = tpu.memref_slice %arg7[%run_scoped3A_19, %dma_start3A, %dma_start3A_30] : memref<5x16x128xi32, #tpu.memory_space<vmem>> -> memref<1x16x128xi32, #tpu.memory_space<vmem>>
      %dma_start3A_32 = tpu.memref_squeeze %dma_start3A_31 : memref<1x16x128xi32, #tpu.memory_space<vmem>> -> memref<16x128xi32, #tpu.memory_space<vmem>>
      %dma_start3A_33 = arith.constant 0 : i32
      %dma_start3A_34 = arith.constant 0 : i32
      %dma_start3A_35 = tpu.memref_slice %arg2[%arg0, %arg1, %run_scoped3A_17, %run_scoped3A_18, %dma_start3A_33, %dma_start3A_34] : memref<2x16x5x2x16x128xi32, #tpu.memory_space<hbm>> -> memref<1x1x1x1x16x128xi32, #tpu.memory_space<hbm>>
      %dma_start3A_36 = tpu.memref_squeeze %dma_start3A_35 : memref<1x1x1x1x16x128xi32, #tpu.memory_space<hbm>> -> memref<16x128xi32, #tpu.memory_space<hbm>>
      %dma_start3A_37 = arith.constant 0 : i32
      %dma_start3A_38 = arith.constant 0 : i32
      %dma_start3A_39 = tpu.memref_slice %arg7[%run_scoped3A_19, %dma_start3A_37, %dma_start3A_38] : memref<5x16x128xi32, #tpu.memory_space<vmem>> -> memref<1x16x128xi32, #tpu.memory_space<vmem>>
      %dma_start3A_40 = tpu.memref_squeeze %dma_start3A_39 : memref<1x16x128xi32, #tpu.memory_space<vmem>> -> memref<16x128xi32, #tpu.memory_space<vmem>>
      %dma_start3A_41 = arith.constant 0 : i32
      %dma_start3A_42 = arith.constant 0 : i32
      %dma_start3A_43 = tpu.memref_slice %arg2[%arg0, %arg1, %run_scoped3A_17, %run_scoped3A_18, %dma_start3A_41, %dma_start3A_42] : memref<2x16x5x2x16x128xi32, #tpu.memory_space<hbm>> -> memref<1x1x1x1x16x128xi32, #tpu.memory_space<hbm>>
      %dma_start3A_44 = tpu.memref_squeeze %dma_start3A_43 : memref<1x1x1x1x16x128xi32, #tpu.memory_space<hbm>> -> memref<16x128xi32, #tpu.memory_space<hbm>>
      tpu.enqueue_dma source(%dma_start3A_44 : memref<16x128xi32, #tpu.memory_space<hbm>>) target(%dma_start3A_40 : memref<16x128xi32, #tpu.memory_space<vmem>>) target_semaphore(%run_scoped3A_29 : memref<!tpu.dma_semaphore, #tpu.memory_space<semaphore_mem>>)
      %dma_wait3A = arith.constant 0 : i32
      %dma_wait3A_45 = arith.constant 0 : i32
      %dma_wait3A_46 = tpu.memref_slice %arg7[%run_scoped3A_19, %dma_wait3A, %dma_wait3A_45] : memref<5x16x128xi32, #tpu.memory_space<vmem>> -> memref<1x16x128xi32, #tpu.memory_space<vmem>>
      %dma_wait3A_47 = tpu.memref_squeeze %dma_wait3A_46 : memref<1x16x128xi32, #tpu.memory_space<vmem>> -> memref<16x128xi32, #tpu.memory_space<vmem>>
      %dma_wait3A_48 = arith.constant 0 : i32
      %dma_wait3A_49 = arith.constant 0 : i32
      %dma_wait3A_50 = tpu.memref_slice %arg2[%arg0, %arg1, %run_scoped3A_17, %run_scoped3A_18, %dma_wait3A_48, %dma_wait3A_49] : memref<2x16x5x2x16x128xi32, #tpu.memory_space<hbm>> -> memref<1x1x1x1x16x128xi32, #tpu.memory_space<hbm>>
      %dma_wait3A_51 = tpu.memref_squeeze %dma_wait3A_50 : memref<1x1x1x1x16x128xi32, #tpu.memory_space<hbm>> -> memref<16x128xi32, #tpu.memory_space<hbm>>
      %dma_wait3A_52 = arith.constant 0 : i32
      %dma_wait3A_53 = arith.constant 0 : i32
      %dma_wait3A_54 = tpu.memref_slice %arg7[%run_scoped3A_19, %dma_wait3A_52, %dma_wait3A_53] : memref<5x16x128xi32, #tpu.memory_space<vmem>> -> memref<1x16x128xi32, #tpu.memory_space<vmem>>
      %dma_wait3A_55 = tpu.memref_squeeze %dma_wait3A_54 : memref<1x16x128xi32, #tpu.memory_space<vmem>> -> memref<16x128xi32, #tpu.memory_space<vmem>>
      %dma_wait3A_56 = arith.constant 0 : i32
      %dma_wait3A_57 = arith.constant 0 : i32
      %dma_wait3A_58 = tpu.memref_slice %arg2[%arg0, %arg1, %run_scoped3A_17, %run_scoped3A_18, %dma_wait3A_56, %dma_wait3A_57] : memref<2x16x5x2x16x128xi32, #tpu.memory_space<hbm>> -> memref<1x1x1x1x16x128xi32, #tpu.memory_space<hbm>>
      %dma_wait3A_59 = tpu.memref_squeeze %dma_wait3A_58 : memref<1x1x1x1x16x128xi32, #tpu.memory_space<hbm>> -> memref<16x128xi32, #tpu.memory_space<hbm>>
      tpu.wait_dma2 semaphore(%run_scoped3A_29 : memref<!tpu.dma_semaphore, #tpu.memory_space<semaphore_mem>>) src(%dma_wait3A_59 : memref<16x128xi32, #tpu.memory_space<hbm>>) dst(%dma_wait3A_55 : memref<16x128xi32, #tpu.memory_space<vmem>>)
      tpu.yield
    }) : () -> ()
    "tpu.region"() ({
      %run_scoped3A_29 = tpu.sem_alloc : memref<!tpu.dma_semaphore, #tpu.memory_space<semaphore_mem>>
      tpu.enqueue_dma source(%arg3 : memref<128x128xf32, #tpu.memory_space<hbm>>) target(%arg8 : memref<128x128xf32, #tpu.memory_space<vmem>>) target_semaphore(%run_scoped3A_29 : memref<!tpu.dma_semaphore, #tpu.memory_space<semaphore_mem>>)
      tpu.wait_dma2 semaphore(%run_scoped3A_29 : memref<!tpu.dma_semaphore, #tpu.memory_space<semaphore_mem>>) src(%arg3 : memref<128x128xf32, #tpu.memory_space<hbm>>) dst(%arg8 : memref<128x128xf32, #tpu.memory_space<vmem>>)
      tpu.yield
    }) : () -> ()
    %barrier3A = arith.constant 0 : index
    tpu.barrier barrier_id(%barrier3A)
    %scan3A = arith.constant 0 : i32
    %scan3A_20 = arith.constant 0 : i32
    %scan3A_21 = arith.constant 5 : i32
    %scan3A_22 = arith.addi %scan3A_20, %scan3A_21 : i32
    %scan3A_23 = arith.constant 1 : i32
    scf.for %scan3A_29 = %scan3A_20 to %scan3A_22 step %scan3A_23  : i32 {
      %scan3A_30 = arith.constant 0 : i32
      %scan3A_31 = arith.constant 16 : i32
      %scan3A_32 = arith.addi %scan3A_30, %scan3A_31 : i32
      %scan3A_33 = arith.constant 1 : i32
      scf.for %scan3A_40 = %scan3A_30 to %scan3A_32 step %scan3A_33  : i32 {
        %dma_start3A = arith.constant 0 : i32
        %dma_start3A_41 = tpu.memref_slice %arg7[%scan3A_29, %scan3A_40, %dma_start3A] : memref<5x16x128xi32, #tpu.memory_space<vmem>> -> memref<1x1x128xi32, #tpu.memory_space<vmem>>
        %dma_start3A_42 = tpu.memref_squeeze %dma_start3A_41 : memref<1x1x128xi32, #tpu.memory_space<vmem>> -> memref<128xi32, #tpu.memory_space<vmem>>
        %dma_start3A_43 = arith.constant 0 : i32
        %dma_start3A_44 = arith.constant 0 : i32
        %dma_start3A_45 = tpu.memref_slice %arg9[%dma_start3A_43, %dma_start3A_44] : memref<10240x128xf32, #tpu.memory_space<vmem_shared>> -> memref<10240x128xf32, #tpu.memory_space<vmem_shared>>
        tpu.enqueue_indirect_dma source(%arg8 : memref<128x128xf32, #tpu.memory_space<vmem>>) target(%dma_start3A_45 : memref<10240x128xf32, #tpu.memory_space<vmem_shared>>) offsets(%dma_start3A_42 : memref<128xi32, #tpu.memory_space<vmem>>) semaphore(%arg10 : memref<!tpu.dma_semaphore, #tpu.memory_space<semaphore_mem>>) {add = true}
      }
      %scan3A_34 = arith.constant 16 : i32
      %scan3A_35 = arith.constant 0 : i32
      %scan3A_36 = arith.constant 16 : i32
      %scan3A_37 = arith.addi %scan3A_35, %scan3A_36 : i32
      %scan3A_38 = arith.constant 1 : i32
      scf.for %scan3A_40 = %scan3A_35 to %scan3A_37 step %scan3A_38  : i32 {
        %dma_wait3A = arith.constant 0 : i32
        %dma_wait3A_41 = tpu.memref_slice %arg7[%scan3A_29, %scan3A_40, %dma_wait3A] : memref<5x16x128xi32, #tpu.memory_space<vmem>> -> memref<1x1x128xi32, #tpu.memory_space<vmem>>
        %dma_wait3A_42 = tpu.memref_squeeze %dma_wait3A_41 : memref<1x1x128xi32, #tpu.memory_space<vmem>> -> memref<128xi32, #tpu.memory_space<vmem>>
        %dma_wait3A_43 = arith.constant 0 : i32
        %dma_wait3A_44 = arith.constant 0 : i32
        %dma_wait3A_45 = tpu.memref_slice %arg9[%dma_wait3A_43, %dma_wait3A_44] : memref<10240x128xf32, #tpu.memory_space<vmem_shared>> -> memref<10240x128xf32, #tpu.memory_space<vmem_shared>>
        tpu.wait_indirect_dma semaphore(%arg10 : memref<!tpu.dma_semaphore, #tpu.memory_space<semaphore_mem>>) src(%arg8 : memref<128x128xf32, #tpu.memory_space<vmem>>) dst(%dma_wait3A_45 : memref<10240x128xf32, #tpu.memory_space<vmem_shared>>)
      }
      %scan3A_39 = arith.constant 16 : i32
    }
    %scan3A_24 = arith.constant 5 : i32
    %barrier3A_25 = arith.constant 0 : index
    tpu.barrier barrier_id(%barrier3A_25)
    %mul3A = arith.constant 640 : i32
    %mul3A_26 = arith.muli %arg1, %mul3A : i32
    %mul3A_27 = arith.constant 640 : i32
    %mul3A_28 = arith.muli %arg1, %mul3A_27 : i32
    "tpu.region"() ({
      %run_scoped3A_29 = tpu.sem_alloc : memref<!tpu.dma_semaphore, #tpu.memory_space<semaphore_mem>>
      %dma_start3A = arith.constant 0 : i32
      %dma_start3A_30 = tpu.memref_slice %arg6[%arg0, %mul3A_28, %dma_start3A] : memref<2x10240x128xf32, #tpu.memory_space<hbm>> -> memref<1x640x128xf32, #tpu.memory_space<hbm>>
      %dma_start3A_31 = tpu.memref_squeeze %dma_start3A_30 : memref<1x640x128xf32, #tpu.memory_space<hbm>> -> memref<640x128xf32, #tpu.memory_space<hbm>>
      %dma_start3A_32 = arith.constant 0 : i32
      %dma_start3A_33 = tpu.memref_slice %arg9[%mul3A_26, %dma_start3A_32] : memref<10240x128xf32, #tpu.memory_space<vmem_shared>> -> memref<640x128xf32, #tpu.memory_space<vmem_shared>>
      tpu.enqueue_dma source(%dma_start3A_33 : memref<640x128xf32, #tpu.memory_space<vmem_shared>>) target(%dma_start3A_31 : memref<640x128xf32, #tpu.memory_space<hbm>>) target_semaphore(%run_scoped3A_29 : memref<!tpu.dma_semaphore, #tpu.memory_space<semaphore_mem>>)
      %dma_wait3A = arith.constant 0 : i32
      %dma_wait3A_34 = tpu.memref_slice %arg6[%arg0, %mul3A_28, %dma_wait3A] : memref<2x10240x128xf32, #tpu.memory_space<hbm>> -> memref<1x640x128xf32, #tpu.memory_space<hbm>>
      %dma_wait3A_35 = tpu.memref_squeeze %dma_wait3A_34 : memref<1x640x128xf32, #tpu.memory_space<hbm>> -> memref<640x128xf32, #tpu.memory_space<hbm>>
      %dma_wait3A_36 = arith.constant 0 : i32
      %dma_wait3A_37 = tpu.memref_slice %arg9[%mul3A_26, %dma_wait3A_36] : memref<10240x128xf32, #tpu.memory_space<vmem_shared>> -> memref<640x128xf32, #tpu.memory_space<vmem_shared>>
      tpu.wait_dma2 semaphore(%run_scoped3A_29 : memref<!tpu.dma_semaphore, #tpu.memory_space<semaphore_mem>>) src(%dma_wait3A_37 : memref<640x128xf32, #tpu.memory_space<vmem_shared>>) dst(%dma_wait3A_35 : memref<640x128xf32, #tpu.memory_space<hbm>>)
      tpu.yield
    }) : () -> ()
    return
  }
}

#map = affine_map<(d0, d1) -> (0, 0)>
#map1 = affine_map<(d0, d1) -> (0, 0, 0, 0, 0, 0)>
#map2 = affine_map<(d0, d1) -> (0, 0, 0)>
module attributes {stable_mosaic.version = 14 : i64} {
  func.func @_sc_agg_body(%arg0: i32, %arg1: i32, %arg2: memref<10240x128xf32, #tpu.memory_space<hbm>>, %arg3: memref<2x16x5x2x16x128xi32, #tpu.memory_space<hbm>>, %arg4: memref<10240x128xf32, #tpu.memory_space<hbm>>, %arg5: memref<2x10240x128xf32, #tpu.memory_space<hbm>>, %arg6: memref<2x2x16x128xi32, #tpu.memory_space<vmem>>, %arg7: memref<2x128x128xf32, #tpu.memory_space<vmem>>, %arg8: memref<10240x128xf32, #tpu.memory_space<vmem_shared>>, %arg9: memref<!tpu.dma_semaphore, #tpu.memory_space<semaphore_mem>>, %arg10: memref<!tpu.dma_semaphore, #tpu.memory_space<semaphore_mem>>, %arg11: memref<!tpu.dma_semaphore, #tpu.memory_space<semaphore_mem>>, %arg12: memref<!tpu.dma_semaphore, #tpu.memory_space<semaphore_mem>>, %arg13: memref<!tpu.dma_semaphore, #tpu.memory_space<semaphore_mem>>) attributes {dimension_semantics = [#tpu.dimension_semantics<core_parallel>, #tpu.dimension_semantics<subcore_parallel>], iteration_bounds = array<i64: 2, 16>, scalar_prefetch = 0 : i64, scratch_operands = 8 : i64, tpu.core_type = #tpu.core_type<sc_vector_subcore>, window_params = [{transform_indices = #map}, {transform_indices = #map1}, {transform_indices = #map}, {transform_indices = #map2}]} {
    %eq3A = arith.constant 0 : i32
    %eq3A_0 = arith.cmpi eq, %arg0, %eq3A : i32
    %convert_element_type3A = arith.extui %eq3A_0 : i1 to i32
    %cond3A = arith.constant 0 : i32
    %cond3A_1 = arith.cmpi ne, %convert_element_type3A, %cond3A : i32
    scf.if %cond3A_1 {
      %mul3A_16 = arith.constant 640 : i32
      %mul3A_17 = arith.muli %arg1, %mul3A_16 : i32
      %mul3A_18 = arith.constant 640 : i32
      %mul3A_19 = arith.muli %arg1, %mul3A_18 : i32
      "tpu.region"() ({
        %run_scoped3A_20 = tpu.sem_alloc : memref<!tpu.dma_semaphore, #tpu.memory_space<semaphore_mem>>
        %dma_start3A = arith.constant 0 : i32
        %dma_start3A_21 = tpu.memref_slice %arg8[%mul3A_19, %dma_start3A] : memref<10240x128xf32, #tpu.memory_space<vmem_shared>> -> memref<640x128xf32, #tpu.memory_space<vmem_shared>>
        %dma_start3A_22 = arith.constant 0 : i32
        %dma_start3A_23 = tpu.memref_slice %arg2[%mul3A_17, %dma_start3A_22] : memref<10240x128xf32, #tpu.memory_space<hbm>> -> memref<640x128xf32, #tpu.memory_space<hbm>>
        tpu.enqueue_dma source(%dma_start3A_23 : memref<640x128xf32, #tpu.memory_space<hbm>>) target(%dma_start3A_21 : memref<640x128xf32, #tpu.memory_space<vmem_shared>>) target_semaphore(%run_scoped3A_20 : memref<!tpu.dma_semaphore, #tpu.memory_space<semaphore_mem>>)
        %dma_wait3A = arith.constant 0 : i32
        %dma_wait3A_24 = tpu.memref_slice %arg8[%mul3A_19, %dma_wait3A] : memref<10240x128xf32, #tpu.memory_space<vmem_shared>> -> memref<640x128xf32, #tpu.memory_space<vmem_shared>>
        %dma_wait3A_25 = arith.constant 0 : i32
        %dma_wait3A_26 = tpu.memref_slice %arg2[%mul3A_17, %dma_wait3A_25] : memref<10240x128xf32, #tpu.memory_space<hbm>> -> memref<640x128xf32, #tpu.memory_space<hbm>>
        tpu.wait_dma2 semaphore(%run_scoped3A_20 : memref<!tpu.dma_semaphore, #tpu.memory_space<semaphore_mem>>) src(%dma_wait3A_26 : memref<640x128xf32, #tpu.memory_space<hbm>>) dst(%dma_wait3A_24 : memref<640x128xf32, #tpu.memory_space<vmem_shared>>)
        tpu.yield
      }) : () -> ()
    } else {
    }
    %ne3A = arith.constant 0 : i32
    %ne3A_2 = arith.cmpi ne, %arg0, %ne3A : i32
    %convert_element_type3A_3 = arith.extui %ne3A_2 : i1 to i32
    %cond3A_4 = arith.constant 0 : i32
    %cond3A_5 = arith.cmpi ne, %convert_element_type3A_3, %cond3A_4 : i32
    scf.if %cond3A_5 {
      %mul3A_16 = arith.constant 640 : i32
      %mul3A_17 = arith.muli %arg1, %mul3A_16 : i32
      %mul3A_18 = arith.constant 640 : i32
      %mul3A_19 = arith.muli %arg1, %mul3A_18 : i32
      "tpu.region"() ({
        %run_scoped3A_20 = tpu.sem_alloc : memref<!tpu.dma_semaphore, #tpu.memory_space<semaphore_mem>>
        %dma_start3A = arith.constant 0 : i32
        %dma_start3A_21 = tpu.memref_slice %arg8[%mul3A_19, %dma_start3A] : memref<10240x128xf32, #tpu.memory_space<vmem_shared>> -> memref<640x128xf32, #tpu.memory_space<vmem_shared>>
        %dma_start3A_22 = arith.constant 0 : i32
        %dma_start3A_23 = tpu.memref_slice %arg4[%mul3A_17, %dma_start3A_22] : memref<10240x128xf32, #tpu.memory_space<hbm>> -> memref<640x128xf32, #tpu.memory_space<hbm>>
        tpu.enqueue_dma source(%dma_start3A_23 : memref<640x128xf32, #tpu.memory_space<hbm>>) target(%dma_start3A_21 : memref<640x128xf32, #tpu.memory_space<vmem_shared>>) target_semaphore(%run_scoped3A_20 : memref<!tpu.dma_semaphore, #tpu.memory_space<semaphore_mem>>)
        %dma_wait3A = arith.constant 0 : i32
        %dma_wait3A_24 = tpu.memref_slice %arg8[%mul3A_19, %dma_wait3A] : memref<10240x128xf32, #tpu.memory_space<vmem_shared>> -> memref<640x128xf32, #tpu.memory_space<vmem_shared>>
        %dma_wait3A_25 = arith.constant 0 : i32
        %dma_wait3A_26 = tpu.memref_slice %arg4[%mul3A_17, %dma_wait3A_25] : memref<10240x128xf32, #tpu.memory_space<hbm>> -> memref<640x128xf32, #tpu.memory_space<hbm>>
        tpu.wait_dma2 semaphore(%run_scoped3A_20 : memref<!tpu.dma_semaphore, #tpu.memory_space<semaphore_mem>>) src(%dma_wait3A_26 : memref<640x128xf32, #tpu.memory_space<hbm>>) dst(%dma_wait3A_24 : memref<640x128xf32, #tpu.memory_space<vmem_shared>>)
        tpu.yield
      }) : () -> ()
    } else {
    }
    %run_scoped3A = arith.constant 0 : i32
    %run_scoped3A_6 = arith.constant 0 : i32
    "tpu.region"() ({
      %run_scoped3A_16 = tpu.sem_alloc : memref<!tpu.dma_semaphore, #tpu.memory_space<semaphore_mem>>
      %dma_start3A = arith.constant 0 : i32
      %dma_start3A_17 = arith.constant 0 : i32
      %dma_start3A_18 = arith.constant 0 : i32
      %dma_start3A_19 = tpu.memref_slice %arg6[%run_scoped3A_6, %dma_start3A, %dma_start3A_17, %dma_start3A_18] : memref<2x2x16x128xi32, #tpu.memory_space<vmem>> -> memref<1x2x16x128xi32, #tpu.memory_space<vmem>>
      %dma_start3A_20 = tpu.memref_squeeze %dma_start3A_19 : memref<1x2x16x128xi32, #tpu.memory_space<vmem>> -> memref<2x16x128xi32, #tpu.memory_space<vmem>>
      %dma_start3A_21 = arith.constant 0 : i32
      %dma_start3A_22 = arith.constant 0 : i32
      %dma_start3A_23 = arith.constant 0 : i32
      %dma_start3A_24 = tpu.memref_slice %arg3[%arg0, %arg1, %run_scoped3A, %dma_start3A_21, %dma_start3A_22, %dma_start3A_23] : memref<2x16x5x2x16x128xi32, #tpu.memory_space<hbm>> -> memref<1x1x1x2x16x128xi32, #tpu.memory_space<hbm>>
      %dma_start3A_25 = tpu.memref_squeeze %dma_start3A_24 : memref<1x1x1x2x16x128xi32, #tpu.memory_space<hbm>> -> memref<2x16x128xi32, #tpu.memory_space<hbm>>
      %dma_start3A_26 = arith.constant 0 : i32
      %dma_start3A_27 = arith.constant 0 : i32
      %dma_start3A_28 = arith.constant 0 : i32
      %dma_start3A_29 = tpu.memref_slice %arg6[%run_scoped3A_6, %dma_start3A_26, %dma_start3A_27, %dma_start3A_28] : memref<2x2x16x128xi32, #tpu.memory_space<vmem>> -> memref<1x2x16x128xi32, #tpu.memory_space<vmem>>
      %dma_start3A_30 = tpu.memref_squeeze %dma_start3A_29 : memref<1x2x16x128xi32, #tpu.memory_space<vmem>> -> memref<2x16x128xi32, #tpu.memory_space<vmem>>
      %dma_start3A_31 = arith.constant 0 : i32
      %dma_start3A_32 = arith.constant 0 : i32
      %dma_start3A_33 = arith.constant 0 : i32
      %dma_start3A_34 = tpu.memref_slice %arg3[%arg0, %arg1, %run_scoped3A, %dma_start3A_31, %dma_start3A_32, %dma_start3A_33] : memref<2x16x5x2x16x128xi32, #tpu.memory_space<hbm>> -> memref<1x1x1x2x16x128xi32, #tpu.memory_space<hbm>>
      %dma_start3A_35 = tpu.memref_squeeze %dma_start3A_34 : memref<1x1x1x2x16x128xi32, #tpu.memory_space<hbm>> -> memref<2x16x128xi32, #tpu.memory_space<hbm>>
      tpu.enqueue_dma source(%dma_start3A_35 : memref<2x16x128xi32, #tpu.memory_space<hbm>>) target(%dma_start3A_30 : memref<2x16x128xi32, #tpu.memory_space<vmem>>) target_semaphore(%run_scoped3A_16 : memref<!tpu.dma_semaphore, #tpu.memory_space<semaphore_mem>>)
      %dma_wait3A = arith.constant 0 : i32
      %dma_wait3A_36 = arith.constant 0 : i32
      %dma_wait3A_37 = arith.constant 0 : i32
      %dma_wait3A_38 = tpu.memref_slice %arg6[%run_scoped3A_6, %dma_wait3A, %dma_wait3A_36, %dma_wait3A_37] : memref<2x2x16x128xi32, #tpu.memory_space<vmem>> -> memref<1x2x16x128xi32, #tpu.memory_space<vmem>>
      %dma_wait3A_39 = tpu.memref_squeeze %dma_wait3A_38 : memref<1x2x16x128xi32, #tpu.memory_space<vmem>> -> memref<2x16x128xi32, #tpu.memory_space<vmem>>
      %dma_wait3A_40 = arith.constant 0 : i32
      %dma_wait3A_41 = arith.constant 0 : i32
      %dma_wait3A_42 = arith.constant 0 : i32
      %dma_wait3A_43 = tpu.memref_slice %arg3[%arg0, %arg1, %run_scoped3A, %dma_wait3A_40, %dma_wait3A_41, %dma_wait3A_42] : memref<2x16x5x2x16x128xi32, #tpu.memory_space<hbm>> -> memref<1x1x1x2x16x128xi32, #tpu.memory_space<hbm>>
      %dma_wait3A_44 = tpu.memref_squeeze %dma_wait3A_43 : memref<1x1x1x2x16x128xi32, #tpu.memory_space<hbm>> -> memref<2x16x128xi32, #tpu.memory_space<hbm>>
      %dma_wait3A_45 = arith.constant 0 : i32
      %dma_wait3A_46 = arith.constant 0 : i32
      %dma_wait3A_47 = arith.constant 0 : i32
      %dma_wait3A_48 = tpu.memref_slice %arg6[%run_scoped3A_6, %dma_wait3A_45, %dma_wait3A_46, %dma_wait3A_47] : memref<2x2x16x128xi32, #tpu.memory_space<vmem>> -> memref<1x2x16x128xi32, #tpu.memory_space<vmem>>
      %dma_wait3A_49 = tpu.memref_squeeze %dma_wait3A_48 : memref<1x2x16x128xi32, #tpu.memory_space<vmem>> -> memref<2x16x128xi32, #tpu.memory_space<vmem>>
      %dma_wait3A_50 = arith.constant 0 : i32
      %dma_wait3A_51 = arith.constant 0 : i32
      %dma_wait3A_52 = arith.constant 0 : i32
      %dma_wait3A_53 = tpu.memref_slice %arg3[%arg0, %arg1, %run_scoped3A, %dma_wait3A_50, %dma_wait3A_51, %dma_wait3A_52] : memref<2x16x5x2x16x128xi32, #tpu.memory_space<hbm>> -> memref<1x1x1x2x16x128xi32, #tpu.memory_space<hbm>>
      %dma_wait3A_54 = tpu.memref_squeeze %dma_wait3A_53 : memref<1x1x1x2x16x128xi32, #tpu.memory_space<hbm>> -> memref<2x16x128xi32, #tpu.memory_space<hbm>>
      tpu.wait_dma2 semaphore(%run_scoped3A_16 : memref<!tpu.dma_semaphore, #tpu.memory_space<semaphore_mem>>) src(%dma_wait3A_54 : memref<2x16x128xi32, #tpu.memory_space<hbm>>) dst(%dma_wait3A_49 : memref<2x16x128xi32, #tpu.memory_space<vmem>>)
      tpu.yield
    }) : () -> ()
    %barrier3A = arith.constant 0 : index
    tpu.barrier barrier_id(%barrier3A)
    %scan3A = arith.constant 0 : i32
    %scan3A_7 = arith.constant 0 : i32
    %scan3A_8 = arith.constant 5 : i32
    %scan3A_9 = arith.addi %scan3A_7, %scan3A_8 : i32
    %scan3A_10 = arith.constant 1 : i32
    scf.for %scan3A_16 = %scan3A_7 to %scan3A_9 step %scan3A_10  : i32 {
      %rem3A = arith.constant 2 : i32
      %rem3A_17 = arith.remsi %scan3A_16, %rem3A : i32
      %sub3A = arith.constant 1 : i32
      %sub3A_18 = arith.subi %sub3A, %rem3A_17 : i32
      %lt3A = arith.constant 4 : i32
      %lt3A_19 = arith.cmpi slt, %scan3A_16, %lt3A : i32
      %convert_element_type3A_20 = arith.extui %lt3A_19 : i1 to i32
      %cond3A_21 = arith.constant 0 : i32
      %cond3A_22 = arith.cmpi ne, %convert_element_type3A_20, %cond3A_21 : i32
      scf.if %cond3A_22 {
        %add3A = arith.constant 1 : i32
        %add3A_84 = arith.addi %scan3A_16, %add3A : i32
        %dma_start3A_85 = arith.constant 0 : i32
        %dma_start3A_86 = arith.constant 0 : i32
        %dma_start3A_87 = arith.constant 0 : i32
        %dma_start3A_88 = tpu.memref_slice %arg6[%sub3A_18, %dma_start3A_85, %dma_start3A_86, %dma_start3A_87] : memref<2x2x16x128xi32, #tpu.memory_space<vmem>> -> memref<1x2x16x128xi32, #tpu.memory_space<vmem>>
        %dma_start3A_89 = tpu.memref_squeeze %dma_start3A_88 : memref<1x2x16x128xi32, #tpu.memory_space<vmem>> -> memref<2x16x128xi32, #tpu.memory_space<vmem>>
        %dma_start3A_90 = arith.constant 0 : i32
        %dma_start3A_91 = arith.constant 0 : i32
        %dma_start3A_92 = arith.constant 0 : i32
        %dma_start3A_93 = tpu.memref_slice %arg3[%arg0, %arg1, %add3A_84, %dma_start3A_90, %dma_start3A_91, %dma_start3A_92] : memref<2x16x5x2x16x128xi32, #tpu.memory_space<hbm>> -> memref<1x1x1x2x16x128xi32, #tpu.memory_space<hbm>>
        %dma_start3A_94 = tpu.memref_squeeze %dma_start3A_93 : memref<1x1x1x2x16x128xi32, #tpu.memory_space<hbm>> -> memref<2x16x128xi32, #tpu.memory_space<hbm>>
        %dma_start3A_95 = arith.constant 0 : i32
        %dma_start3A_96 = arith.constant 0 : i32
        %dma_start3A_97 = arith.constant 0 : i32
        %dma_start3A_98 = tpu.memref_slice %arg6[%sub3A_18, %dma_start3A_95, %dma_start3A_96, %dma_start3A_97] : memref<2x2x16x128xi32, #tpu.memory_space<vmem>> -> memref<1x2x16x128xi32, #tpu.memory_space<vmem>>
        %dma_start3A_99 = tpu.memref_squeeze %dma_start3A_98 : memref<1x2x16x128xi32, #tpu.memory_space<vmem>> -> memref<2x16x128xi32, #tpu.memory_space<vmem>>
        %dma_start3A_100 = arith.constant 0 : i32
        %dma_start3A_101 = arith.constant 0 : i32
        %dma_start3A_102 = arith.constant 0 : i32
        %dma_start3A_103 = tpu.memref_slice %arg3[%arg0, %arg1, %add3A_84, %dma_start3A_100, %dma_start3A_101, %dma_start3A_102] : memref<2x16x5x2x16x128xi32, #tpu.memory_space<hbm>> -> memref<1x1x1x2x16x128xi32, #tpu.memory_space<hbm>>
        %dma_start3A_104 = tpu.memref_squeeze %dma_start3A_103 : memref<1x1x1x2x16x128xi32, #tpu.memory_space<hbm>> -> memref<2x16x128xi32, #tpu.memory_space<hbm>>
        tpu.enqueue_dma source(%dma_start3A_104 : memref<2x16x128xi32, #tpu.memory_space<hbm>>) target(%dma_start3A_99 : memref<2x16x128xi32, #tpu.memory_space<vmem>>) target_semaphore(%arg9 : memref<!tpu.dma_semaphore, #tpu.memory_space<semaphore_mem>>)
      } else {
      }
      %dma_start3A = arith.constant 0 : i32
      %dma_start3A_23 = arith.constant 0 : i32
      %dma_start3A_24 = arith.constant 0 : i32
      %dma_start3A_25 = arith.constant 0 : i32
      %dma_start3A_26 = arith.constant 0 : i32
      %dma_start3A_27 = tpu.memref_slice %arg7[%dma_start3A_24, %dma_start3A_25, %dma_start3A_26] : memref<2x128x128xf32, #tpu.memory_space<vmem>> -> memref<1x64x128xf32, #tpu.memory_space<vmem>>
      %dma_start3A_28 = tpu.memref_squeeze %dma_start3A_27 : memref<1x64x128xf32, #tpu.memory_space<vmem>> -> memref<64x128xf32, #tpu.memory_space<vmem>>
      %dma_start3A_29 = arith.constant 0 : i32
      %dma_start3A_30 = tpu.memref_slice %arg6[%rem3A_17, %dma_start3A, %dma_start3A_23, %dma_start3A_29] : memref<2x2x16x128xi32, #tpu.memory_space<vmem>> -> memref<1x1x1x64xi32, #tpu.memory_space<vmem>>
      %dma_start3A_31 = tpu.memref_squeeze %dma_start3A_30 : memref<1x1x1x64xi32, #tpu.memory_space<vmem>> -> memref<64xi32, #tpu.memory_space<vmem>>
      %dma_start3A_32 = arith.constant 0 : i32
      %dma_start3A_33 = arith.constant 0 : i32
      %dma_start3A_34 = tpu.memref_slice %arg2[%dma_start3A_32, %dma_start3A_33] : memref<10240x128xf32, #tpu.memory_space<hbm>> -> memref<10240x128xf32, #tpu.memory_space<hbm>>
      tpu.enqueue_indirect_dma source(%dma_start3A_34 : memref<10240x128xf32, #tpu.memory_space<hbm>>) target(%dma_start3A_28 : memref<64x128xf32, #tpu.memory_space<vmem>>) offsets(%dma_start3A_31 : memref<64xi32, #tpu.memory_space<vmem>>) semaphore(%arg10 : memref<!tpu.dma_semaphore, #tpu.memory_space<semaphore_mem>>)
      %dma_start3A_35 = arith.constant 0 : i32
      %dma_start3A_36 = arith.constant 0 : i32
      %dma_start3A_37 = arith.constant 0 : i32
      %dma_start3A_38 = arith.constant 64 : i32
      %dma_start3A_39 = arith.constant 0 : i32
      %dma_start3A_40 = tpu.memref_slice %arg7[%dma_start3A_37, %dma_start3A_38, %dma_start3A_39] : memref<2x128x128xf32, #tpu.memory_space<vmem>> -> memref<1x64x128xf32, #tpu.memory_space<vmem>>
      %dma_start3A_41 = tpu.memref_squeeze %dma_start3A_40 : memref<1x64x128xf32, #tpu.memory_space<vmem>> -> memref<64x128xf32, #tpu.memory_space<vmem>>
      %dma_start3A_42 = arith.constant 64 : i32
      %dma_start3A_43 = tpu.memref_slice %arg6[%rem3A_17, %dma_start3A_35, %dma_start3A_36, %dma_start3A_42] : memref<2x2x16x128xi32, #tpu.memory_space<vmem>> -> memref<1x1x1x64xi32, #tpu.memory_space<vmem>>
      %dma_start3A_44 = tpu.memref_squeeze %dma_start3A_43 : memref<1x1x1x64xi32, #tpu.memory_space<vmem>> -> memref<64xi32, #tpu.memory_space<vmem>>
      %dma_start3A_45 = arith.constant 0 : i32
      %dma_start3A_46 = arith.constant 0 : i32
      %dma_start3A_47 = tpu.memref_slice %arg2[%dma_start3A_45, %dma_start3A_46] : memref<10240x128xf32, #tpu.memory_space<hbm>> -> memref<10240x128xf32, #tpu.memory_space<hbm>>
      tpu.enqueue_indirect_dma source(%dma_start3A_47 : memref<10240x128xf32, #tpu.memory_space<hbm>>) target(%dma_start3A_41 : memref<64x128xf32, #tpu.memory_space<vmem>>) offsets(%dma_start3A_44 : memref<64xi32, #tpu.memory_space<vmem>>) semaphore(%arg10 : memref<!tpu.dma_semaphore, #tpu.memory_space<semaphore_mem>>)
      %scan3A_48 = arith.constant 0 : i32
      %scan3A_49 = arith.constant 0 : i32
      %scan3A_50 = arith.constant 8 : i32
      %scan3A_51 = arith.addi %scan3A_49, %scan3A_50 : i32
      %scan3A_52 = arith.constant 1 : i32
      scf.for %scan3A_84 = %scan3A_49 to %scan3A_51 step %scan3A_52  : i32 {
        %mul3A_85 = arith.constant 2 : i32
        %mul3A_86 = arith.muli %mul3A_85, %scan3A_84 : i32
        %add3A = arith.constant 1 : i32
        %add3A_87 = arith.addi %mul3A_86, %add3A : i32
        %dma_start3A_88 = arith.constant 0 : i32
        %dma_start3A_89 = arith.constant 1 : i32
        %dma_start3A_90 = arith.constant 0 : i32
        %dma_start3A_91 = arith.constant 0 : i32
        %dma_start3A_92 = tpu.memref_slice %arg7[%dma_start3A_89, %dma_start3A_90, %dma_start3A_91] : memref<2x128x128xf32, #tpu.memory_space<vmem>> -> memref<1x64x128xf32, #tpu.memory_space<vmem>>
        %dma_start3A_93 = tpu.memref_squeeze %dma_start3A_92 : memref<1x64x128xf32, #tpu.memory_space<vmem>> -> memref<64x128xf32, #tpu.memory_space<vmem>>
        %dma_start3A_94 = arith.constant 0 : i32
        %dma_start3A_95 = tpu.memref_slice %arg6[%rem3A_17, %dma_start3A_88, %add3A_87, %dma_start3A_94] : memref<2x2x16x128xi32, #tpu.memory_space<vmem>> -> memref<1x1x1x64xi32, #tpu.memory_space<vmem>>
        %dma_start3A_96 = tpu.memref_squeeze %dma_start3A_95 : memref<1x1x1x64xi32, #tpu.memory_space<vmem>> -> memref<64xi32, #tpu.memory_space<vmem>>
        %dma_start3A_97 = arith.constant 0 : i32
        %dma_start3A_98 = arith.constant 0 : i32
        %dma_start3A_99 = tpu.memref_slice %arg2[%dma_start3A_97, %dma_start3A_98] : memref<10240x128xf32, #tpu.memory_space<hbm>> -> memref<10240x128xf32, #tpu.memory_space<hbm>>
        tpu.enqueue_indirect_dma source(%dma_start3A_99 : memref<10240x128xf32, #tpu.memory_space<hbm>>) target(%dma_start3A_93 : memref<64x128xf32, #tpu.memory_space<vmem>>) offsets(%dma_start3A_96 : memref<64xi32, #tpu.memory_space<vmem>>) semaphore(%arg11 : memref<!tpu.dma_semaphore, #tpu.memory_space<semaphore_mem>>)
        %dma_start3A_100 = arith.constant 0 : i32
        %dma_start3A_101 = arith.constant 1 : i32
        %dma_start3A_102 = arith.constant 64 : i32
        %dma_start3A_103 = arith.constant 0 : i32
        %dma_start3A_104 = tpu.memref_slice %arg7[%dma_start3A_101, %dma_start3A_102, %dma_start3A_103] : memref<2x128x128xf32, #tpu.memory_space<vmem>> -> memref<1x64x128xf32, #tpu.memory_space<vmem>>
        %dma_start3A_105 = tpu.memref_squeeze %dma_start3A_104 : memref<1x64x128xf32, #tpu.memory_space<vmem>> -> memref<64x128xf32, #tpu.memory_space<vmem>>
        %dma_start3A_106 = arith.constant 64 : i32
        %dma_start3A_107 = tpu.memref_slice %arg6[%rem3A_17, %dma_start3A_100, %add3A_87, %dma_start3A_106] : memref<2x2x16x128xi32, #tpu.memory_space<vmem>> -> memref<1x1x1x64xi32, #tpu.memory_space<vmem>>
        %dma_start3A_108 = tpu.memref_squeeze %dma_start3A_107 : memref<1x1x1x64xi32, #tpu.memory_space<vmem>> -> memref<64xi32, #tpu.memory_space<vmem>>
        %dma_start3A_109 = arith.constant 0 : i32
        %dma_start3A_110 = arith.constant 0 : i32
        %dma_start3A_111 = tpu.memref_slice %arg2[%dma_start3A_109, %dma_start3A_110] : memref<10240x128xf32, #tpu.memory_space<hbm>> -> memref<10240x128xf32, #tpu.memory_space<hbm>>
        tpu.enqueue_indirect_dma source(%dma_start3A_111 : memref<10240x128xf32, #tpu.memory_space<hbm>>) target(%dma_start3A_105 : memref<64x128xf32, #tpu.memory_space<vmem>>) offsets(%dma_start3A_108 : memref<64xi32, #tpu.memory_space<vmem>>) semaphore(%arg11 : memref<!tpu.dma_semaphore, #tpu.memory_space<semaphore_mem>>)
        %dma_wait3A_112 = arith.constant 0 : i32
        %dma_wait3A_113 = arith.constant 0 : i32
        %dma_wait3A_114 = arith.constant 0 : i32
        %dma_wait3A_115 = arith.constant 0 : i32
        %dma_wait3A_116 = tpu.memref_slice %arg7[%dma_wait3A_113, %dma_wait3A_114, %dma_wait3A_115] : memref<2x128x128xf32, #tpu.memory_space<vmem>> -> memref<1x64x128xf32, #tpu.memory_space<vmem>>
        %dma_wait3A_117 = tpu.memref_squeeze %dma_wait3A_116 : memref<1x64x128xf32, #tpu.memory_space<vmem>> -> memref<64x128xf32, #tpu.memory_space<vmem>>
        %dma_wait3A_118 = arith.constant 0 : i32
        %dma_wait3A_119 = tpu.memref_slice %arg6[%rem3A_17, %dma_wait3A_112, %mul3A_86, %dma_wait3A_118] : memref<2x2x16x128xi32, #tpu.memory_space<vmem>> -> memref<1x1x1x64xi32, #tpu.memory_space<vmem>>
        %dma_wait3A_120 = tpu.memref_squeeze %dma_wait3A_119 : memref<1x1x1x64xi32, #tpu.memory_space<vmem>> -> memref<64xi32, #tpu.memory_space<vmem>>
        %dma_wait3A_121 = arith.constant 0 : i32
        %dma_wait3A_122 = arith.constant 0 : i32
        %dma_wait3A_123 = tpu.memref_slice %arg2[%dma_wait3A_121, %dma_wait3A_122] : memref<10240x128xf32, #tpu.memory_space<hbm>> -> memref<10240x128xf32, #tpu.memory_space<hbm>>
        tpu.wait_indirect_dma semaphore(%arg10 : memref<!tpu.dma_semaphore, #tpu.memory_space<semaphore_mem>>) src(%dma_wait3A_123 : memref<10240x128xf32, #tpu.memory_space<hbm>>) dst(%dma_wait3A_117 : memref<64x128xf32, #tpu.memory_space<vmem>>)
        %dma_wait3A_124 = arith.constant 0 : i32
        %dma_wait3A_125 = arith.constant 0 : i32
        %dma_wait3A_126 = arith.constant 64 : i32
        %dma_wait3A_127 = arith.constant 0 : i32
        %dma_wait3A_128 = tpu.memref_slice %arg7[%dma_wait3A_125, %dma_wait3A_126, %dma_wait3A_127] : memref<2x128x128xf32, #tpu.memory_space<vmem>> -> memref<1x64x128xf32, #tpu.memory_space<vmem>>
        %dma_wait3A_129 = tpu.memref_squeeze %dma_wait3A_128 : memref<1x64x128xf32, #tpu.memory_space<vmem>> -> memref<64x128xf32, #tpu.memory_space<vmem>>
        %dma_wait3A_130 = arith.constant 64 : i32
        %dma_wait3A_131 = tpu.memref_slice %arg6[%rem3A_17, %dma_wait3A_124, %mul3A_86, %dma_wait3A_130] : memref<2x2x16x128xi32, #tpu.memory_space<vmem>> -> memref<1x1x1x64xi32, #tpu.memory_space<vmem>>
        %dma_wait3A_132 = tpu.memref_squeeze %dma_wait3A_131 : memref<1x1x1x64xi32, #tpu.memory_space<vmem>> -> memref<64xi32, #tpu.memory_space<vmem>>
        %dma_wait3A_133 = arith.constant 0 : i32
        %dma_wait3A_134 = arith.constant 0 : i32
        %dma_wait3A_135 = tpu.memref_slice %arg2[%dma_wait3A_133, %dma_wait3A_134] : memref<10240x128xf32, #tpu.memory_space<hbm>> -> memref<10240x128xf32, #tpu.memory_space<hbm>>
        tpu.wait_indirect_dma semaphore(%arg10 : memref<!tpu.dma_semaphore, #tpu.memory_space<semaphore_mem>>) src(%dma_wait3A_135 : memref<10240x128xf32, #tpu.memory_space<hbm>>) dst(%dma_wait3A_129 : memref<64x128xf32, #tpu.memory_space<vmem>>)
        %dma_start3A_136 = arith.constant 0 : i32
        %dma_start3A_137 = arith.constant 1 : i32
        %dma_start3A_138 = arith.constant 0 : i32
        %dma_start3A_139 = arith.constant 0 : i32
        %dma_start3A_140 = tpu.memref_slice %arg7[%dma_start3A_136, %dma_start3A_138, %dma_start3A_139] : memref<2x128x128xf32, #tpu.memory_space<vmem>> -> memref<1x128x128xf32, #tpu.memory_space<vmem>>
        %dma_start3A_141 = tpu.memref_squeeze %dma_start3A_140 : memref<1x128x128xf32, #tpu.memory_space<vmem>> -> memref<128x128xf32, #tpu.memory_space<vmem>>
        %dma_start3A_142 = arith.constant 0 : i32
        %dma_start3A_143 = tpu.memref_slice %arg6[%rem3A_17, %dma_start3A_137, %mul3A_86, %dma_start3A_142] : memref<2x2x16x128xi32, #tpu.memory_space<vmem>> -> memref<1x1x1x128xi32, #tpu.memory_space<vmem>>
        %dma_start3A_144 = tpu.memref_squeeze %dma_start3A_143 : memref<1x1x1x128xi32, #tpu.memory_space<vmem>> -> memref<128xi32, #tpu.memory_space<vmem>>
        %dma_start3A_145 = arith.constant 0 : i32
        %dma_start3A_146 = arith.constant 0 : i32
        %dma_start3A_147 = tpu.memref_slice %arg8[%dma_start3A_145, %dma_start3A_146] : memref<10240x128xf32, #tpu.memory_space<vmem_shared>> -> memref<10240x128xf32, #tpu.memory_space<vmem_shared>>
        tpu.enqueue_indirect_dma source(%dma_start3A_141 : memref<128x128xf32, #tpu.memory_space<vmem>>) target(%dma_start3A_147 : memref<10240x128xf32, #tpu.memory_space<vmem_shared>>) offsets(%dma_start3A_144 : memref<128xi32, #tpu.memory_space<vmem>>) semaphore(%arg12 : memref<!tpu.dma_semaphore, #tpu.memory_space<semaphore_mem>>) {add = true}
        %lt3A_148 = arith.constant 7 : i32
        %lt3A_149 = arith.cmpi slt, %scan3A_84, %lt3A_148 : i32
        %convert_element_type3A_150 = arith.extui %lt3A_149 : i1 to i32
        %cond3A_151 = arith.constant 0 : i32
        %cond3A_152 = arith.cmpi ne, %convert_element_type3A_150, %cond3A_151 : i32
        scf.if %cond3A_152 {
          %dma_wait3A_194 = arith.constant 0 : i32
          %dma_wait3A_195 = arith.constant 1 : i32
          %dma_wait3A_196 = arith.constant 0 : i32
          %dma_wait3A_197 = arith.constant 0 : i32
          %dma_wait3A_198 = tpu.memref_slice %arg7[%dma_wait3A_194, %dma_wait3A_196, %dma_wait3A_197] : memref<2x128x128xf32, #tpu.memory_space<vmem>> -> memref<1x128x128xf32, #tpu.memory_space<vmem>>
          %dma_wait3A_199 = tpu.memref_squeeze %dma_wait3A_198 : memref<1x128x128xf32, #tpu.memory_space<vmem>> -> memref<128x128xf32, #tpu.memory_space<vmem>>
          %dma_wait3A_200 = arith.constant 0 : i32
          %dma_wait3A_201 = tpu.memref_slice %arg6[%rem3A_17, %dma_wait3A_195, %mul3A_86, %dma_wait3A_200] : memref<2x2x16x128xi32, #tpu.memory_space<vmem>> -> memref<1x1x1x128xi32, #tpu.memory_space<vmem>>
          %dma_wait3A_202 = tpu.memref_squeeze %dma_wait3A_201 : memref<1x1x1x128xi32, #tpu.memory_space<vmem>> -> memref<128xi32, #tpu.memory_space<vmem>>
          %dma_wait3A_203 = arith.constant 0 : i32
          %dma_wait3A_204 = arith.constant 0 : i32
          %dma_wait3A_205 = tpu.memref_slice %arg8[%dma_wait3A_203, %dma_wait3A_204] : memref<10240x128xf32, #tpu.memory_space<vmem_shared>> -> memref<10240x128xf32, #tpu.memory_space<vmem_shared>>
          tpu.wait_indirect_dma semaphore(%arg12 : memref<!tpu.dma_semaphore, #tpu.memory_space<semaphore_mem>>) src(%dma_wait3A_199 : memref<128x128xf32, #tpu.memory_space<vmem>>) dst(%dma_wait3A_205 : memref<10240x128xf32, #tpu.memory_space<vmem_shared>>)
          %add3A_206 = arith.constant 2 : i32
          %add3A_207 = arith.addi %mul3A_86, %add3A_206 : i32
          %dma_start3A_208 = arith.constant 0 : i32
          %dma_start3A_209 = arith.constant 0 : i32
          %dma_start3A_210 = arith.constant 0 : i32
          %dma_start3A_211 = arith.constant 0 : i32
          %dma_start3A_212 = tpu.memref_slice %arg7[%dma_start3A_209, %dma_start3A_210, %dma_start3A_211] : memref<2x128x128xf32, #tpu.memory_space<vmem>> -> memref<1x64x128xf32, #tpu.memory_space<vmem>>
          %dma_start3A_213 = tpu.memref_squeeze %dma_start3A_212 : memref<1x64x128xf32, #tpu.memory_space<vmem>> -> memref<64x128xf32, #tpu.memory_space<vmem>>
          %dma_start3A_214 = arith.constant 0 : i32
          %dma_start3A_215 = tpu.memref_slice %arg6[%rem3A_17, %dma_start3A_208, %add3A_207, %dma_start3A_214] : memref<2x2x16x128xi32, #tpu.memory_space<vmem>> -> memref<1x1x1x64xi32, #tpu.memory_space<vmem>>
          %dma_start3A_216 = tpu.memref_squeeze %dma_start3A_215 : memref<1x1x1x64xi32, #tpu.memory_space<vmem>> -> memref<64xi32, #tpu.memory_space<vmem>>
          %dma_start3A_217 = arith.constant 0 : i32
          %dma_start3A_218 = arith.constant 0 : i32
          %dma_start3A_219 = tpu.memref_slice %arg2[%dma_start3A_217, %dma_start3A_218] : memref<10240x128xf32, #tpu.memory_space<hbm>> -> memref<10240x128xf32, #tpu.memory_space<hbm>>
          tpu.enqueue_indirect_dma source(%dma_start3A_219 : memref<10240x128xf32, #tpu.memory_space<hbm>>) target(%dma_start3A_213 : memref<64x128xf32, #tpu.memory_space<vmem>>) offsets(%dma_start3A_216 : memref<64xi32, #tpu.memory_space<vmem>>) semaphore(%arg10 : memref<!tpu.dma_semaphore, #tpu.memory_space<semaphore_mem>>)
          %dma_start3A_220 = arith.constant 0 : i32
          %dma_start3A_221 = arith.constant 0 : i32
          %dma_start3A_222 = arith.constant 64 : i32
          %dma_start3A_223 = arith.constant 0 : i32
          %dma_start3A_224 = tpu.memref_slice %arg7[%dma_start3A_221, %dma_start3A_222, %dma_start3A_223] : memref<2x128x128xf32, #tpu.memory_space<vmem>> -> memref<1x64x128xf32, #tpu.memory_space<vmem>>
          %dma_start3A_225 = tpu.memref_squeeze %dma_start3A_224 : memref<1x64x128xf32, #tpu.memory_space<vmem>> -> memref<64x128xf32, #tpu.memory_space<vmem>>
          %dma_start3A_226 = arith.constant 64 : i32
          %dma_start3A_227 = tpu.memref_slice %arg6[%rem3A_17, %dma_start3A_220, %add3A_207, %dma_start3A_226] : memref<2x2x16x128xi32, #tpu.memory_space<vmem>> -> memref<1x1x1x64xi32, #tpu.memory_space<vmem>>
          %dma_start3A_228 = tpu.memref_squeeze %dma_start3A_227 : memref<1x1x1x64xi32, #tpu.memory_space<vmem>> -> memref<64xi32, #tpu.memory_space<vmem>>
          %dma_start3A_229 = arith.constant 0 : i32
          %dma_start3A_230 = arith.constant 0 : i32
          %dma_start3A_231 = tpu.memref_slice %arg2[%dma_start3A_229, %dma_start3A_230] : memref<10240x128xf32, #tpu.memory_space<hbm>> -> memref<10240x128xf32, #tpu.memory_space<hbm>>
          tpu.enqueue_indirect_dma source(%dma_start3A_231 : memref<10240x128xf32, #tpu.memory_space<hbm>>) target(%dma_start3A_225 : memref<64x128xf32, #tpu.memory_space<vmem>>) offsets(%dma_start3A_228 : memref<64xi32, #tpu.memory_space<vmem>>) semaphore(%arg10 : memref<!tpu.dma_semaphore, #tpu.memory_space<semaphore_mem>>)
        } else {
        }
        %dma_wait3A_153 = arith.constant 0 : i32
        %dma_wait3A_154 = arith.constant 1 : i32
        %dma_wait3A_155 = arith.constant 0 : i32
        %dma_wait3A_156 = arith.constant 0 : i32
        %dma_wait3A_157 = tpu.memref_slice %arg7[%dma_wait3A_154, %dma_wait3A_155, %dma_wait3A_156] : memref<2x128x128xf32, #tpu.memory_space<vmem>> -> memref<1x64x128xf32, #tpu.memory_space<vmem>>
        %dma_wait3A_158 = tpu.memref_squeeze %dma_wait3A_157 : memref<1x64x128xf32, #tpu.memory_space<vmem>> -> memref<64x128xf32, #tpu.memory_space<vmem>>
        %dma_wait3A_159 = arith.constant 0 : i32
        %dma_wait3A_160 = tpu.memref_slice %arg6[%rem3A_17, %dma_wait3A_153, %add3A_87, %dma_wait3A_159] : memref<2x2x16x128xi32, #tpu.memory_space<vmem>> -> memref<1x1x1x64xi32, #tpu.memory_space<vmem>>
        %dma_wait3A_161 = tpu.memref_squeeze %dma_wait3A_160 : memref<1x1x1x64xi32, #tpu.memory_space<vmem>> -> memref<64xi32, #tpu.memory_space<vmem>>
        %dma_wait3A_162 = arith.constant 0 : i32
        %dma_wait3A_163 = arith.constant 0 : i32
        %dma_wait3A_164 = tpu.memref_slice %arg2[%dma_wait3A_162, %dma_wait3A_163] : memref<10240x128xf32, #tpu.memory_space<hbm>> -> memref<10240x128xf32, #tpu.memory_space<hbm>>
        tpu.wait_indirect_dma semaphore(%arg11 : memref<!tpu.dma_semaphore, #tpu.memory_space<semaphore_mem>>) src(%dma_wait3A_164 : memref<10240x128xf32, #tpu.memory_space<hbm>>) dst(%dma_wait3A_158 : memref<64x128xf32, #tpu.memory_space<vmem>>)
        %dma_wait3A_165 = arith.constant 0 : i32
        %dma_wait3A_166 = arith.constant 1 : i32
        %dma_wait3A_167 = arith.constant 64 : i32
        %dma_wait3A_168 = arith.constant 0 : i32
        %dma_wait3A_169 = tpu.memref_slice %arg7[%dma_wait3A_166, %dma_wait3A_167, %dma_wait3A_168] : memref<2x128x128xf32, #tpu.memory_space<vmem>> -> memref<1x64x128xf32, #tpu.memory_space<vmem>>
        %dma_wait3A_170 = tpu.memref_squeeze %dma_wait3A_169 : memref<1x64x128xf32, #tpu.memory_space<vmem>> -> memref<64x128xf32, #tpu.memory_space<vmem>>
        %dma_wait3A_171 = arith.constant 64 : i32
        %dma_wait3A_172 = tpu.memref_slice %arg6[%rem3A_17, %dma_wait3A_165, %add3A_87, %dma_wait3A_171] : memref<2x2x16x128xi32, #tpu.memory_space<vmem>> -> memref<1x1x1x64xi32, #tpu.memory_space<vmem>>
        %dma_wait3A_173 = tpu.memref_squeeze %dma_wait3A_172 : memref<1x1x1x64xi32, #tpu.memory_space<vmem>> -> memref<64xi32, #tpu.memory_space<vmem>>
        %dma_wait3A_174 = arith.constant 0 : i32
        %dma_wait3A_175 = arith.constant 0 : i32
        %dma_wait3A_176 = tpu.memref_slice %arg2[%dma_wait3A_174, %dma_wait3A_175] : memref<10240x128xf32, #tpu.memory_space<hbm>> -> memref<10240x128xf32, #tpu.memory_space<hbm>>
        tpu.wait_indirect_dma semaphore(%arg11 : memref<!tpu.dma_semaphore, #tpu.memory_space<semaphore_mem>>) src(%dma_wait3A_176 : memref<10240x128xf32, #tpu.memory_space<hbm>>) dst(%dma_wait3A_170 : memref<64x128xf32, #tpu.memory_space<vmem>>)
        %dma_start3A_177 = arith.constant 1 : i32
        %dma_start3A_178 = arith.constant 1 : i32
        %dma_start3A_179 = arith.constant 0 : i32
        %dma_start3A_180 = arith.constant 0 : i32
        %dma_start3A_181 = tpu.memref_slice %arg7[%dma_start3A_177, %dma_start3A_179, %dma_start3A_180] : memref<2x128x128xf32, #tpu.memory_space<vmem>> -> memref<1x128x128xf32, #tpu.memory_space<vmem>>
        %dma_start3A_182 = tpu.memref_squeeze %dma_start3A_181 : memref<1x128x128xf32, #tpu.memory_space<vmem>> -> memref<128x128xf32, #tpu.memory_space<vmem>>
        %dma_start3A_183 = arith.constant 0 : i32
        %dma_start3A_184 = tpu.memref_slice %arg6[%rem3A_17, %dma_start3A_178, %add3A_87, %dma_start3A_183] : memref<2x2x16x128xi32, #tpu.memory_space<vmem>> -> memref<1x1x1x128xi32, #tpu.memory_space<vmem>>
        %dma_start3A_185 = tpu.memref_squeeze %dma_start3A_184 : memref<1x1x1x128xi32, #tpu.memory_space<vmem>> -> memref<128xi32, #tpu.memory_space<vmem>>
        %dma_start3A_186 = arith.constant 0 : i32
        %dma_start3A_187 = arith.constant 0 : i32
        %dma_start3A_188 = tpu.memref_slice %arg8[%dma_start3A_186, %dma_start3A_187] : memref<10240x128xf32, #tpu.memory_space<vmem_shared>> -> memref<10240x128xf32, #tpu.memory_space<vmem_shared>>
        tpu.enqueue_indirect_dma source(%dma_start3A_182 : memref<128x128xf32, #tpu.memory_space<vmem>>) target(%dma_start3A_188 : memref<10240x128xf32, #tpu.memory_space<vmem_shared>>) offsets(%dma_start3A_185 : memref<128xi32, #tpu.memory_space<vmem>>) semaphore(%arg13 : memref<!tpu.dma_semaphore, #tpu.memory_space<semaphore_mem>>) {add = true}
        %lt3A_189 = arith.constant 7 : i32
        %lt3A_190 = arith.cmpi slt, %scan3A_84, %lt3A_189 : i32
        %convert_element_type3A_191 = arith.extui %lt3A_190 : i1 to i32
        %cond3A_192 = arith.constant 0 : i32
        %cond3A_193 = arith.cmpi ne, %convert_element_type3A_191, %cond3A_192 : i32
        scf.if %cond3A_193 {
          %dma_wait3A_194 = arith.constant 1 : i32
          %dma_wait3A_195 = arith.constant 1 : i32
          %dma_wait3A_196 = arith.constant 0 : i32
          %dma_wait3A_197 = arith.constant 0 : i32
          %dma_wait3A_198 = tpu.memref_slice %arg7[%dma_wait3A_194, %dma_wait3A_196, %dma_wait3A_197] : memref<2x128x128xf32, #tpu.memory_space<vmem>> -> memref<1x128x128xf32, #tpu.memory_space<vmem>>
          %dma_wait3A_199 = tpu.memref_squeeze %dma_wait3A_198 : memref<1x128x128xf32, #tpu.memory_space<vmem>> -> memref<128x128xf32, #tpu.memory_space<vmem>>
          %dma_wait3A_200 = arith.constant 0 : i32
          %dma_wait3A_201 = tpu.memref_slice %arg6[%rem3A_17, %dma_wait3A_195, %add3A_87, %dma_wait3A_200] : memref<2x2x16x128xi32, #tpu.memory_space<vmem>> -> memref<1x1x1x128xi32, #tpu.memory_space<vmem>>
          %dma_wait3A_202 = tpu.memref_squeeze %dma_wait3A_201 : memref<1x1x1x128xi32, #tpu.memory_space<vmem>> -> memref<128xi32, #tpu.memory_space<vmem>>
          %dma_wait3A_203 = arith.constant 0 : i32
          %dma_wait3A_204 = arith.constant 0 : i32
          %dma_wait3A_205 = tpu.memref_slice %arg8[%dma_wait3A_203, %dma_wait3A_204] : memref<10240x128xf32, #tpu.memory_space<vmem_shared>> -> memref<10240x128xf32, #tpu.memory_space<vmem_shared>>
          tpu.wait_indirect_dma semaphore(%arg13 : memref<!tpu.dma_semaphore, #tpu.memory_space<semaphore_mem>>) src(%dma_wait3A_199 : memref<128x128xf32, #tpu.memory_space<vmem>>) dst(%dma_wait3A_205 : memref<10240x128xf32, #tpu.memory_space<vmem_shared>>)
        } else {
        }
      }
      %scan3A_53 = arith.constant 8 : i32
      %dma_wait3A = arith.constant 0 : i32
      %dma_wait3A_54 = arith.constant 1 : i32
      %dma_wait3A_55 = arith.constant 14 : i32
      %dma_wait3A_56 = arith.constant 0 : i32
      %dma_wait3A_57 = arith.constant 0 : i32
      %dma_wait3A_58 = tpu.memref_slice %arg7[%dma_wait3A, %dma_wait3A_56, %dma_wait3A_57] : memref<2x128x128xf32, #tpu.memory_space<vmem>> -> memref<1x128x128xf32, #tpu.memory_space<vmem>>
      %dma_wait3A_59 = tpu.memref_squeeze %dma_wait3A_58 : memref<1x128x128xf32, #tpu.memory_space<vmem>> -> memref<128x128xf32, #tpu.memory_space<vmem>>
      %dma_wait3A_60 = arith.constant 0 : i32
      %dma_wait3A_61 = tpu.memref_slice %arg6[%rem3A_17, %dma_wait3A_54, %dma_wait3A_55, %dma_wait3A_60] : memref<2x2x16x128xi32, #tpu.memory_space<vmem>> -> memref<1x1x1x128xi32, #tpu.memory_space<vmem>>
      %dma_wait3A_62 = tpu.memref_squeeze %dma_wait3A_61 : memref<1x1x1x128xi32, #tpu.memory_space<vmem>> -> memref<128xi32, #tpu.memory_space<vmem>>
      %dma_wait3A_63 = arith.constant 0 : i32
      %dma_wait3A_64 = arith.constant 0 : i32
      %dma_wait3A_65 = tpu.memref_slice %arg8[%dma_wait3A_63, %dma_wait3A_64] : memref<10240x128xf32, #tpu.memory_space<vmem_shared>> -> memref<10240x128xf32, #tpu.memory_space<vmem_shared>>
      tpu.wait_indirect_dma semaphore(%arg12 : memref<!tpu.dma_semaphore, #tpu.memory_space<semaphore_mem>>) src(%dma_wait3A_59 : memref<128x128xf32, #tpu.memory_space<vmem>>) dst(%dma_wait3A_65 : memref<10240x128xf32, #tpu.memory_space<vmem_shared>>)
      %dma_wait3A_66 = arith.constant 1 : i32
      %dma_wait3A_67 = arith.constant 1 : i32
      %dma_wait3A_68 = arith.constant 15 : i32
      %dma_wait3A_69 = arith.constant 0 : i32
      %dma_wait3A_70 = arith.constant 0 : i32
      %dma_wait3A_71 = tpu.memref_slice %arg7[%dma_wait3A_66, %dma_wait3A_69, %dma_wait3A_70] : memref<2x128x128xf32, #tpu.memory_space<vmem>> -> memref<1x128x128xf32, #tpu.memory_space<vmem>>
      %dma_wait3A_72 = tpu.memref_squeeze %dma_wait3A_71 : memref<1x128x128xf32, #tpu.memory_space<vmem>> -> memref<128x128xf32, #tpu.memory_space<vmem>>
      %dma_wait3A_73 = arith.constant 0 : i32
      %dma_wait3A_74 = tpu.memref_slice %arg6[%rem3A_17, %dma_wait3A_67, %dma_wait3A_68, %dma_wait3A_73] : memref<2x2x16x128xi32, #tpu.memory_space<vmem>> -> memref<1x1x1x128xi32, #tpu.memory_space<vmem>>
      %dma_wait3A_75 = tpu.memref_squeeze %dma_wait3A_74 : memref<1x1x1x128xi32, #tpu.memory_space<vmem>> -> memref<128xi32, #tpu.memory_space<vmem>>
      %dma_wait3A_76 = arith.constant 0 : i32
      %dma_wait3A_77 = arith.constant 0 : i32
      %dma_wait3A_78 = tpu.memref_slice %arg8[%dma_wait3A_76, %dma_wait3A_77] : memref<10240x128xf32, #tpu.memory_space<vmem_shared>> -> memref<10240x128xf32, #tpu.memory_space<vmem_shared>>
      tpu.wait_indirect_dma semaphore(%arg13 : memref<!tpu.dma_semaphore, #tpu.memory_space<semaphore_mem>>) src(%dma_wait3A_72 : memref<128x128xf32, #tpu.memory_space<vmem>>) dst(%dma_wait3A_78 : memref<10240x128xf32, #tpu.memory_space<vmem_shared>>)
      %lt3A_79 = arith.constant 4 : i32
      %lt3A_80 = arith.cmpi slt, %scan3A_16, %lt3A_79 : i32
      %convert_element_type3A_81 = arith.extui %lt3A_80 : i1 to i32
      %cond3A_82 = arith.constant 0 : i32
      %cond3A_83 = arith.cmpi ne, %convert_element_type3A_81, %cond3A_82 : i32
      scf.if %cond3A_83 {
        %add3A = arith.constant 1 : i32
        %add3A_84 = arith.addi %scan3A_16, %add3A : i32
        %dma_wait3A_85 = arith.constant 0 : i32
        %dma_wait3A_86 = arith.constant 0 : i32
        %dma_wait3A_87 = arith.constant 0 : i32
        %dma_wait3A_88 = tpu.memref_slice %arg6[%sub3A_18, %dma_wait3A_85, %dma_wait3A_86, %dma_wait3A_87] : memref<2x2x16x128xi32, #tpu.memory_space<vmem>> -> memref<1x2x16x128xi32, #tpu.memory_space<vmem>>
        %dma_wait3A_89 = tpu.memref_squeeze %dma_wait3A_88 : memref<1x2x16x128xi32, #tpu.memory_space<vmem>> -> memref<2x16x128xi32, #tpu.memory_space<vmem>>
        %dma_wait3A_90 = arith.constant 0 : i32
        %dma_wait3A_91 = arith.constant 0 : i32
        %dma_wait3A_92 = arith.constant 0 : i32
        %dma_wait3A_93 = tpu.memref_slice %arg3[%arg0, %arg1, %add3A_84, %dma_wait3A_90, %dma_wait3A_91, %dma_wait3A_92] : memref<2x16x5x2x16x128xi32, #tpu.memory_space<hbm>> -> memref<1x1x1x2x16x128xi32, #tpu.memory_space<hbm>>
        %dma_wait3A_94 = tpu.memref_squeeze %dma_wait3A_93 : memref<1x1x1x2x16x128xi32, #tpu.memory_space<hbm>> -> memref<2x16x128xi32, #tpu.memory_space<hbm>>
        %dma_wait3A_95 = arith.constant 0 : i32
        %dma_wait3A_96 = arith.constant 0 : i32
        %dma_wait3A_97 = arith.constant 0 : i32
        %dma_wait3A_98 = tpu.memref_slice %arg6[%sub3A_18, %dma_wait3A_95, %dma_wait3A_96, %dma_wait3A_97] : memref<2x2x16x128xi32, #tpu.memory_space<vmem>> -> memref<1x2x16x128xi32, #tpu.memory_space<vmem>>
        %dma_wait3A_99 = tpu.memref_squeeze %dma_wait3A_98 : memref<1x2x16x128xi32, #tpu.memory_space<vmem>> -> memref<2x16x128xi32, #tpu.memory_space<vmem>>
        %dma_wait3A_100 = arith.constant 0 : i32
        %dma_wait3A_101 = arith.constant 0 : i32
        %dma_wait3A_102 = arith.constant 0 : i32
        %dma_wait3A_103 = tpu.memref_slice %arg3[%arg0, %arg1, %add3A_84, %dma_wait3A_100, %dma_wait3A_101, %dma_wait3A_102] : memref<2x16x5x2x16x128xi32, #tpu.memory_space<hbm>> -> memref<1x1x1x2x16x128xi32, #tpu.memory_space<hbm>>
        %dma_wait3A_104 = tpu.memref_squeeze %dma_wait3A_103 : memref<1x1x1x2x16x128xi32, #tpu.memory_space<hbm>> -> memref<2x16x128xi32, #tpu.memory_space<hbm>>
        tpu.wait_dma2 semaphore(%arg9 : memref<!tpu.dma_semaphore, #tpu.memory_space<semaphore_mem>>) src(%dma_wait3A_104 : memref<2x16x128xi32, #tpu.memory_space<hbm>>) dst(%dma_wait3A_99 : memref<2x16x128xi32, #tpu.memory_space<vmem>>)
      } else {
      }
    }
    %scan3A_11 = arith.constant 5 : i32
    %barrier3A_12 = arith.constant 0 : index
    tpu.barrier barrier_id(%barrier3A_12)
    %mul3A = arith.constant 640 : i32
    %mul3A_13 = arith.muli %arg1, %mul3A : i32
    %mul3A_14 = arith.constant 640 : i32
    %mul3A_15 = arith.muli %arg1, %mul3A_14 : i32
    "tpu.region"() ({
      %run_scoped3A_16 = tpu.sem_alloc : memref<!tpu.dma_semaphore, #tpu.memory_space<semaphore_mem>>
      %dma_start3A = arith.constant 0 : i32
      %dma_start3A_17 = tpu.memref_slice %arg5[%arg0, %mul3A_15, %dma_start3A] : memref<2x10240x128xf32, #tpu.memory_space<hbm>> -> memref<1x640x128xf32, #tpu.memory_space<hbm>>
      %dma_start3A_18 = tpu.memref_squeeze %dma_start3A_17 : memref<1x640x128xf32, #tpu.memory_space<hbm>> -> memref<640x128xf32, #tpu.memory_space<hbm>>
      %dma_start3A_19 = arith.constant 0 : i32
      %dma_start3A_20 = tpu.memref_slice %arg8[%mul3A_13, %dma_start3A_19] : memref<10240x128xf32, #tpu.memory_space<vmem_shared>> -> memref<640x128xf32, #tpu.memory_space<vmem_shared>>
      tpu.enqueue_dma source(%dma_start3A_20 : memref<640x128xf32, #tpu.memory_space<vmem_shared>>) target(%dma_start3A_18 : memref<640x128xf32, #tpu.memory_space<hbm>>) target_semaphore(%run_scoped3A_16 : memref<!tpu.dma_semaphore, #tpu.memory_space<semaphore_mem>>)
      %dma_wait3A = arith.constant 0 : i32
      %dma_wait3A_21 = tpu.memref_slice %arg5[%arg0, %mul3A_15, %dma_wait3A] : memref<2x10240x128xf32, #tpu.memory_space<hbm>> -> memref<1x640x128xf32, #tpu.memory_space<hbm>>
      %dma_wait3A_22 = tpu.memref_squeeze %dma_wait3A_21 : memref<1x640x128xf32, #tpu.memory_space<hbm>> -> memref<640x128xf32, #tpu.memory_space<hbm>>
      %dma_wait3A_23 = arith.constant 0 : i32
      %dma_wait3A_24 = tpu.memref_slice %arg8[%mul3A_13, %dma_wait3A_23] : memref<10240x128xf32, #tpu.memory_space<vmem_shared>> -> memref<640x128xf32, #tpu.memory_space<vmem_shared>>
      tpu.wait_dma2 semaphore(%run_scoped3A_16 : memref<!tpu.dma_semaphore, #tpu.memory_space<semaphore_mem>>) src(%dma_wait3A_24 : memref<640x128xf32, #tpu.memory_space<vmem_shared>>) dst(%dma_wait3A_22 : memref<640x128xf32, #tpu.memory_space<hbm>>)
      tpu.yield
    }) : () -> ()
    return
  }
}

#map = affine_map<(d0, d1) -> (0, 0)>
#map1 = affine_map<(d0, d1) -> (0, 0, 0, 0, 0, 0)>
#map2 = affine_map<(d0, d1) -> (0, 0, 0)>
module attributes {stable_mosaic.version = 14 : i64} {
  func.func @_sc_agg_body(%arg0: i32, %arg1: i32, %arg2: memref<10240x128xf32, #tpu.memory_space<hbm>>, %arg3: memref<2x16x5x2x16x128xi32, #tpu.memory_space<hbm>>, %arg4: memref<10240x128xf32, #tpu.memory_space<hbm>>, %arg5: memref<2x10240x128xf32, #tpu.memory_space<hbm>>, %arg6: memref<2x2x16x128xi32, #tpu.memory_space<vmem>>, %arg7: memref<2x128x128xf32, #tpu.memory_space<vmem>>, %arg8: memref<10240x128xf32, #tpu.memory_space<vmem_shared>>, %arg9: memref<!tpu.dma_semaphore, #tpu.memory_space<semaphore_mem>>, %arg10: memref<!tpu.dma_semaphore, #tpu.memory_space<semaphore_mem>>, %arg11: memref<!tpu.dma_semaphore, #tpu.memory_space<semaphore_mem>>, %arg12: memref<!tpu.dma_semaphore, #tpu.memory_space<semaphore_mem>>, %arg13: memref<!tpu.dma_semaphore, #tpu.memory_space<semaphore_mem>>) attributes {dimension_semantics = [#tpu.dimension_semantics<core_parallel>, #tpu.dimension_semantics<subcore_parallel>], iteration_bounds = array<i64: 2, 16>, scalar_prefetch = 0 : i64, scratch_operands = 8 : i64, tpu.core_type = #tpu.core_type<sc_vector_subcore>, window_params = [{transform_indices = #map}, {transform_indices = #map1}, {transform_indices = #map}, {transform_indices = #map2}]} {
    %eq3A = arith.constant 0 : i32
    %eq3A_0 = arith.cmpi eq, %arg0, %eq3A : i32
    %convert_element_type3A = arith.extui %eq3A_0 : i1 to i32
    %cond3A = arith.constant 0 : i32
    %cond3A_1 = arith.cmpi ne, %convert_element_type3A, %cond3A : i32
    scf.if %cond3A_1 {
      %mul3A_16 = arith.constant 640 : i32
      %mul3A_17 = arith.muli %arg1, %mul3A_16 : i32
      %mul3A_18 = arith.constant 640 : i32
      %mul3A_19 = arith.muli %arg1, %mul3A_18 : i32
      "tpu.region"() ({
        %run_scoped3A_20 = tpu.sem_alloc : memref<!tpu.dma_semaphore, #tpu.memory_space<semaphore_mem>>
        %dma_start3A = arith.constant 0 : i32
        %dma_start3A_21 = tpu.memref_slice %arg8[%mul3A_19, %dma_start3A] : memref<10240x128xf32, #tpu.memory_space<vmem_shared>> -> memref<640x128xf32, #tpu.memory_space<vmem_shared>>
        %dma_start3A_22 = arith.constant 0 : i32
        %dma_start3A_23 = tpu.memref_slice %arg2[%mul3A_17, %dma_start3A_22] : memref<10240x128xf32, #tpu.memory_space<hbm>> -> memref<640x128xf32, #tpu.memory_space<hbm>>
        tpu.enqueue_dma source(%dma_start3A_23 : memref<640x128xf32, #tpu.memory_space<hbm>>) target(%dma_start3A_21 : memref<640x128xf32, #tpu.memory_space<vmem_shared>>) target_semaphore(%run_scoped3A_20 : memref<!tpu.dma_semaphore, #tpu.memory_space<semaphore_mem>>)
        %dma_wait3A = arith.constant 0 : i32
        %dma_wait3A_24 = tpu.memref_slice %arg8[%mul3A_19, %dma_wait3A] : memref<10240x128xf32, #tpu.memory_space<vmem_shared>> -> memref<640x128xf32, #tpu.memory_space<vmem_shared>>
        %dma_wait3A_25 = arith.constant 0 : i32
        %dma_wait3A_26 = tpu.memref_slice %arg2[%mul3A_17, %dma_wait3A_25] : memref<10240x128xf32, #tpu.memory_space<hbm>> -> memref<640x128xf32, #tpu.memory_space<hbm>>
        tpu.wait_dma2 semaphore(%run_scoped3A_20 : memref<!tpu.dma_semaphore, #tpu.memory_space<semaphore_mem>>) src(%dma_wait3A_26 : memref<640x128xf32, #tpu.memory_space<hbm>>) dst(%dma_wait3A_24 : memref<640x128xf32, #tpu.memory_space<vmem_shared>>)
        tpu.yield
      }) : () -> ()
    } else {
    }
    %ne3A = arith.constant 0 : i32
    %ne3A_2 = arith.cmpi ne, %arg0, %ne3A : i32
    %convert_element_type3A_3 = arith.extui %ne3A_2 : i1 to i32
    %cond3A_4 = arith.constant 0 : i32
    %cond3A_5 = arith.cmpi ne, %convert_element_type3A_3, %cond3A_4 : i32
    scf.if %cond3A_5 {
      %mul3A_16 = arith.constant 640 : i32
      %mul3A_17 = arith.muli %arg1, %mul3A_16 : i32
      %mul3A_18 = arith.constant 640 : i32
      %mul3A_19 = arith.muli %arg1, %mul3A_18 : i32
      "tpu.region"() ({
        %run_scoped3A_20 = tpu.sem_alloc : memref<!tpu.dma_semaphore, #tpu.memory_space<semaphore_mem>>
        %dma_start3A = arith.constant 0 : i32
        %dma_start3A_21 = tpu.memref_slice %arg8[%mul3A_19, %dma_start3A] : memref<10240x128xf32, #tpu.memory_space<vmem_shared>> -> memref<640x128xf32, #tpu.memory_space<vmem_shared>>
        %dma_start3A_22 = arith.constant 0 : i32
        %dma_start3A_23 = tpu.memref_slice %arg4[%mul3A_17, %dma_start3A_22] : memref<10240x128xf32, #tpu.memory_space<hbm>> -> memref<640x128xf32, #tpu.memory_space<hbm>>
        tpu.enqueue_dma source(%dma_start3A_23 : memref<640x128xf32, #tpu.memory_space<hbm>>) target(%dma_start3A_21 : memref<640x128xf32, #tpu.memory_space<vmem_shared>>) target_semaphore(%run_scoped3A_20 : memref<!tpu.dma_semaphore, #tpu.memory_space<semaphore_mem>>)
        %dma_wait3A = arith.constant 0 : i32
        %dma_wait3A_24 = tpu.memref_slice %arg8[%mul3A_19, %dma_wait3A] : memref<10240x128xf32, #tpu.memory_space<vmem_shared>> -> memref<640x128xf32, #tpu.memory_space<vmem_shared>>
        %dma_wait3A_25 = arith.constant 0 : i32
        %dma_wait3A_26 = tpu.memref_slice %arg4[%mul3A_17, %dma_wait3A_25] : memref<10240x128xf32, #tpu.memory_space<hbm>> -> memref<640x128xf32, #tpu.memory_space<hbm>>
        tpu.wait_dma2 semaphore(%run_scoped3A_20 : memref<!tpu.dma_semaphore, #tpu.memory_space<semaphore_mem>>) src(%dma_wait3A_26 : memref<640x128xf32, #tpu.memory_space<hbm>>) dst(%dma_wait3A_24 : memref<640x128xf32, #tpu.memory_space<vmem_shared>>)
        tpu.yield
      }) : () -> ()
    } else {
    }
    %run_scoped3A = arith.constant 0 : i32
    %run_scoped3A_6 = arith.constant 0 : i32
    "tpu.region"() ({
      %run_scoped3A_16 = tpu.sem_alloc : memref<!tpu.dma_semaphore, #tpu.memory_space<semaphore_mem>>
      %dma_start3A = arith.constant 0 : i32
      %dma_start3A_17 = arith.constant 0 : i32
      %dma_start3A_18 = arith.constant 0 : i32
      %dma_start3A_19 = tpu.memref_slice %arg6[%run_scoped3A_6, %dma_start3A, %dma_start3A_17, %dma_start3A_18] : memref<2x2x16x128xi32, #tpu.memory_space<vmem>> -> memref<1x2x16x128xi32, #tpu.memory_space<vmem>>
      %dma_start3A_20 = tpu.memref_squeeze %dma_start3A_19 : memref<1x2x16x128xi32, #tpu.memory_space<vmem>> -> memref<2x16x128xi32, #tpu.memory_space<vmem>>
      %dma_start3A_21 = arith.constant 0 : i32
      %dma_start3A_22 = arith.constant 0 : i32
      %dma_start3A_23 = arith.constant 0 : i32
      %dma_start3A_24 = tpu.memref_slice %arg3[%arg0, %arg1, %run_scoped3A, %dma_start3A_21, %dma_start3A_22, %dma_start3A_23] : memref<2x16x5x2x16x128xi32, #tpu.memory_space<hbm>> -> memref<1x1x1x2x16x128xi32, #tpu.memory_space<hbm>>
      %dma_start3A_25 = tpu.memref_squeeze %dma_start3A_24 : memref<1x1x1x2x16x128xi32, #tpu.memory_space<hbm>> -> memref<2x16x128xi32, #tpu.memory_space<hbm>>
      %dma_start3A_26 = arith.constant 0 : i32
      %dma_start3A_27 = arith.constant 0 : i32
      %dma_start3A_28 = arith.constant 0 : i32
      %dma_start3A_29 = tpu.memref_slice %arg6[%run_scoped3A_6, %dma_start3A_26, %dma_start3A_27, %dma_start3A_28] : memref<2x2x16x128xi32, #tpu.memory_space<vmem>> -> memref<1x2x16x128xi32, #tpu.memory_space<vmem>>
      %dma_start3A_30 = tpu.memref_squeeze %dma_start3A_29 : memref<1x2x16x128xi32, #tpu.memory_space<vmem>> -> memref<2x16x128xi32, #tpu.memory_space<vmem>>
      %dma_start3A_31 = arith.constant 0 : i32
      %dma_start3A_32 = arith.constant 0 : i32
      %dma_start3A_33 = arith.constant 0 : i32
      %dma_start3A_34 = tpu.memref_slice %arg3[%arg0, %arg1, %run_scoped3A, %dma_start3A_31, %dma_start3A_32, %dma_start3A_33] : memref<2x16x5x2x16x128xi32, #tpu.memory_space<hbm>> -> memref<1x1x1x2x16x128xi32, #tpu.memory_space<hbm>>
      %dma_start3A_35 = tpu.memref_squeeze %dma_start3A_34 : memref<1x1x1x2x16x128xi32, #tpu.memory_space<hbm>> -> memref<2x16x128xi32, #tpu.memory_space<hbm>>
      tpu.enqueue_dma source(%dma_start3A_35 : memref<2x16x128xi32, #tpu.memory_space<hbm>>) target(%dma_start3A_30 : memref<2x16x128xi32, #tpu.memory_space<vmem>>) target_semaphore(%run_scoped3A_16 : memref<!tpu.dma_semaphore, #tpu.memory_space<semaphore_mem>>)
      %dma_wait3A = arith.constant 0 : i32
      %dma_wait3A_36 = arith.constant 0 : i32
      %dma_wait3A_37 = arith.constant 0 : i32
      %dma_wait3A_38 = tpu.memref_slice %arg6[%run_scoped3A_6, %dma_wait3A, %dma_wait3A_36, %dma_wait3A_37] : memref<2x2x16x128xi32, #tpu.memory_space<vmem>> -> memref<1x2x16x128xi32, #tpu.memory_space<vmem>>
      %dma_wait3A_39 = tpu.memref_squeeze %dma_wait3A_38 : memref<1x2x16x128xi32, #tpu.memory_space<vmem>> -> memref<2x16x128xi32, #tpu.memory_space<vmem>>
      %dma_wait3A_40 = arith.constant 0 : i32
      %dma_wait3A_41 = arith.constant 0 : i32
      %dma_wait3A_42 = arith.constant 0 : i32
      %dma_wait3A_43 = tpu.memref_slice %arg3[%arg0, %arg1, %run_scoped3A, %dma_wait3A_40, %dma_wait3A_41, %dma_wait3A_42] : memref<2x16x5x2x16x128xi32, #tpu.memory_space<hbm>> -> memref<1x1x1x2x16x128xi32, #tpu.memory_space<hbm>>
      %dma_wait3A_44 = tpu.memref_squeeze %dma_wait3A_43 : memref<1x1x1x2x16x128xi32, #tpu.memory_space<hbm>> -> memref<2x16x128xi32, #tpu.memory_space<hbm>>
      %dma_wait3A_45 = arith.constant 0 : i32
      %dma_wait3A_46 = arith.constant 0 : i32
      %dma_wait3A_47 = arith.constant 0 : i32
      %dma_wait3A_48 = tpu.memref_slice %arg6[%run_scoped3A_6, %dma_wait3A_45, %dma_wait3A_46, %dma_wait3A_47] : memref<2x2x16x128xi32, #tpu.memory_space<vmem>> -> memref<1x2x16x128xi32, #tpu.memory_space<vmem>>
      %dma_wait3A_49 = tpu.memref_squeeze %dma_wait3A_48 : memref<1x2x16x128xi32, #tpu.memory_space<vmem>> -> memref<2x16x128xi32, #tpu.memory_space<vmem>>
      %dma_wait3A_50 = arith.constant 0 : i32
      %dma_wait3A_51 = arith.constant 0 : i32
      %dma_wait3A_52 = arith.constant 0 : i32
      %dma_wait3A_53 = tpu.memref_slice %arg3[%arg0, %arg1, %run_scoped3A, %dma_wait3A_50, %dma_wait3A_51, %dma_wait3A_52] : memref<2x16x5x2x16x128xi32, #tpu.memory_space<hbm>> -> memref<1x1x1x2x16x128xi32, #tpu.memory_space<hbm>>
      %dma_wait3A_54 = tpu.memref_squeeze %dma_wait3A_53 : memref<1x1x1x2x16x128xi32, #tpu.memory_space<hbm>> -> memref<2x16x128xi32, #tpu.memory_space<hbm>>
      tpu.wait_dma2 semaphore(%run_scoped3A_16 : memref<!tpu.dma_semaphore, #tpu.memory_space<semaphore_mem>>) src(%dma_wait3A_54 : memref<2x16x128xi32, #tpu.memory_space<hbm>>) dst(%dma_wait3A_49 : memref<2x16x128xi32, #tpu.memory_space<vmem>>)
      tpu.yield
    }) : () -> ()
    %barrier3A = arith.constant 0 : index
    tpu.barrier barrier_id(%barrier3A)
    %scan3A = arith.constant 0 : i32
    %scan3A_7 = arith.constant 0 : i32
    %scan3A_8 = arith.constant 5 : i32
    %scan3A_9 = arith.addi %scan3A_7, %scan3A_8 : i32
    %scan3A_10 = arith.constant 1 : i32
    scf.for %scan3A_16 = %scan3A_7 to %scan3A_9 step %scan3A_10  : i32 {
      %rem3A = arith.constant 2 : i32
      %rem3A_17 = arith.remsi %scan3A_16, %rem3A : i32
      %sub3A = arith.constant 1 : i32
      %sub3A_18 = arith.subi %sub3A, %rem3A_17 : i32
      %lt3A = arith.constant 4 : i32
      %lt3A_19 = arith.cmpi slt, %scan3A_16, %lt3A : i32
      %convert_element_type3A_20 = arith.extui %lt3A_19 : i1 to i32
      %cond3A_21 = arith.constant 0 : i32
      %cond3A_22 = arith.cmpi ne, %convert_element_type3A_20, %cond3A_21 : i32
      scf.if %cond3A_22 {
        %add3A = arith.constant 1 : i32
        %add3A_84 = arith.addi %scan3A_16, %add3A : i32
        %dma_start3A_85 = arith.constant 0 : i32
        %dma_start3A_86 = arith.constant 0 : i32
        %dma_start3A_87 = arith.constant 0 : i32
        %dma_start3A_88 = tpu.memref_slice %arg6[%sub3A_18, %dma_start3A_85, %dma_start3A_86, %dma_start3A_87] : memref<2x2x16x128xi32, #tpu.memory_space<vmem>> -> memref<1x2x16x128xi32, #tpu.memory_space<vmem>>
        %dma_start3A_89 = tpu.memref_squeeze %dma_start3A_88 : memref<1x2x16x128xi32, #tpu.memory_space<vmem>> -> memref<2x16x128xi32, #tpu.memory_space<vmem>>
        %dma_start3A_90 = arith.constant 0 : i32
        %dma_start3A_91 = arith.constant 0 : i32
        %dma_start3A_92 = arith.constant 0 : i32
        %dma_start3A_93 = tpu.memref_slice %arg3[%arg0, %arg1, %add3A_84, %dma_start3A_90, %dma_start3A_91, %dma_start3A_92] : memref<2x16x5x2x16x128xi32, #tpu.memory_space<hbm>> -> memref<1x1x1x2x16x128xi32, #tpu.memory_space<hbm>>
        %dma_start3A_94 = tpu.memref_squeeze %dma_start3A_93 : memref<1x1x1x2x16x128xi32, #tpu.memory_space<hbm>> -> memref<2x16x128xi32, #tpu.memory_space<hbm>>
        %dma_start3A_95 = arith.constant 0 : i32
        %dma_start3A_96 = arith.constant 0 : i32
        %dma_start3A_97 = arith.constant 0 : i32
        %dma_start3A_98 = tpu.memref_slice %arg6[%sub3A_18, %dma_start3A_95, %dma_start3A_96, %dma_start3A_97] : memref<2x2x16x128xi32, #tpu.memory_space<vmem>> -> memref<1x2x16x128xi32, #tpu.memory_space<vmem>>
        %dma_start3A_99 = tpu.memref_squeeze %dma_start3A_98 : memref<1x2x16x128xi32, #tpu.memory_space<vmem>> -> memref<2x16x128xi32, #tpu.memory_space<vmem>>
        %dma_start3A_100 = arith.constant 0 : i32
        %dma_start3A_101 = arith.constant 0 : i32
        %dma_start3A_102 = arith.constant 0 : i32
        %dma_start3A_103 = tpu.memref_slice %arg3[%arg0, %arg1, %add3A_84, %dma_start3A_100, %dma_start3A_101, %dma_start3A_102] : memref<2x16x5x2x16x128xi32, #tpu.memory_space<hbm>> -> memref<1x1x1x2x16x128xi32, #tpu.memory_space<hbm>>
        %dma_start3A_104 = tpu.memref_squeeze %dma_start3A_103 : memref<1x1x1x2x16x128xi32, #tpu.memory_space<hbm>> -> memref<2x16x128xi32, #tpu.memory_space<hbm>>
        tpu.enqueue_dma source(%dma_start3A_104 : memref<2x16x128xi32, #tpu.memory_space<hbm>>) target(%dma_start3A_99 : memref<2x16x128xi32, #tpu.memory_space<vmem>>) target_semaphore(%arg9 : memref<!tpu.dma_semaphore, #tpu.memory_space<semaphore_mem>>)
      } else {
      }
      %dma_start3A = arith.constant 0 : i32
      %dma_start3A_23 = arith.constant 0 : i32
      %dma_start3A_24 = arith.constant 0 : i32
      %dma_start3A_25 = arith.constant 0 : i32
      %dma_start3A_26 = arith.constant 0 : i32
      %dma_start3A_27 = tpu.memref_slice %arg7[%dma_start3A_24, %dma_start3A_25, %dma_start3A_26] : memref<2x128x128xf32, #tpu.memory_space<vmem>> -> memref<1x64x128xf32, #tpu.memory_space<vmem>>
      %dma_start3A_28 = tpu.memref_squeeze %dma_start3A_27 : memref<1x64x128xf32, #tpu.memory_space<vmem>> -> memref<64x128xf32, #tpu.memory_space<vmem>>
      %dma_start3A_29 = arith.constant 0 : i32
      %dma_start3A_30 = tpu.memref_slice %arg6[%rem3A_17, %dma_start3A, %dma_start3A_23, %dma_start3A_29] : memref<2x2x16x128xi32, #tpu.memory_space<vmem>> -> memref<1x1x1x64xi32, #tpu.memory_space<vmem>>
      %dma_start3A_31 = tpu.memref_squeeze %dma_start3A_30 : memref<1x1x1x64xi32, #tpu.memory_space<vmem>> -> memref<64xi32, #tpu.memory_space<vmem>>
      %dma_start3A_32 = arith.constant 0 : i32
      %dma_start3A_33 = arith.constant 0 : i32
      %dma_start3A_34 = tpu.memref_slice %arg2[%dma_start3A_32, %dma_start3A_33] : memref<10240x128xf32, #tpu.memory_space<hbm>> -> memref<10240x128xf32, #tpu.memory_space<hbm>>
      tpu.enqueue_indirect_dma source(%dma_start3A_34 : memref<10240x128xf32, #tpu.memory_space<hbm>>) target(%dma_start3A_28 : memref<64x128xf32, #tpu.memory_space<vmem>>) offsets(%dma_start3A_31 : memref<64xi32, #tpu.memory_space<vmem>>) semaphore(%arg10 : memref<!tpu.dma_semaphore, #tpu.memory_space<semaphore_mem>>)
      %dma_start3A_35 = arith.constant 0 : i32
      %dma_start3A_36 = arith.constant 0 : i32
      %dma_start3A_37 = arith.constant 0 : i32
      %dma_start3A_38 = arith.constant 64 : i32
      %dma_start3A_39 = arith.constant 0 : i32
      %dma_start3A_40 = tpu.memref_slice %arg7[%dma_start3A_37, %dma_start3A_38, %dma_start3A_39] : memref<2x128x128xf32, #tpu.memory_space<vmem>> -> memref<1x64x128xf32, #tpu.memory_space<vmem>>
      %dma_start3A_41 = tpu.memref_squeeze %dma_start3A_40 : memref<1x64x128xf32, #tpu.memory_space<vmem>> -> memref<64x128xf32, #tpu.memory_space<vmem>>
      %dma_start3A_42 = arith.constant 64 : i32
      %dma_start3A_43 = tpu.memref_slice %arg6[%rem3A_17, %dma_start3A_35, %dma_start3A_36, %dma_start3A_42] : memref<2x2x16x128xi32, #tpu.memory_space<vmem>> -> memref<1x1x1x64xi32, #tpu.memory_space<vmem>>
      %dma_start3A_44 = tpu.memref_squeeze %dma_start3A_43 : memref<1x1x1x64xi32, #tpu.memory_space<vmem>> -> memref<64xi32, #tpu.memory_space<vmem>>
      %dma_start3A_45 = arith.constant 0 : i32
      %dma_start3A_46 = arith.constant 0 : i32
      %dma_start3A_47 = tpu.memref_slice %arg2[%dma_start3A_45, %dma_start3A_46] : memref<10240x128xf32, #tpu.memory_space<hbm>> -> memref<10240x128xf32, #tpu.memory_space<hbm>>
      tpu.enqueue_indirect_dma source(%dma_start3A_47 : memref<10240x128xf32, #tpu.memory_space<hbm>>) target(%dma_start3A_41 : memref<64x128xf32, #tpu.memory_space<vmem>>) offsets(%dma_start3A_44 : memref<64xi32, #tpu.memory_space<vmem>>) semaphore(%arg10 : memref<!tpu.dma_semaphore, #tpu.memory_space<semaphore_mem>>)
      %scan3A_48 = arith.constant 0 : i32
      %scan3A_49 = arith.constant 0 : i32
      %scan3A_50 = arith.constant 8 : i32
      %scan3A_51 = arith.addi %scan3A_49, %scan3A_50 : i32
      %scan3A_52 = arith.constant 1 : i32
      scf.for %scan3A_84 = %scan3A_49 to %scan3A_51 step %scan3A_52  : i32 {
        %mul3A_85 = arith.constant 2 : i32
        %mul3A_86 = arith.muli %mul3A_85, %scan3A_84 : i32
        %add3A = arith.constant 1 : i32
        %add3A_87 = arith.addi %mul3A_86, %add3A : i32
        %dma_start3A_88 = arith.constant 0 : i32
        %dma_start3A_89 = arith.constant 1 : i32
        %dma_start3A_90 = arith.constant 0 : i32
        %dma_start3A_91 = arith.constant 0 : i32
        %dma_start3A_92 = tpu.memref_slice %arg7[%dma_start3A_89, %dma_start3A_90, %dma_start3A_91] : memref<2x128x128xf32, #tpu.memory_space<vmem>> -> memref<1x64x128xf32, #tpu.memory_space<vmem>>
        %dma_start3A_93 = tpu.memref_squeeze %dma_start3A_92 : memref<1x64x128xf32, #tpu.memory_space<vmem>> -> memref<64x128xf32, #tpu.memory_space<vmem>>
        %dma_start3A_94 = arith.constant 0 : i32
        %dma_start3A_95 = tpu.memref_slice %arg6[%rem3A_17, %dma_start3A_88, %add3A_87, %dma_start3A_94] : memref<2x2x16x128xi32, #tpu.memory_space<vmem>> -> memref<1x1x1x64xi32, #tpu.memory_space<vmem>>
        %dma_start3A_96 = tpu.memref_squeeze %dma_start3A_95 : memref<1x1x1x64xi32, #tpu.memory_space<vmem>> -> memref<64xi32, #tpu.memory_space<vmem>>
        %dma_start3A_97 = arith.constant 0 : i32
        %dma_start3A_98 = arith.constant 0 : i32
        %dma_start3A_99 = tpu.memref_slice %arg2[%dma_start3A_97, %dma_start3A_98] : memref<10240x128xf32, #tpu.memory_space<hbm>> -> memref<10240x128xf32, #tpu.memory_space<hbm>>
        tpu.enqueue_indirect_dma source(%dma_start3A_99 : memref<10240x128xf32, #tpu.memory_space<hbm>>) target(%dma_start3A_93 : memref<64x128xf32, #tpu.memory_space<vmem>>) offsets(%dma_start3A_96 : memref<64xi32, #tpu.memory_space<vmem>>) semaphore(%arg11 : memref<!tpu.dma_semaphore, #tpu.memory_space<semaphore_mem>>)
        %dma_start3A_100 = arith.constant 0 : i32
        %dma_start3A_101 = arith.constant 1 : i32
        %dma_start3A_102 = arith.constant 64 : i32
        %dma_start3A_103 = arith.constant 0 : i32
        %dma_start3A_104 = tpu.memref_slice %arg7[%dma_start3A_101, %dma_start3A_102, %dma_start3A_103] : memref<2x128x128xf32, #tpu.memory_space<vmem>> -> memref<1x64x128xf32, #tpu.memory_space<vmem>>
        %dma_start3A_105 = tpu.memref_squeeze %dma_start3A_104 : memref<1x64x128xf32, #tpu.memory_space<vmem>> -> memref<64x128xf32, #tpu.memory_space<vmem>>
        %dma_start3A_106 = arith.constant 64 : i32
        %dma_start3A_107 = tpu.memref_slice %arg6[%rem3A_17, %dma_start3A_100, %add3A_87, %dma_start3A_106] : memref<2x2x16x128xi32, #tpu.memory_space<vmem>> -> memref<1x1x1x64xi32, #tpu.memory_space<vmem>>
        %dma_start3A_108 = tpu.memref_squeeze %dma_start3A_107 : memref<1x1x1x64xi32, #tpu.memory_space<vmem>> -> memref<64xi32, #tpu.memory_space<vmem>>
        %dma_start3A_109 = arith.constant 0 : i32
        %dma_start3A_110 = arith.constant 0 : i32
        %dma_start3A_111 = tpu.memref_slice %arg2[%dma_start3A_109, %dma_start3A_110] : memref<10240x128xf32, #tpu.memory_space<hbm>> -> memref<10240x128xf32, #tpu.memory_space<hbm>>
        tpu.enqueue_indirect_dma source(%dma_start3A_111 : memref<10240x128xf32, #tpu.memory_space<hbm>>) target(%dma_start3A_105 : memref<64x128xf32, #tpu.memory_space<vmem>>) offsets(%dma_start3A_108 : memref<64xi32, #tpu.memory_space<vmem>>) semaphore(%arg11 : memref<!tpu.dma_semaphore, #tpu.memory_space<semaphore_mem>>)
        %dma_wait3A_112 = arith.constant 0 : i32
        %dma_wait3A_113 = arith.constant 0 : i32
        %dma_wait3A_114 = arith.constant 0 : i32
        %dma_wait3A_115 = arith.constant 0 : i32
        %dma_wait3A_116 = tpu.memref_slice %arg7[%dma_wait3A_113, %dma_wait3A_114, %dma_wait3A_115] : memref<2x128x128xf32, #tpu.memory_space<vmem>> -> memref<1x64x128xf32, #tpu.memory_space<vmem>>
        %dma_wait3A_117 = tpu.memref_squeeze %dma_wait3A_116 : memref<1x64x128xf32, #tpu.memory_space<vmem>> -> memref<64x128xf32, #tpu.memory_space<vmem>>
        %dma_wait3A_118 = arith.constant 0 : i32
        %dma_wait3A_119 = tpu.memref_slice %arg6[%rem3A_17, %dma_wait3A_112, %mul3A_86, %dma_wait3A_118] : memref<2x2x16x128xi32, #tpu.memory_space<vmem>> -> memref<1x1x1x64xi32, #tpu.memory_space<vmem>>
        %dma_wait3A_120 = tpu.memref_squeeze %dma_wait3A_119 : memref<1x1x1x64xi32, #tpu.memory_space<vmem>> -> memref<64xi32, #tpu.memory_space<vmem>>
        %dma_wait3A_121 = arith.constant 0 : i32
        %dma_wait3A_122 = arith.constant 0 : i32
        %dma_wait3A_123 = tpu.memref_slice %arg2[%dma_wait3A_121, %dma_wait3A_122] : memref<10240x128xf32, #tpu.memory_space<hbm>> -> memref<10240x128xf32, #tpu.memory_space<hbm>>
        tpu.wait_indirect_dma semaphore(%arg10 : memref<!tpu.dma_semaphore, #tpu.memory_space<semaphore_mem>>) src(%dma_wait3A_123 : memref<10240x128xf32, #tpu.memory_space<hbm>>) dst(%dma_wait3A_117 : memref<64x128xf32, #tpu.memory_space<vmem>>)
        %dma_wait3A_124 = arith.constant 0 : i32
        %dma_wait3A_125 = arith.constant 0 : i32
        %dma_wait3A_126 = arith.constant 64 : i32
        %dma_wait3A_127 = arith.constant 0 : i32
        %dma_wait3A_128 = tpu.memref_slice %arg7[%dma_wait3A_125, %dma_wait3A_126, %dma_wait3A_127] : memref<2x128x128xf32, #tpu.memory_space<vmem>> -> memref<1x64x128xf32, #tpu.memory_space<vmem>>
        %dma_wait3A_129 = tpu.memref_squeeze %dma_wait3A_128 : memref<1x64x128xf32, #tpu.memory_space<vmem>> -> memref<64x128xf32, #tpu.memory_space<vmem>>
        %dma_wait3A_130 = arith.constant 64 : i32
        %dma_wait3A_131 = tpu.memref_slice %arg6[%rem3A_17, %dma_wait3A_124, %mul3A_86, %dma_wait3A_130] : memref<2x2x16x128xi32, #tpu.memory_space<vmem>> -> memref<1x1x1x64xi32, #tpu.memory_space<vmem>>
        %dma_wait3A_132 = tpu.memref_squeeze %dma_wait3A_131 : memref<1x1x1x64xi32, #tpu.memory_space<vmem>> -> memref<64xi32, #tpu.memory_space<vmem>>
        %dma_wait3A_133 = arith.constant 0 : i32
        %dma_wait3A_134 = arith.constant 0 : i32
        %dma_wait3A_135 = tpu.memref_slice %arg2[%dma_wait3A_133, %dma_wait3A_134] : memref<10240x128xf32, #tpu.memory_space<hbm>> -> memref<10240x128xf32, #tpu.memory_space<hbm>>
        tpu.wait_indirect_dma semaphore(%arg10 : memref<!tpu.dma_semaphore, #tpu.memory_space<semaphore_mem>>) src(%dma_wait3A_135 : memref<10240x128xf32, #tpu.memory_space<hbm>>) dst(%dma_wait3A_129 : memref<64x128xf32, #tpu.memory_space<vmem>>)
        %dma_start3A_136 = arith.constant 0 : i32
        %dma_start3A_137 = arith.constant 1 : i32
        %dma_start3A_138 = arith.constant 0 : i32
        %dma_start3A_139 = arith.constant 0 : i32
        %dma_start3A_140 = tpu.memref_slice %arg7[%dma_start3A_136, %dma_start3A_138, %dma_start3A_139] : memref<2x128x128xf32, #tpu.memory_space<vmem>> -> memref<1x128x128xf32, #tpu.memory_space<vmem>>
        %dma_start3A_141 = tpu.memref_squeeze %dma_start3A_140 : memref<1x128x128xf32, #tpu.memory_space<vmem>> -> memref<128x128xf32, #tpu.memory_space<vmem>>
        %dma_start3A_142 = arith.constant 0 : i32
        %dma_start3A_143 = tpu.memref_slice %arg6[%rem3A_17, %dma_start3A_137, %mul3A_86, %dma_start3A_142] : memref<2x2x16x128xi32, #tpu.memory_space<vmem>> -> memref<1x1x1x128xi32, #tpu.memory_space<vmem>>
        %dma_start3A_144 = tpu.memref_squeeze %dma_start3A_143 : memref<1x1x1x128xi32, #tpu.memory_space<vmem>> -> memref<128xi32, #tpu.memory_space<vmem>>
        %dma_start3A_145 = arith.constant 0 : i32
        %dma_start3A_146 = arith.constant 0 : i32
        %dma_start3A_147 = tpu.memref_slice %arg8[%dma_start3A_145, %dma_start3A_146] : memref<10240x128xf32, #tpu.memory_space<vmem_shared>> -> memref<10240x128xf32, #tpu.memory_space<vmem_shared>>
        tpu.enqueue_indirect_dma source(%dma_start3A_141 : memref<128x128xf32, #tpu.memory_space<vmem>>) target(%dma_start3A_147 : memref<10240x128xf32, #tpu.memory_space<vmem_shared>>) offsets(%dma_start3A_144 : memref<128xi32, #tpu.memory_space<vmem>>) semaphore(%arg12 : memref<!tpu.dma_semaphore, #tpu.memory_space<semaphore_mem>>) {add = true}
        %lt3A_148 = arith.constant 7 : i32
        %lt3A_149 = arith.cmpi slt, %scan3A_84, %lt3A_148 : i32
        %convert_element_type3A_150 = arith.extui %lt3A_149 : i1 to i32
        %cond3A_151 = arith.constant 0 : i32
        %cond3A_152 = arith.cmpi ne, %convert_element_type3A_150, %cond3A_151 : i32
        scf.if %cond3A_152 {
          %dma_wait3A_194 = arith.constant 0 : i32
          %dma_wait3A_195 = arith.constant 1 : i32
          %dma_wait3A_196 = arith.constant 0 : i32
          %dma_wait3A_197 = arith.constant 0 : i32
          %dma_wait3A_198 = tpu.memref_slice %arg7[%dma_wait3A_194, %dma_wait3A_196, %dma_wait3A_197] : memref<2x128x128xf32, #tpu.memory_space<vmem>> -> memref<1x128x128xf32, #tpu.memory_space<vmem>>
          %dma_wait3A_199 = tpu.memref_squeeze %dma_wait3A_198 : memref<1x128x128xf32, #tpu.memory_space<vmem>> -> memref<128x128xf32, #tpu.memory_space<vmem>>
          %dma_wait3A_200 = arith.constant 0 : i32
          %dma_wait3A_201 = tpu.memref_slice %arg6[%rem3A_17, %dma_wait3A_195, %mul3A_86, %dma_wait3A_200] : memref<2x2x16x128xi32, #tpu.memory_space<vmem>> -> memref<1x1x1x128xi32, #tpu.memory_space<vmem>>
          %dma_wait3A_202 = tpu.memref_squeeze %dma_wait3A_201 : memref<1x1x1x128xi32, #tpu.memory_space<vmem>> -> memref<128xi32, #tpu.memory_space<vmem>>
          %dma_wait3A_203 = arith.constant 0 : i32
          %dma_wait3A_204 = arith.constant 0 : i32
          %dma_wait3A_205 = tpu.memref_slice %arg8[%dma_wait3A_203, %dma_wait3A_204] : memref<10240x128xf32, #tpu.memory_space<vmem_shared>> -> memref<10240x128xf32, #tpu.memory_space<vmem_shared>>
          tpu.wait_indirect_dma semaphore(%arg12 : memref<!tpu.dma_semaphore, #tpu.memory_space<semaphore_mem>>) src(%dma_wait3A_199 : memref<128x128xf32, #tpu.memory_space<vmem>>) dst(%dma_wait3A_205 : memref<10240x128xf32, #tpu.memory_space<vmem_shared>>)
          %add3A_206 = arith.constant 2 : i32
          %add3A_207 = arith.addi %mul3A_86, %add3A_206 : i32
          %dma_start3A_208 = arith.constant 0 : i32
          %dma_start3A_209 = arith.constant 0 : i32
          %dma_start3A_210 = arith.constant 0 : i32
          %dma_start3A_211 = arith.constant 0 : i32
          %dma_start3A_212 = tpu.memref_slice %arg7[%dma_start3A_209, %dma_start3A_210, %dma_start3A_211] : memref<2x128x128xf32, #tpu.memory_space<vmem>> -> memref<1x64x128xf32, #tpu.memory_space<vmem>>
          %dma_start3A_213 = tpu.memref_squeeze %dma_start3A_212 : memref<1x64x128xf32, #tpu.memory_space<vmem>> -> memref<64x128xf32, #tpu.memory_space<vmem>>
          %dma_start3A_214 = arith.constant 0 : i32
          %dma_start3A_215 = tpu.memref_slice %arg6[%rem3A_17, %dma_start3A_208, %add3A_207, %dma_start3A_214] : memref<2x2x16x128xi32, #tpu.memory_space<vmem>> -> memref<1x1x1x64xi32, #tpu.memory_space<vmem>>
          %dma_start3A_216 = tpu.memref_squeeze %dma_start3A_215 : memref<1x1x1x64xi32, #tpu.memory_space<vmem>> -> memref<64xi32, #tpu.memory_space<vmem>>
          %dma_start3A_217 = arith.constant 0 : i32
          %dma_start3A_218 = arith.constant 0 : i32
          %dma_start3A_219 = tpu.memref_slice %arg2[%dma_start3A_217, %dma_start3A_218] : memref<10240x128xf32, #tpu.memory_space<hbm>> -> memref<10240x128xf32, #tpu.memory_space<hbm>>
          tpu.enqueue_indirect_dma source(%dma_start3A_219 : memref<10240x128xf32, #tpu.memory_space<hbm>>) target(%dma_start3A_213 : memref<64x128xf32, #tpu.memory_space<vmem>>) offsets(%dma_start3A_216 : memref<64xi32, #tpu.memory_space<vmem>>) semaphore(%arg10 : memref<!tpu.dma_semaphore, #tpu.memory_space<semaphore_mem>>)
          %dma_start3A_220 = arith.constant 0 : i32
          %dma_start3A_221 = arith.constant 0 : i32
          %dma_start3A_222 = arith.constant 64 : i32
          %dma_start3A_223 = arith.constant 0 : i32
          %dma_start3A_224 = tpu.memref_slice %arg7[%dma_start3A_221, %dma_start3A_222, %dma_start3A_223] : memref<2x128x128xf32, #tpu.memory_space<vmem>> -> memref<1x64x128xf32, #tpu.memory_space<vmem>>
          %dma_start3A_225 = tpu.memref_squeeze %dma_start3A_224 : memref<1x64x128xf32, #tpu.memory_space<vmem>> -> memref<64x128xf32, #tpu.memory_space<vmem>>
          %dma_start3A_226 = arith.constant 64 : i32
          %dma_start3A_227 = tpu.memref_slice %arg6[%rem3A_17, %dma_start3A_220, %add3A_207, %dma_start3A_226] : memref<2x2x16x128xi32, #tpu.memory_space<vmem>> -> memref<1x1x1x64xi32, #tpu.memory_space<vmem>>
          %dma_start3A_228 = tpu.memref_squeeze %dma_start3A_227 : memref<1x1x1x64xi32, #tpu.memory_space<vmem>> -> memref<64xi32, #tpu.memory_space<vmem>>
          %dma_start3A_229 = arith.constant 0 : i32
          %dma_start3A_230 = arith.constant 0 : i32
          %dma_start3A_231 = tpu.memref_slice %arg2[%dma_start3A_229, %dma_start3A_230] : memref<10240x128xf32, #tpu.memory_space<hbm>> -> memref<10240x128xf32, #tpu.memory_space<hbm>>
          tpu.enqueue_indirect_dma source(%dma_start3A_231 : memref<10240x128xf32, #tpu.memory_space<hbm>>) target(%dma_start3A_225 : memref<64x128xf32, #tpu.memory_space<vmem>>) offsets(%dma_start3A_228 : memref<64xi32, #tpu.memory_space<vmem>>) semaphore(%arg10 : memref<!tpu.dma_semaphore, #tpu.memory_space<semaphore_mem>>)
        } else {
        }
        %dma_wait3A_153 = arith.constant 0 : i32
        %dma_wait3A_154 = arith.constant 1 : i32
        %dma_wait3A_155 = arith.constant 0 : i32
        %dma_wait3A_156 = arith.constant 0 : i32
        %dma_wait3A_157 = tpu.memref_slice %arg7[%dma_wait3A_154, %dma_wait3A_155, %dma_wait3A_156] : memref<2x128x128xf32, #tpu.memory_space<vmem>> -> memref<1x64x128xf32, #tpu.memory_space<vmem>>
        %dma_wait3A_158 = tpu.memref_squeeze %dma_wait3A_157 : memref<1x64x128xf32, #tpu.memory_space<vmem>> -> memref<64x128xf32, #tpu.memory_space<vmem>>
        %dma_wait3A_159 = arith.constant 0 : i32
        %dma_wait3A_160 = tpu.memref_slice %arg6[%rem3A_17, %dma_wait3A_153, %add3A_87, %dma_wait3A_159] : memref<2x2x16x128xi32, #tpu.memory_space<vmem>> -> memref<1x1x1x64xi32, #tpu.memory_space<vmem>>
        %dma_wait3A_161 = tpu.memref_squeeze %dma_wait3A_160 : memref<1x1x1x64xi32, #tpu.memory_space<vmem>> -> memref<64xi32, #tpu.memory_space<vmem>>
        %dma_wait3A_162 = arith.constant 0 : i32
        %dma_wait3A_163 = arith.constant 0 : i32
        %dma_wait3A_164 = tpu.memref_slice %arg2[%dma_wait3A_162, %dma_wait3A_163] : memref<10240x128xf32, #tpu.memory_space<hbm>> -> memref<10240x128xf32, #tpu.memory_space<hbm>>
        tpu.wait_indirect_dma semaphore(%arg11 : memref<!tpu.dma_semaphore, #tpu.memory_space<semaphore_mem>>) src(%dma_wait3A_164 : memref<10240x128xf32, #tpu.memory_space<hbm>>) dst(%dma_wait3A_158 : memref<64x128xf32, #tpu.memory_space<vmem>>)
        %dma_wait3A_165 = arith.constant 0 : i32
        %dma_wait3A_166 = arith.constant 1 : i32
        %dma_wait3A_167 = arith.constant 64 : i32
        %dma_wait3A_168 = arith.constant 0 : i32
        %dma_wait3A_169 = tpu.memref_slice %arg7[%dma_wait3A_166, %dma_wait3A_167, %dma_wait3A_168] : memref<2x128x128xf32, #tpu.memory_space<vmem>> -> memref<1x64x128xf32, #tpu.memory_space<vmem>>
        %dma_wait3A_170 = tpu.memref_squeeze %dma_wait3A_169 : memref<1x64x128xf32, #tpu.memory_space<vmem>> -> memref<64x128xf32, #tpu.memory_space<vmem>>
        %dma_wait3A_171 = arith.constant 64 : i32
        %dma_wait3A_172 = tpu.memref_slice %arg6[%rem3A_17, %dma_wait3A_165, %add3A_87, %dma_wait3A_171] : memref<2x2x16x128xi32, #tpu.memory_space<vmem>> -> memref<1x1x1x64xi32, #tpu.memory_space<vmem>>
        %dma_wait3A_173 = tpu.memref_squeeze %dma_wait3A_172 : memref<1x1x1x64xi32, #tpu.memory_space<vmem>> -> memref<64xi32, #tpu.memory_space<vmem>>
        %dma_wait3A_174 = arith.constant 0 : i32
        %dma_wait3A_175 = arith.constant 0 : i32
        %dma_wait3A_176 = tpu.memref_slice %arg2[%dma_wait3A_174, %dma_wait3A_175] : memref<10240x128xf32, #tpu.memory_space<hbm>> -> memref<10240x128xf32, #tpu.memory_space<hbm>>
        tpu.wait_indirect_dma semaphore(%arg11 : memref<!tpu.dma_semaphore, #tpu.memory_space<semaphore_mem>>) src(%dma_wait3A_176 : memref<10240x128xf32, #tpu.memory_space<hbm>>) dst(%dma_wait3A_170 : memref<64x128xf32, #tpu.memory_space<vmem>>)
        %dma_start3A_177 = arith.constant 1 : i32
        %dma_start3A_178 = arith.constant 1 : i32
        %dma_start3A_179 = arith.constant 0 : i32
        %dma_start3A_180 = arith.constant 0 : i32
        %dma_start3A_181 = tpu.memref_slice %arg7[%dma_start3A_177, %dma_start3A_179, %dma_start3A_180] : memref<2x128x128xf32, #tpu.memory_space<vmem>> -> memref<1x128x128xf32, #tpu.memory_space<vmem>>
        %dma_start3A_182 = tpu.memref_squeeze %dma_start3A_181 : memref<1x128x128xf32, #tpu.memory_space<vmem>> -> memref<128x128xf32, #tpu.memory_space<vmem>>
        %dma_start3A_183 = arith.constant 0 : i32
        %dma_start3A_184 = tpu.memref_slice %arg6[%rem3A_17, %dma_start3A_178, %add3A_87, %dma_start3A_183] : memref<2x2x16x128xi32, #tpu.memory_space<vmem>> -> memref<1x1x1x128xi32, #tpu.memory_space<vmem>>
        %dma_start3A_185 = tpu.memref_squeeze %dma_start3A_184 : memref<1x1x1x128xi32, #tpu.memory_space<vmem>> -> memref<128xi32, #tpu.memory_space<vmem>>
        %dma_start3A_186 = arith.constant 0 : i32
        %dma_start3A_187 = arith.constant 0 : i32
        %dma_start3A_188 = tpu.memref_slice %arg8[%dma_start3A_186, %dma_start3A_187] : memref<10240x128xf32, #tpu.memory_space<vmem_shared>> -> memref<10240x128xf32, #tpu.memory_space<vmem_shared>>
        tpu.enqueue_indirect_dma source(%dma_start3A_182 : memref<128x128xf32, #tpu.memory_space<vmem>>) target(%dma_start3A_188 : memref<10240x128xf32, #tpu.memory_space<vmem_shared>>) offsets(%dma_start3A_185 : memref<128xi32, #tpu.memory_space<vmem>>) semaphore(%arg13 : memref<!tpu.dma_semaphore, #tpu.memory_space<semaphore_mem>>) {add = true}
        %lt3A_189 = arith.constant 7 : i32
        %lt3A_190 = arith.cmpi slt, %scan3A_84, %lt3A_189 : i32
        %convert_element_type3A_191 = arith.extui %lt3A_190 : i1 to i32
        %cond3A_192 = arith.constant 0 : i32
        %cond3A_193 = arith.cmpi ne, %convert_element_type3A_191, %cond3A_192 : i32
        scf.if %cond3A_193 {
          %dma_wait3A_194 = arith.constant 1 : i32
          %dma_wait3A_195 = arith.constant 1 : i32
          %dma_wait3A_196 = arith.constant 0 : i32
          %dma_wait3A_197 = arith.constant 0 : i32
          %dma_wait3A_198 = tpu.memref_slice %arg7[%dma_wait3A_194, %dma_wait3A_196, %dma_wait3A_197] : memref<2x128x128xf32, #tpu.memory_space<vmem>> -> memref<1x128x128xf32, #tpu.memory_space<vmem>>
          %dma_wait3A_199 = tpu.memref_squeeze %dma_wait3A_198 : memref<1x128x128xf32, #tpu.memory_space<vmem>> -> memref<128x128xf32, #tpu.memory_space<vmem>>
          %dma_wait3A_200 = arith.constant 0 : i32
          %dma_wait3A_201 = tpu.memref_slice %arg6[%rem3A_17, %dma_wait3A_195, %add3A_87, %dma_wait3A_200] : memref<2x2x16x128xi32, #tpu.memory_space<vmem>> -> memref<1x1x1x128xi32, #tpu.memory_space<vmem>>
          %dma_wait3A_202 = tpu.memref_squeeze %dma_wait3A_201 : memref<1x1x1x128xi32, #tpu.memory_space<vmem>> -> memref<128xi32, #tpu.memory_space<vmem>>
          %dma_wait3A_203 = arith.constant 0 : i32
          %dma_wait3A_204 = arith.constant 0 : i32
          %dma_wait3A_205 = tpu.memref_slice %arg8[%dma_wait3A_203, %dma_wait3A_204] : memref<10240x128xf32, #tpu.memory_space<vmem_shared>> -> memref<10240x128xf32, #tpu.memory_space<vmem_shared>>
          tpu.wait_indirect_dma semaphore(%arg13 : memref<!tpu.dma_semaphore, #tpu.memory_space<semaphore_mem>>) src(%dma_wait3A_199 : memref<128x128xf32, #tpu.memory_space<vmem>>) dst(%dma_wait3A_205 : memref<10240x128xf32, #tpu.memory_space<vmem_shared>>)
        } else {
        }
      }
      %scan3A_53 = arith.constant 8 : i32
      %dma_wait3A = arith.constant 0 : i32
      %dma_wait3A_54 = arith.constant 1 : i32
      %dma_wait3A_55 = arith.constant 14 : i32
      %dma_wait3A_56 = arith.constant 0 : i32
      %dma_wait3A_57 = arith.constant 0 : i32
      %dma_wait3A_58 = tpu.memref_slice %arg7[%dma_wait3A, %dma_wait3A_56, %dma_wait3A_57] : memref<2x128x128xf32, #tpu.memory_space<vmem>> -> memref<1x128x128xf32, #tpu.memory_space<vmem>>
      %dma_wait3A_59 = tpu.memref_squeeze %dma_wait3A_58 : memref<1x128x128xf32, #tpu.memory_space<vmem>> -> memref<128x128xf32, #tpu.memory_space<vmem>>
      %dma_wait3A_60 = arith.constant 0 : i32
      %dma_wait3A_61 = tpu.memref_slice %arg6[%rem3A_17, %dma_wait3A_54, %dma_wait3A_55, %dma_wait3A_60] : memref<2x2x16x128xi32, #tpu.memory_space<vmem>> -> memref<1x1x1x128xi32, #tpu.memory_space<vmem>>
      %dma_wait3A_62 = tpu.memref_squeeze %dma_wait3A_61 : memref<1x1x1x128xi32, #tpu.memory_space<vmem>> -> memref<128xi32, #tpu.memory_space<vmem>>
      %dma_wait3A_63 = arith.constant 0 : i32
      %dma_wait3A_64 = arith.constant 0 : i32
      %dma_wait3A_65 = tpu.memref_slice %arg8[%dma_wait3A_63, %dma_wait3A_64] : memref<10240x128xf32, #tpu.memory_space<vmem_shared>> -> memref<10240x128xf32, #tpu.memory_space<vmem_shared>>
      tpu.wait_indirect_dma semaphore(%arg12 : memref<!tpu.dma_semaphore, #tpu.memory_space<semaphore_mem>>) src(%dma_wait3A_59 : memref<128x128xf32, #tpu.memory_space<vmem>>) dst(%dma_wait3A_65 : memref<10240x128xf32, #tpu.memory_space<vmem_shared>>)
      %dma_wait3A_66 = arith.constant 1 : i32
      %dma_wait3A_67 = arith.constant 1 : i32
      %dma_wait3A_68 = arith.constant 15 : i32
      %dma_wait3A_69 = arith.constant 0 : i32
      %dma_wait3A_70 = arith.constant 0 : i32
      %dma_wait3A_71 = tpu.memref_slice %arg7[%dma_wait3A_66, %dma_wait3A_69, %dma_wait3A_70] : memref<2x128x128xf32, #tpu.memory_space<vmem>> -> memref<1x128x128xf32, #tpu.memory_space<vmem>>
      %dma_wait3A_72 = tpu.memref_squeeze %dma_wait3A_71 : memref<1x128x128xf32, #tpu.memory_space<vmem>> -> memref<128x128xf32, #tpu.memory_space<vmem>>
      %dma_wait3A_73 = arith.constant 0 : i32
      %dma_wait3A_74 = tpu.memref_slice %arg6[%rem3A_17, %dma_wait3A_67, %dma_wait3A_68, %dma_wait3A_73] : memref<2x2x16x128xi32, #tpu.memory_space<vmem>> -> memref<1x1x1x128xi32, #tpu.memory_space<vmem>>
      %dma_wait3A_75 = tpu.memref_squeeze %dma_wait3A_74 : memref<1x1x1x128xi32, #tpu.memory_space<vmem>> -> memref<128xi32, #tpu.memory_space<vmem>>
      %dma_wait3A_76 = arith.constant 0 : i32
      %dma_wait3A_77 = arith.constant 0 : i32
      %dma_wait3A_78 = tpu.memref_slice %arg8[%dma_wait3A_76, %dma_wait3A_77] : memref<10240x128xf32, #tpu.memory_space<vmem_shared>> -> memref<10240x128xf32, #tpu.memory_space<vmem_shared>>
      tpu.wait_indirect_dma semaphore(%arg13 : memref<!tpu.dma_semaphore, #tpu.memory_space<semaphore_mem>>) src(%dma_wait3A_72 : memref<128x128xf32, #tpu.memory_space<vmem>>) dst(%dma_wait3A_78 : memref<10240x128xf32, #tpu.memory_space<vmem_shared>>)
      %lt3A_79 = arith.constant 4 : i32
      %lt3A_80 = arith.cmpi slt, %scan3A_16, %lt3A_79 : i32
      %convert_element_type3A_81 = arith.extui %lt3A_80 : i1 to i32
      %cond3A_82 = arith.constant 0 : i32
      %cond3A_83 = arith.cmpi ne, %convert_element_type3A_81, %cond3A_82 : i32
      scf.if %cond3A_83 {
        %add3A = arith.constant 1 : i32
        %add3A_84 = arith.addi %scan3A_16, %add3A : i32
        %dma_wait3A_85 = arith.constant 0 : i32
        %dma_wait3A_86 = arith.constant 0 : i32
        %dma_wait3A_87 = arith.constant 0 : i32
        %dma_wait3A_88 = tpu.memref_slice %arg6[%sub3A_18, %dma_wait3A_85, %dma_wait3A_86, %dma_wait3A_87] : memref<2x2x16x128xi32, #tpu.memory_space<vmem>> -> memref<1x2x16x128xi32, #tpu.memory_space<vmem>>
        %dma_wait3A_89 = tpu.memref_squeeze %dma_wait3A_88 : memref<1x2x16x128xi32, #tpu.memory_space<vmem>> -> memref<2x16x128xi32, #tpu.memory_space<vmem>>
        %dma_wait3A_90 = arith.constant 0 : i32
        %dma_wait3A_91 = arith.constant 0 : i32
        %dma_wait3A_92 = arith.constant 0 : i32
        %dma_wait3A_93 = tpu.memref_slice %arg3[%arg0, %arg1, %add3A_84, %dma_wait3A_90, %dma_wait3A_91, %dma_wait3A_92] : memref<2x16x5x2x16x128xi32, #tpu.memory_space<hbm>> -> memref<1x1x1x2x16x128xi32, #tpu.memory_space<hbm>>
        %dma_wait3A_94 = tpu.memref_squeeze %dma_wait3A_93 : memref<1x1x1x2x16x128xi32, #tpu.memory_space<hbm>> -> memref<2x16x128xi32, #tpu.memory_space<hbm>>
        %dma_wait3A_95 = arith.constant 0 : i32
        %dma_wait3A_96 = arith.constant 0 : i32
        %dma_wait3A_97 = arith.constant 0 : i32
        %dma_wait3A_98 = tpu.memref_slice %arg6[%sub3A_18, %dma_wait3A_95, %dma_wait3A_96, %dma_wait3A_97] : memref<2x2x16x128xi32, #tpu.memory_space<vmem>> -> memref<1x2x16x128xi32, #tpu.memory_space<vmem>>
        %dma_wait3A_99 = tpu.memref_squeeze %dma_wait3A_98 : memref<1x2x16x128xi32, #tpu.memory_space<vmem>> -> memref<2x16x128xi32, #tpu.memory_space<vmem>>
        %dma_wait3A_100 = arith.constant 0 : i32
        %dma_wait3A_101 = arith.constant 0 : i32
        %dma_wait3A_102 = arith.constant 0 : i32
        %dma_wait3A_103 = tpu.memref_slice %arg3[%arg0, %arg1, %add3A_84, %dma_wait3A_100, %dma_wait3A_101, %dma_wait3A_102] : memref<2x16x5x2x16x128xi32, #tpu.memory_space<hbm>> -> memref<1x1x1x2x16x128xi32, #tpu.memory_space<hbm>>
        %dma_wait3A_104 = tpu.memref_squeeze %dma_wait3A_103 : memref<1x1x1x2x16x128xi32, #tpu.memory_space<hbm>> -> memref<2x16x128xi32, #tpu.memory_space<hbm>>
        tpu.wait_dma2 semaphore(%arg9 : memref<!tpu.dma_semaphore, #tpu.memory_space<semaphore_mem>>) src(%dma_wait3A_104 : memref<2x16x128xi32, #tpu.memory_space<hbm>>) dst(%dma_wait3A_99 : memref<2x16x128xi32, #tpu.memory_space<vmem>>)
      } else {
      }
    }
    %scan3A_11 = arith.constant 5 : i32
    %barrier3A_12 = arith.constant 0 : index
    tpu.barrier barrier_id(%barrier3A_12)
    %mul3A = arith.constant 640 : i32
    %mul3A_13 = arith.muli %arg1, %mul3A : i32
    %mul3A_14 = arith.constant 640 : i32
    %mul3A_15 = arith.muli %arg1, %mul3A_14 : i32
    "tpu.region"() ({
      %run_scoped3A_16 = tpu.sem_alloc : memref<!tpu.dma_semaphore, #tpu.memory_space<semaphore_mem>>
      %dma_start3A = arith.constant 0 : i32
      %dma_start3A_17 = tpu.memref_slice %arg5[%arg0, %mul3A_15, %dma_start3A] : memref<2x10240x128xf32, #tpu.memory_space<hbm>> -> memref<1x640x128xf32, #tpu.memory_space<hbm>>
      %dma_start3A_18 = tpu.memref_squeeze %dma_start3A_17 : memref<1x640x128xf32, #tpu.memory_space<hbm>> -> memref<640x128xf32, #tpu.memory_space<hbm>>
      %dma_start3A_19 = arith.constant 0 : i32
      %dma_start3A_20 = tpu.memref_slice %arg8[%mul3A_13, %dma_start3A_19] : memref<10240x128xf32, #tpu.memory_space<vmem_shared>> -> memref<640x128xf32, #tpu.memory_space<vmem_shared>>
      tpu.enqueue_dma source(%dma_start3A_20 : memref<640x128xf32, #tpu.memory_space<vmem_shared>>) target(%dma_start3A_18 : memref<640x128xf32, #tpu.memory_space<hbm>>) target_semaphore(%run_scoped3A_16 : memref<!tpu.dma_semaphore, #tpu.memory_space<semaphore_mem>>)
      %dma_wait3A = arith.constant 0 : i32
      %dma_wait3A_21 = tpu.memref_slice %arg5[%arg0, %mul3A_15, %dma_wait3A] : memref<2x10240x128xf32, #tpu.memory_space<hbm>> -> memref<1x640x128xf32, #tpu.memory_space<hbm>>
      %dma_wait3A_22 = tpu.memref_squeeze %dma_wait3A_21 : memref<1x640x128xf32, #tpu.memory_space<hbm>> -> memref<640x128xf32, #tpu.memory_space<hbm>>
      %dma_wait3A_23 = arith.constant 0 : i32
      %dma_wait3A_24 = tpu.memref_slice %arg8[%mul3A_13, %dma_wait3A_23] : memref<10240x128xf32, #tpu.memory_space<vmem_shared>> -> memref<640x128xf32, #tpu.memory_space<vmem_shared>>
      tpu.wait_dma2 semaphore(%run_scoped3A_16 : memref<!tpu.dma_semaphore, #tpu.memory_space<semaphore_mem>>) src(%dma_wait3A_24 : memref<640x128xf32, #tpu.memory_space<vmem_shared>>) dst(%dma_wait3A_22 : memref<640x128xf32, #tpu.memory_space<hbm>>)
      tpu.yield
    }) : () -> ()
    return
  }
}

module attributes {stable_mosaic.version = 14 : i64} {
  func.func @_tc_pre_body(%arg0: i32, %arg1: memref<2048x128xf32, #tpu.memory_space<vmem>>, %arg2: memref<128x128xf32, #tpu.memory_space<vmem>>, %arg3: memref<2x2048x128xf32, #tpu.memory_space<vmem>>, %arg4: memref<2048x128xf32, #tpu.memory_space<vmem>>) attributes {dimension_semantics = [#tpu.dimension_semantics<arbitrary>], iteration_bounds = array<i64: 5>, scalar_prefetch = 0 : i64, scratch_operands = 0 : i64, tpu.core_type = #tpu.core_type<tc>, window_params = [{transform_indices = @transform_0, window_bounds = array<i64: 2048, 128>}, {pipeline_mode = #tpu.pipeline_mode<synchronous>, transform_indices = @transform_1, window_bounds = array<i64: 128, 128>}, {transform_indices = @transform_2, window_bounds = array<i64: 2, 2048, 128>}, {transform_indices = @transform_3, window_bounds = array<i64: 2048, 128>}]} {
    %get3A = arith.constant 0 : index
    %get3A_0 = arith.constant 0 : index
    %get3A_1 = arith.constant 0 : index
    %get3A_2 = vector.load %arg3[%get3A, %get3A_0, %get3A_1] : memref<2x2048x128xf32, #tpu.memory_space<vmem>>, vector<1x2048x1xf32>
    %get3A_3 = vector.shape_cast %get3A_2 : vector<1x2048x1xf32> to vector<2048xf32>
    %get3A_4 = arith.constant 1 : index
    %get3A_5 = arith.constant 0 : index
    %get3A_6 = arith.constant 0 : index
    %get3A_7 = vector.load %arg3[%get3A_4, %get3A_5, %get3A_6] : memref<2x2048x128xf32, #tpu.memory_space<vmem>>, vector<1x2048x1xf32>
    %get3A_8 = vector.shape_cast %get3A_7 : vector<1x2048x1xf32> to vector<2048xf32>
    %add3A = arith.addf %get3A_3, %get3A_8 : vector<2048xf32>
    %gt3A = arith.constant 0.000000e+00 : f32
    %gt3A_9 = vector.broadcast %gt3A : f32 to vector<2048xf32>
    %gt3A_10 = arith.cmpf ogt, %add3A, %gt3A_9 : vector<2048xf32>
    %rsqrt3A = math.rsqrt %add3A : vector<2048xf32>
    %jit3A = arith.constant 0.000000e+00 : f32
    %broadcast_in_dim3A = vector.broadcast %jit3A : f32 to vector<2048xf32>
    %select_n3A = arith.select %gt3A_10, %rsqrt3A, %broadcast_in_dim3A : vector<2048xi1>, vector<2048xf32>
    %get3A_11 = arith.constant 0 : index
    %get3A_12 = arith.constant 0 : index
    %get3A_13 = vector.load %arg1[%get3A_11, %get3A_12] : memref<2048x128xf32, #tpu.memory_space<vmem>>, vector<2048x128xf32>
    %get3A_14 = arith.constant 0 : index
    %get3A_15 = arith.constant 0 : index
    %get3A_16 = vector.load %arg2[%get3A_14, %get3A_15] : memref<128x128xf32, #tpu.memory_space<vmem>>, vector<128x128xf32>
    %dot_general3A = arith.constant dense<0.000000e+00> : vector<2048x128xf32>
    %dot_general3A_17 = tpu.matmul %get3A_13, %get3A_16, %dot_general3A {dimension_numbers = #tpu.dot_dimension_numbers<[1], [0], [0], [1], [0, 0, 1, 1], [], []>, transpose_lhs_hint = false} : vector<2048x128xf32>, vector<128x128xf32>, vector<2048x128xf32> -> vector<2048x128xf32>
    %broadcast_in_dim3A_18 = vector.shape_cast %select_n3A : vector<2048xf32> to vector<2048x1xf32>
    %mul3A = vector.broadcast %broadcast_in_dim3A_18 : vector<2048x1xf32> to vector<2048x128xf32>
    %mul3A_19 = arith.mulf %dot_general3A_17, %mul3A : vector<2048x128xf32>
    %swap3A = arith.constant 0 : index
    %swap3A_20 = arith.constant 0 : index
    %swap3A_21 = vector.load %arg4[%swap3A, %swap3A_20] : memref<2048x128xf32, #tpu.memory_space<vmem>>, vector<2048x128xf32>
    tpu.vector_store %arg4[%swap3A, %swap3A_20], %mul3A_19 {strides = array<i32>} : memref<2048x128xf32, #tpu.memory_space<vmem>>, vector<2048x128xf32>,
    return
  }
  func.func @transform_0(%arg0: i32) -> (i32, i32) {
    %c0_i32 = arith.constant 0 : i32
    %c0_i32_0 = arith.constant 0 : i32
    return %arg0, %c0_i32 : i32, i32
  }
  func.func @transform_1(%arg0: i32) -> (i32, i32) {
    %c0_i32 = arith.constant 0 : i32
    %c0_i32_0 = arith.constant 0 : i32
    %c0_i32_1 = arith.constant 0 : i32
    return %c0_i32, %c0_i32_0 : i32, i32
  }
  func.func @transform_2(%arg0: i32) -> (i32, i32, i32) {
    %c0_i32 = arith.constant 0 : i32
    %c0_i32_0 = arith.constant 0 : i32
    %c0_i32_1 = arith.constant 0 : i32
    return %c0_i32, %arg0, %c0_i32_0 : i32, i32, i32
  }
  func.func @transform_3(%arg0: i32) -> (i32, i32) {
    %c0_i32 = arith.constant 0 : i32
    %c0_i32_0 = arith.constant 0 : i32
    return %arg0, %c0_i32 : i32, i32
  }
}

module attributes {stable_mosaic.version = 14 : i64} {
  func.func @_tc_mid_body(%arg0: i32, %arg1: memref<2x2048x128xf32, #tpu.memory_space<vmem>>, %arg2: memref<2x2048x128xf32, #tpu.memory_space<vmem>>, %arg3: memref<1x128xf32, #tpu.memory_space<vmem>>, %arg4: memref<128x128xf32, #tpu.memory_space<vmem>>, %arg5: memref<2048x128xf32, #tpu.memory_space<vmem>>) attributes {dimension_semantics = [#tpu.dimension_semantics<arbitrary>], iteration_bounds = array<i64: 5>, scalar_prefetch = 0 : i64, scratch_operands = 0 : i64, tpu.core_type = #tpu.core_type<tc>, window_params = [{transform_indices = @transform_0, window_bounds = array<i64: 2, 2048, 128>}, {transform_indices = @transform_1, window_bounds = array<i64: 2, 2048, 128>}, {pipeline_mode = #tpu.pipeline_mode<synchronous>, transform_indices = @transform_2, window_bounds = array<i64: 1, 128>}, {pipeline_mode = #tpu.pipeline_mode<synchronous>, transform_indices = @transform_3, window_bounds = array<i64: 128, 128>}, {transform_indices = @transform_4, window_bounds = array<i64: 2048, 128>}]} {
    %get3A = arith.constant 0 : index
    %get3A_0 = arith.constant 0 : index
    %get3A_1 = arith.constant 0 : index
    %get3A_2 = vector.load %arg2[%get3A, %get3A_0, %get3A_1] : memref<2x2048x128xf32, #tpu.memory_space<vmem>>, vector<1x2048x1xf32>
    %get3A_3 = vector.shape_cast %get3A_2 : vector<1x2048x1xf32> to vector<2048xf32>
    %get3A_4 = arith.constant 1 : index
    %get3A_5 = arith.constant 0 : index
    %get3A_6 = arith.constant 0 : index
    %get3A_7 = vector.load %arg2[%get3A_4, %get3A_5, %get3A_6] : memref<2x2048x128xf32, #tpu.memory_space<vmem>>, vector<1x2048x1xf32>
    %get3A_8 = vector.shape_cast %get3A_7 : vector<1x2048x1xf32> to vector<2048xf32>
    %add3A = arith.addf %get3A_3, %get3A_8 : vector<2048xf32>
    %gt3A = arith.constant 0.000000e+00 : f32
    %gt3A_9 = vector.broadcast %gt3A : f32 to vector<2048xf32>
    %gt3A_10 = arith.cmpf ogt, %add3A, %gt3A_9 : vector<2048xf32>
    %rsqrt3A = math.rsqrt %add3A : vector<2048xf32>
    %jit3A = arith.constant 0.000000e+00 : f32
    %broadcast_in_dim3A = vector.broadcast %jit3A : f32 to vector<2048xf32>
    %select_n3A = arith.select %gt3A_10, %rsqrt3A, %broadcast_in_dim3A : vector<2048xi1>, vector<2048xf32>
    %get3A_11 = arith.constant 0 : index
    %get3A_12 = arith.constant 0 : index
    %get3A_13 = arith.constant 0 : index
    %get3A_14 = vector.load %arg1[%get3A_11, %get3A_12, %get3A_13] : memref<2x2048x128xf32, #tpu.memory_space<vmem>>, vector<1x2048x128xf32>
    %get3A_15 = vector.shape_cast %get3A_14 : vector<1x2048x128xf32> to vector<2048x128xf32>
    %get3A_16 = arith.constant 1 : index
    %get3A_17 = arith.constant 0 : index
    %get3A_18 = arith.constant 0 : index
    %get3A_19 = vector.load %arg1[%get3A_16, %get3A_17, %get3A_18] : memref<2x2048x128xf32, #tpu.memory_space<vmem>>, vector<1x2048x128xf32>
    %get3A_20 = vector.shape_cast %get3A_19 : vector<1x2048x128xf32> to vector<2048x128xf32>
    %add3A_21 = arith.addf %get3A_15, %get3A_20 : vector<2048x128xf32>
    %broadcast_in_dim3A_22 = vector.shape_cast %select_n3A : vector<2048xf32> to vector<2048x1xf32>
    %mul3A = vector.broadcast %broadcast_in_dim3A_22 : vector<2048x1xf32> to vector<2048x128xf32>
    %mul3A_23 = arith.mulf %add3A_21, %mul3A : vector<2048x128xf32>
    %get3A_24 = arith.constant 0 : index
    %get3A_25 = arith.constant 0 : index
    %get3A_26 = vector.load %arg3[%get3A_24, %get3A_25] : memref<1x128xf32, #tpu.memory_space<vmem>>, vector<1x128xf32>
    %add3A_27 = vector.broadcast %get3A_26 : vector<1x128xf32> to vector<2048x128xf32>
    %add3A_28 = arith.addf %mul3A_23, %add3A_27 : vector<2048x128xf32>
    %max3A = arith.constant 0.000000e+00 : f32
    %max3A_29 = vector.broadcast %max3A : f32 to vector<2048x128xf32>
    %max3A_30 = arith.maximumf %add3A_28, %max3A_29 : vector<2048x128xf32>
    %get3A_31 = arith.constant 0 : index
    %get3A_32 = arith.constant 0 : index
    %get3A_33 = vector.load %arg4[%get3A_31, %get3A_32] : memref<128x128xf32, #tpu.memory_space<vmem>>, vector<128x128xf32>
    %dot_general3A = arith.constant dense<0.000000e+00> : vector<2048x128xf32>
    %dot_general3A_34 = tpu.matmul %max3A_30, %get3A_33, %dot_general3A {dimension_numbers = #tpu.dot_dimension_numbers<[1], [0], [0], [1], [0, 0, 1, 1], [], []>, transpose_lhs_hint = false} : vector<2048x128xf32>, vector<128x128xf32>, vector<2048x128xf32> -> vector<2048x128xf32>
    %broadcast_in_dim3A_35 = vector.shape_cast %select_n3A : vector<2048xf32> to vector<2048x1xf32>
    %mul3A_36 = vector.broadcast %broadcast_in_dim3A_35 : vector<2048x1xf32> to vector<2048x128xf32>
    %mul3A_37 = arith.mulf %dot_general3A_34, %mul3A_36 : vector<2048x128xf32>
    %swap3A = arith.constant 0 : index
    %swap3A_38 = arith.constant 0 : index
    %swap3A_39 = vector.load %arg5[%swap3A, %swap3A_38] : memref<2048x128xf32, #tpu.memory_space<vmem>>, vector<2048x128xf32>
    tpu.vector_store %arg5[%swap3A, %swap3A_38], %mul3A_37 {strides = array<i32>} : memref<2048x128xf32, #tpu.memory_space<vmem>>, vector<2048x128xf32>,
    return
  }
  func.func @transform_0(%arg0: i32) -> (i32, i32, i32) {
    %c0_i32 = arith.constant 0 : i32
    %c0_i32_0 = arith.constant 0 : i32
    %c0_i32_1 = arith.constant 0 : i32
    return %c0_i32, %arg0, %c0_i32_0 : i32, i32, i32
  }
  func.func @transform_1(%arg0: i32) -> (i32, i32, i32) {
    %c0_i32 = arith.constant 0 : i32
    %c0_i32_0 = arith.constant 0 : i32
    %c0_i32_1 = arith.constant 0 : i32
    return %c0_i32, %arg0, %c0_i32_0 : i32, i32, i32
  }
  func.func @transform_2(%arg0: i32) -> (i32, i32) {
    %c0_i32 = arith.constant 0 : i32
    %c0_i32_0 = arith.constant 0 : i32
    %c0_i32_1 = arith.constant 0 : i32
    return %c0_i32, %c0_i32_0 : i32, i32
  }
  func.func @transform_3(%arg0: i32) -> (i32, i32) {
    %c0_i32 = arith.constant 0 : i32
    %c0_i32_0 = arith.constant 0 : i32
    %c0_i32_1 = arith.constant 0 : i32
    return %c0_i32, %c0_i32_0 : i32, i32
  }
  func.func @transform_4(%arg0: i32) -> (i32, i32) {
    %c0_i32 = arith.constant 0 : i32
    %c0_i32_0 = arith.constant 0 : i32
    return %arg0, %c0_i32 : i32, i32
  }
}

module attributes {stable_mosaic.version = 14 : i64} {
  func.func @_tc_post_body(%arg0: i32, %arg1: memref<2x2048x128xf32, #tpu.memory_space<vmem>>, %arg2: memref<2x2048x128xf32, #tpu.memory_space<vmem>>, %arg3: memref<1x128xf32, #tpu.memory_space<vmem>>, %arg4: memref<2048x128xf32, #tpu.memory_space<vmem>>) attributes {dimension_semantics = [#tpu.dimension_semantics<arbitrary>], iteration_bounds = array<i64: 5>, scalar_prefetch = 0 : i64, scratch_operands = 0 : i64, tpu.core_type = #tpu.core_type<tc>, window_params = [{transform_indices = @transform_0, window_bounds = array<i64: 2, 2048, 128>}, {transform_indices = @transform_1, window_bounds = array<i64: 2, 2048, 128>}, {pipeline_mode = #tpu.pipeline_mode<synchronous>, transform_indices = @transform_2, window_bounds = array<i64: 1, 128>}, {transform_indices = @transform_3, window_bounds = array<i64: 2048, 128>}]} {
    %get3A = arith.constant 0 : index
    %get3A_0 = arith.constant 0 : index
    %get3A_1 = arith.constant 0 : index
    %get3A_2 = vector.load %arg2[%get3A, %get3A_0, %get3A_1] : memref<2x2048x128xf32, #tpu.memory_space<vmem>>, vector<1x2048x1xf32>
    %get3A_3 = vector.shape_cast %get3A_2 : vector<1x2048x1xf32> to vector<2048xf32>
    %get3A_4 = arith.constant 1 : index
    %get3A_5 = arith.constant 0 : index
    %get3A_6 = arith.constant 0 : index
    %get3A_7 = vector.load %arg2[%get3A_4, %get3A_5, %get3A_6] : memref<2x2048x128xf32, #tpu.memory_space<vmem>>, vector<1x2048x1xf32>
    %get3A_8 = vector.shape_cast %get3A_7 : vector<1x2048x1xf32> to vector<2048xf32>
    %add3A = arith.addf %get3A_3, %get3A_8 : vector<2048xf32>
    %gt3A = arith.constant 0.000000e+00 : f32
    %gt3A_9 = vector.broadcast %gt3A : f32 to vector<2048xf32>
    %gt3A_10 = arith.cmpf ogt, %add3A, %gt3A_9 : vector<2048xf32>
    %rsqrt3A = math.rsqrt %add3A : vector<2048xf32>
    %jit3A = arith.constant 0.000000e+00 : f32
    %broadcast_in_dim3A = vector.broadcast %jit3A : f32 to vector<2048xf32>
    %select_n3A = arith.select %gt3A_10, %rsqrt3A, %broadcast_in_dim3A : vector<2048xi1>, vector<2048xf32>
    %get3A_11 = arith.constant 0 : index
    %get3A_12 = arith.constant 0 : index
    %get3A_13 = arith.constant 0 : index
    %get3A_14 = vector.load %arg1[%get3A_11, %get3A_12, %get3A_13] : memref<2x2048x128xf32, #tpu.memory_space<vmem>>, vector<1x2048x128xf32>
    %get3A_15 = vector.shape_cast %get3A_14 : vector<1x2048x128xf32> to vector<2048x128xf32>
    %get3A_16 = arith.constant 1 : index
    %get3A_17 = arith.constant 0 : index
    %get3A_18 = arith.constant 0 : index
    %get3A_19 = vector.load %arg1[%get3A_16, %get3A_17, %get3A_18] : memref<2x2048x128xf32, #tpu.memory_space<vmem>>, vector<1x2048x128xf32>
    %get3A_20 = vector.shape_cast %get3A_19 : vector<1x2048x128xf32> to vector<2048x128xf32>
    %add3A_21 = arith.addf %get3A_15, %get3A_20 : vector<2048x128xf32>
    %broadcast_in_dim3A_22 = vector.shape_cast %select_n3A : vector<2048xf32> to vector<2048x1xf32>
    %mul3A = vector.broadcast %broadcast_in_dim3A_22 : vector<2048x1xf32> to vector<2048x128xf32>
    %mul3A_23 = arith.mulf %add3A_21, %mul3A : vector<2048x128xf32>
    %get3A_24 = arith.constant 0 : index
    %get3A_25 = arith.constant 0 : index
    %get3A_26 = vector.load %arg3[%get3A_24, %get3A_25] : memref<1x128xf32, #tpu.memory_space<vmem>>, vector<1x128xf32>
    %add3A_27 = vector.broadcast %get3A_26 : vector<1x128xf32> to vector<2048x128xf32>
    %add3A_28 = arith.addf %mul3A_23, %add3A_27 : vector<2048x128xf32>
    %swap3A = arith.constant 0 : index
    %swap3A_29 = arith.constant 0 : index
    %swap3A_30 = vector.load %arg4[%swap3A, %swap3A_29] : memref<2048x128xf32, #tpu.memory_space<vmem>>, vector<2048x128xf32>
    tpu.vector_store %arg4[%swap3A, %swap3A_29], %add3A_28 {strides = array<i32>} : memref<2048x128xf32, #tpu.memory_space<vmem>>, vector<2048x128xf32>,
    return
  }
  func.func @transform_0(%arg0: i32) -> (i32, i32, i32) {
    %c0_i32 = arith.constant 0 : i32
    %c0_i32_0 = arith.constant 0 : i32
    %c0_i32_1 = arith.constant 0 : i32
    return %c0_i32, %arg0, %c0_i32_0 : i32, i32, i32
  }
  func.func @transform_1(%arg0: i32) -> (i32, i32, i32) {
    %c0_i32 = arith.constant 0 : i32
    %c0_i32_0 = arith.constant 0 : i32
    %c0_i32_1 = arith.constant 0 : i32
    return %c0_i32, %arg0, %c0_i32_0 : i32, i32, i32
  }
  func.func @transform_2(%arg0: i32) -> (i32, i32) {
    %c0_i32 = arith.constant 0 : i32
    %c0_i32_0 = arith.constant 0 : i32
    %c0_i32_1 = arith.constant 0 : i32
    return %c0_i32, %c0_i32_0 : i32, i32
  }
  func.func @transform_3(%arg0: i32) -> (i32, i32) {
    %c0_i32 = arith.constant 0 : i32
    %c0_i32_0 = arith.constant 0 : i32
    return %arg0, %c0_i32 : i32, i32
  }
}

</mosaic_0001>

<sc_bundles>
// kernel: kernel.11.cloned.1.call-start
scs
__scs_entry_jumppad:
0x0: {  	(pc) =	sbr.rel $0x88, $3  }
0x1: {  	(tag) =	ssettag $0x0;
	lr =	simm.s32 $0x1  }
0x2: {  	[smem:$0x3F9B] =	sst lr;
	_ =	strace $0xD0000000  }
0x3: {  	_ = 	snop  }
0x4: {  	_ = 	snop  }
0x5: {  	_ = 	snop  }
0x6: {  	_ = 	snop  }
0x7: {  	_ = 	snop  }
__scs_overlays_trampoline_lowered:
0x8: {  	[smem:$0x3FAA] =	sst s0  }
0x9: {  	[smem:$0x3FAB] =	sst s1  }
0xa: {  	[smem:$0x3FAC] =	sst s2  }
0xb: {  	[smem:$0x3FAD] =	sst s3  }
0xc: {  	[smem:$0x3FAE] =	sst s4  }
0xd: {  	[smem:$0x3FAF] =	sst s5  }
0xe: {  	[smem:$0x3FB0] =	sst s6  }
0xf: {  	[smem:$0x3FB1] =	sst s7  }
0x10: {  	[smem:$0x3FB2] =	sst s8  }
0x11: {  	[smem:$0x3FB3] =	sst s9;
	s0 =	simm.s32 @!p0 $0x0  }
0x12: {  	s1 =	sld [smem:$0x3F99];
	s0 =	simm.s32 @p0 $0x1  }
0x13: {  	[smem:$0x3FB4] =	sst s0;
	s0 =	simm.s32 @!p1 $0x0  }
0x14: {  	s2 =	sld [smem:$0x3F98];
	s0 =	simm.s32 @p1 $0x1  }
0x15: {  	[smem:$0x3FB5] =	sst s0;
	s0 =	simm.s32 @!p2 $0x0  }
0x16: {  	s3 =	sld [smem:$0x3FDB];
	s0 =	simm.s32 @p2 $0x1  }
0x17: {  	s4 =	simm.s32 $0x1BF5;
	[smem:$0x3FB7] =	sst s0  }
0x18: {  	s0 =	sld [smem:$0x3F9A];
	_ =	swait.ge [sflag:s4], $0x0  }
0x19: {  	s7 =	sld [smem:$0x3F9B]  }
0x1a: {  	s8 =	sadd.s32 $0xFFFFE003, lr  }
0x1b: {  	s9 =	sadd.s32 $0xFFFFFEF7, lr;
	s5 =	simm.s32 $0xFFFFFFFF;
	p2 =	slt.u32 s8, $0xFFFFF086  }
0x1c: {  	p1 =	slt.u32 s9, $0xF7A;
	s5 =	simm.s32 @!p2 $0x0  }
0x1d: {  	s5 =	simm.s32 @p1 $0x1;
	p0 =	seq.s32 s7, s2  }
0x1e: {  	s7 =	smul.u32 @!p0 $0xF7A, s2;
	p2 =	seq.s32 @!p0 s5, $0x0  }
0x1f: {  	s9 =	smul.u32 $0xF7A, s1;
	s8 =	simm.s32 @!p0 $0x1BF5;
	p2 =	por !p2, p0  }
0x20: {  	[sflag:s8] =	ssyncset.s32 @!p0 $0xFFFFF086;
	s6 =	sadd.s32 @!p0 s3, s7;
	s7 =	simm.s32 @!p0 $0x108  }
0x21: {  	s3 =	sadd.s32 s3, s9;
	s6 =	sadd.s32 @!p0 $0x88, s6;
	s7 =	simm.s32 @p2 $0x1082  }
0x22: {  	[simem:s7], [sflag:s8] =	dma.local @!p0 [hbm:s6], $0xF7A  }
0x23: {  	s9 =	sor.u32 $0xD0000000, s2;
	s6 =	simm.s32 $0x108;
	_ =	swait.ge @!p0 [sflag:s8], $0x0  }
0x24: {  	s3 =	sadd.s32 $0x88, s3;
	s6 =	simm.s32 @!p1 $0x1082;
	[sflag:s4] =	ssyncset.s32 $0xFFFFF086  }
0x25: {  	[simem:s6], [sflag:s4] =	dma.local [hbm:s3], $0xF7A  }
0x26: {  	[smem:$0x3F9B] =	sst s1;
	(tag) =	ssettag s2;
	_ =	strace s9  }
0x27: {  	s1 =	sld [smem:$0x3FAB]  }
0x28: {  	s2 =	sld [smem:$0x3FAC]  }
0x29: {  	s4 =	sld [smem:$0x3FAE]  }
0x2a: {  	p0 =	seq.s32 s5, $0x0;
	s5 =	sld [smem:$0x3FAF]  }
0x2b: {  	s6 =	sld [smem:$0x3FB0]  }
0x2c: {  	s7 =	sld [smem:$0x3FB1]  }
0x2d: {  	s3 =	simm.s32 $0x108;
	s8 =	sld [smem:$0x3FB2]  }
0x2e: {  	s3 =	simm.s32 @!p0 $0x1082;
	s9 =	sld [smem:$0x3FB3]  }
0x2f: {  	lr =	sadd.s32 s0, s3;
	s0 =	sld [smem:$0x3FAA]  }
0x30: {  	s3 =	sld [smem:$0x3FAD]  }
0x31: {  	[smem:$0x3FB6] =	sst s10  }
0x32: {  	s10 =	sld [smem:$0x3FB4];
	_ =	sdelay $0x3  }
0x33: {  	p0 =	seq.s32 s10, $0x1;
	s10 =	sld [smem:$0x3FB6];
	_ =	sdelay $0x3  }
0x34: {  	[smem:$0x3FB6] =	sst s10  }
0x35: {  	s10 =	sld [smem:$0x3FB5];
	_ =	sdelay $0x3  }
0x36: {  	p1 =	seq.s32 s10, $0x1;
	s10 =	sld [smem:$0x3FB6];
	_ =	sdelay $0x3  }
0x37: {  	[smem:$0x3FB6] =	sst s10  }
0x38: {  	s10 =	sld [smem:$0x3FB7]  }
0x39: {  	_ = 	snop;
	(pc) =	sbr.ind lr, $3  }
0x3a: {  	_ = 	snop  }
0x3b: {  	_ = 	snop  }
0x3c: {  	p2 =	seq.s32 s10, $0x1;
	s10 =	sld [smem:$0x3FB6]  }
0x3d: {  	_ =	shalt  }
0x3e: {  	_ =	shalt  }
0x3f: {  	_ =	shalt  }
0x40: {  	_ =	shalt  }
0x41: {  	_ =	shalt  }
0x42: {  	_ =	shalt  }
0x43: {  	_ =	shalt  }
0x44: {  	_ =	shalt  }
0x45: {  	_ =	shalt  }
0x46: {  	_ =	shalt  }
0x47: {  	_ =	shalt  }
0x48: {  	_ =	shalt  }
0x49: {  	_ =	shalt  }
0x4a: {  	_ =	shalt  }
0x4b: {  	_ =	shalt  }
0x4c: {  	_ =	shalt  }
0x4d: {  	_ =	shalt  }
0x4e: {  	_ =	shalt  }
0x4f: {  	_ =	shalt  }
0x50: {  	_ =	shalt  }
0x51: {  	_ =	shalt  }
0x52: {  	_ =	shalt  }
0x53: {  	_ =	shalt  }
0x54: {  	_ =	shalt  }
0x55: {  	_ =	shalt  }
0x56: {  	_ =	shalt  }
0x57: {  	_ =	shalt  }
0x58: {  	_ =	shalt  }
0x59: {  	_ =	shalt  }
0x5a: {  	_ =	shalt  }
0x5b: {  	_ =	shalt  }
0x5c: {  	_ =	shalt  }
0x5d: {  	_ =	shalt  }
0x5e: {  	_ =	shalt  }
0x5f: {  	_ =	shalt  }
0x60: {  	_ =	shalt  }
0x61: {  	_ =	shalt  }
0x62: {  	_ =	shalt  }
0x63: {  	_ =	shalt  }
0x64: {  	_ =	shalt  }
0x65: {  	_ =	shalt  }
0x66: {  	_ =	shalt  }
0x67: {  	_ =	shalt  }
0x68: {  	_ =	shalt  }
0x69: {  	_ =	shalt  }
0x6a: {  	_ =	shalt  }
0x6b: {  	_ =	shalt  }
0x6c: {  	_ =	shalt  }
0x6d: {  	_ =	shalt  }
0x6e: {  	_ =	shalt  }
0x6f: {  	_ =	shalt  }
0x70: {  	_ =	shalt  }
0x71: {  	_ =	shalt  }
0x72: {  	_ =	shalt  }
0x73: {  	_ =	shalt  }
0x74: {  	_ =	shalt  }
0x75: {  	_ =	shalt  }
0x76: {  	_ =	shalt  }
0x77: {  	_ =	shalt  }
0x78: {  	_ =	shalt  }
0x79: {  	_ =	shalt  }
0x7a: {  	_ =	shalt  }
0x7b: {  	_ =	shalt  }
0x7c: {  	_ =	shalt  }
0x7d: {  	_ =	shalt  }
0x7e: {  	_ =	shalt  }
0x7f: {  	_ =	shalt  }
0x80: {  	_ =	shalt  }
0x81: {  	_ =	shalt  }
0x82: {  	_ =	shalt  }
0x83: {  	_ =	shalt  }
0x84: {  	_ =	shalt  }
0x85: {  	_ =	shalt  }
0x86: {  	_ =	shalt  }
0x87: {  	_ =	shalt  }
.Lfunc_end0:
.L_simem_size_0:
called_computation.1_lowered:
.L_overlay_start_0:
0x88: {  	s2 =	sld [smem:$0x3FD9]  }
0x89: {  	s3 =	sld [smem:$0x3FFE];
	_ =	sdelay $0x1  }
0x8a: {  	s1 =	srdreg.scid  }
0x8b: {  	s0 =	sand.u32 $0x1, s1  }
0x8c: {  	s17 =	sshll.u32 s0, $0xA;
	s2 =	sadd.s32 s3, s2  }
0x8d: {  	s2 =	sadd.s32 s2, s17  }
0x8e: {  	[smem:$0x3FC2] =	sst s2  }
0x8f: {  	_ = 	snop  }
0x90: {  	s2 =	sld [smem:$0x3FD0];
	(tm) =	ssettm $0x1  }
0x91: {  	s18 =	sld [smem:$0x3FFB];
	_ =	sdelay $0x3  }
0x92: {  	_ =	strace s18  }
0x93: {  	s3 =	sld [smem:$0x3FFC];
	_ =	sdelay $0x3  }
0x94: {  	_ =	strace s3  }
0x95: {  	s3 =	sld [smem:$0x3FFD];
	_ =	sdelay $0x3  }
0x96: {  	_ =	strace s3  }
0x97: {  	_ =	strace $0x8FFFFFFF  }
0x98: {  	s19 =	sld [smem:$0x3FDB];
	_ =	sdelay $0x1  }
0x99: {  	s4 =	simm.s32 $_scs_section_size  }
0x9a: {  	s5 =	simm.s32 $_size__tile_overlayer_lowered;
	s6 =	simm.s32 $_tile_overlayer_lowered  }
0x9b: {  	s22 =	simm.s32 $0x1BFF;
	s21 =	sshll.u32 s6, $0x1;
	s3 =	sadd.s32 s4, s19  }
0x9c: {  	s7 =	simm.s32 $0x0;
	s20 =	sshll.u32 s5, $0x1;
	s5 =	sadd.s32 s21, s3  }
0x9d: {  	[timem:s7], [sflag:s22] =	dma.local [hbm:s5], s20  }
0x9e: {  	_ =	swait.ge [sflag:s22], s20  }
0x9f: {  	s4 =	ssub.s32 $0x0, s20;
	[sflag:s22] =	ssyncset.done $0x0  }
0xa0: {  	[sflag:s22] =	ssyncadd.s32 s4;
	_ =	sdelay $0x1  }
0xa1: {  	s23 =	simm.s32 $0x1B8B  }
0xa2: {  	_ =	swait.ge [sflag:s23], $0x1  }
0xa3: {  	[sflag:s23] =	ssyncset.done $0x0  }
0xa4: {  	s25 =	simm.s32 $0x1B8E;
	s24 =	sld [smem:$0x3FFE];
	[sflag:s23] =	ssyncadd.s32 $0xFFFFFFFF  }
0xa5: {  	s26 =	simm.s32 $execute0_lowered;
	[smem:$0x3FD2] =	sst s25  }
0xa6: {  	s5 =	sshll.u32 s26, $0x1;
	_ =	strace $0x80000049;
	[dreg:$0x1] =	wrdreg $0xFFFFFFFF  }
0xa7: {  	s28 =	simm.s32 $_size_execute0_lowered;
	s3 =	sadd.s32 s3, s5;
	[dreg:$0x0] =	wrdreg $0x0  }
0xa8: {  	s5 =	sshll.u32 s28, $0x1;
	[dreg:$0x2] =	wrdreg s3  }
0xa9: {  	[dreg:$0x3] =	wrdreg s5  }
0xaa: {  	[dreg:$0x4] =	wrdreg $0xC0  }
0xab: {  	_ =	task [dreg:s7], $0x5FFFF  }
0xac: {  	[dreg:$0x1] =	wrdreg $0xFFFFFFFF  }
0xad: {  	[dreg:$0x0] =	wrdreg $0x60  }
0xae: {  	[dreg:$0x2] =	wrdreg s24  }
0xaf: {  	[dreg:$0x3] =	wrdreg s2  }
0xb0: {  	[dreg:$0x4] =	wrdreg $0xA0000  }
0xb1: {  	[dreg:$0x5] =	wrdreg $0x9  }
0xb2: {  	_ =	task.clear_ibuf [dreg:s7], $0x6FFFF;
	_ =	strace $0x90000049  }
0xb3: {  	s29 =	simm.s32 $0x9;
	_ =	strace $0x8000004B  }
0xb4: {  	_ =	swait.ge [sflag:s29], $0x1  }
0xb5: {  	[sflag:s29] =	ssyncadd.s32 $0xFFFFFFFF  }
0xb6: {  	_ =	strace $0x9000004B  }
0xb7: {  	_ =	sfence  }
0xb8: {  	s30 =	sld [smem:$0x0];
	_ =	sdelay $0x2  }
0xb9: {  	s31 =	sshll.u32 s1, $0xD;
	s1 =	sshrl.u32 s1, $0x2  }
0xba: {  	s3 =	sand.u32 $0x4000, s31;
	s1 =	sadd.s32 s1, s30  }
0xbb: {  	s0 =	sor.u32 s3, s0;
	s1 =	sshll.u32 s1, $0x11  }
0xbc: {  	s0 =	sor.u32 s1, s0  }
0xbd: {  	s0 =	sadd.s32 $0x8F2B, s0  }
0xbe: {  	[sflag:s0] =	ssyncadd.remote.s32 $0x1  }
0xbf: {  	_ =	sfence.sel $0xFFFF  }
0xc0: {  	[dreg:$0x0] =	wrdreg $0xFFFFFFFF;
	(pc) =	sbr.abs _section_cstart, $3  }
0xc1: {  	[dreg:$0x1] =	wrdreg $0xFFFFFFFF  }
0xc2: {  	_ =	task.clear_ibuf [dreg:s7], $0x2FFFF;
	_ =	strace $0x9FFFFFFF  }
0xc3: {  	(tm) =	ssettm $0x7FFFFFFF  }
tec
execute0_lowered:
.L_overlay_start_1:
0x0: {  	(tag) =	ssettag $0x1  }
0x1: {  	s6 =	rddreg [dreg:$0x0]  }
0x2: {  	s1 =	rddreg [dreg:$0x1]  }
0x3: {  	s2 =	rddreg [dreg:$0x2]  }
0x4: {  	s0 =	rddreg [dreg:$0x3]  }
0x5: {  	s4 =	simm.s32 $0x0;
	s3 =	srdreg.scid;
	s15 =	simm.s32 $0x2000  }
0x6: {  	s16 =	simm.s32 $0x4000;
	s17 =	simm.s32 $0x6000;
	s18 =	simm.s32 $0x8000  }
0x7: {  	s19 =	simm.s32 $0x2;
	s20 =	simm.s32 $0x80;
	s7 =	sand.u32 $0x1, s3  }
0x8: {  	s21 =	simm.s32 $0x4;
	s3 =	stileid.u32;
	s8 =	smul.u32 $0x140000, s7  }
0x9: {  	s22 =	simm.s32 $0x3;
	s23 =	simm.s32 $0x5;
	s9 =	smul.u32 $0x14000, s3  }
0xa: {  	s24 =	simm.s32 $0x1;
	[smem:$0x7FF] =	sst s4;
	s11 =	smul.u32 $0x50000, s7  }
0xb: {  	s5 =	sadd.s32 $0x2A800, s6;
	s10 =	sadd.s32 $0x2800, s6;
	s12 =	smul.u32 $0x5000, s3  }
0xc: {  	_ =	strace $0x8000004A;
	s25 =	ssub.s32 $0x2, s7;
	s14 =	smul.u32 $0x50000, s3  }
0xd: {  	p0 =	seq.s32 s7, $0x0;
	s30 =	smul.u32 $0x2800, s3;
	s31 =	sshll.u32 s3, $0x6  }
0xe: {  	s13 =	sshrl.u32 s25, $0x1;
	s10 =	smov.u32 @p0 s5;
	s8 =	sadd.s32 s9, s8  }
0xf: {  	s9 =	ssub.s32 s25, s13;
	s11 =	sadd.s32 s12, s11;
	s26 =	sshrl.u32 s14, $0x2  }
.Ltmp0:
0x10: {  	s13 =	simm.s32 $0x6;
	s14 =	simm.s32 $0x40;
	(pc) =	sbr.rel .LBB2_1-.Ltmp0, $4  }
0x11: {  	s25 =	simm.s32 $0x0;
	s8 =	sshrl.u32 s8, $0x3;
	s28 =	sshrl.u32 s11, $0x3  }
0x12: {  	s29 =	sadd.s32 s26, s2;
	s11 =	sadd.s32 $0x1000, s11;
	s8 =	sadd.s32 s8, s6  }
0x13: {  	s6 =	sadd.s32 s1, s28;
	s12 =	sshrl.u32 s29, $0x3;
	s7 =	sadd.s32 $0xA2800, s8  }
0x14: {  	s8 =	smax.u32 s9, $0x1;
	s9 =	sadd.s32 s10, s30;
	s10 =	sor.u32 $0x1C06, s31  }
.LBB2_4:
0x15: {  	s25 =	sadd.s32 $0x1, s25  }
0x16: {  	p0 =	sne.s32 s25, s8  }
.Ltmp1:
0x17: {  	[bflag:$0x0] =	sbarrier.arrive $0xFFFF;
	(pc) =	sbr.rel @!p0 .LBB2_5-.Ltmp1, $4  }
0x18: {  	[hbm:s7], [sflag:s10] =	dma.local [spmem:s12], $0x2800  }
0x19: {  	_ =	swait.ge [sflag:s13], $0x2800  }
0x1a: {  	[sflag:s13] =	ssyncset.done $0x0  }
0x1b: {  	[sflag:s13] =	ssyncadd.s32 $0xFFFFD800  }
.LBB2_1:
0x1c: {  	[spmem:s12], [sflag:s10] =	dma.local [hbm:s9], $0x2800  }
0x1d: {  	_ =	swait.ge [sflag:s13], $0x2800  }
0x1e: {  	[sflag:s13] =	ssyncset.done $0x0  }
0x1f: {  	[sflag:s13] =	ssyncadd.s32 $0xFFFFD800  }
0x20: {  	[tilespmem:s4], [sflag:$0x6] =	stream.linear.gather [hbm4b:s6+s4], $0x1000, $0x38;
	[tilespmem:$0x1E000] =	vst v63  }
0x21: {  	_ =	swait.ge [sflag:s13], $0x1000  }
0x22: {  	[sflag:s13] =	ssyncset.done $0x0  }
0x23: {  	[sflag:s13] =	ssyncadd.s32 $0xFFFFF000  }
0x24: {  	s26 =	simm.s32 $0x0;
	[bflag:$0x0] =	sbarrier.arrive $0xFFFF  }
.LBB2_2:
0x25: {  	p0 =	seq.s32 s26, $0x4000  }
0x26: {  	s29 =	sadd.s32 @!p0 s26, s11  }
0x27: {  	s28 =	sand.u32 @!p0 $0x1000, s26;
	s29 =	sshrl.u32 @!p0 s29, $0x3  }
0x28: {  	s31 =	simm.s32 @!p0 $0x0;
	s30 =	sxor.u32 @!p0 $0x1000, s28;
	s29 =	sadd.s32 @!p0 s1, s29  }
0x29: {  	[tilespmem:s30], [sflag:$0x1] =	stream.linear.gather @!p0 [hbm4b:s29+s31], $0x1000, $0x38;
	[tilespmem:$0x1E000] =	vst v63  }
0x2a: {  	s28 =	simm.s32 @p0 $0x0  }
0x2b: {  	[tilespmem:s15], [sflag:$0x2] =	stream.indirect.gather [hbm4b:s5+s14], $0x80, s28, s14, $0xb8;
	[tilespmem:$0x1E000] =	vst v63  }
0x2c: {  	s30 =	sadd.s32 $0x40, s28  }
0x2d: {  	[tilespmem:s16], [sflag:$0x2] =	stream.indirect.gather [hbm4b:s5+s14], $0x80, s30, s14, $0xb8;
	[tilespmem:$0x1E000] =	vst v63  }
0x2e: {  	s31 =	sadd.s32 $0x80, s28  }
0x2f: {  	[tilespmem:s17], [sflag:$0x3] =	stream.indirect.gather [hbm4b:s5+s14], $0x80, s31, s14, $0xb8;
	[tilespmem:$0x1E000] =	vst v63  }
0x30: {  	s30 =	sadd.s32 $0xC0, s28  }
0x31: {  	[tilespmem:s18], [sflag:$0x3] =	stream.indirect.gather [hbm4b:s5+s14], $0x80, s30, s14, $0xb8;
	[tilespmem:$0x1E000] =	vst v63  }
0x32: {  	_ =	swait.ge [sflag:s19], $0x2000  }
0x33: {  	[sflag:s19] =	ssyncset.done $0x0  }
0x34: {  	[sflag:s19] =	ssyncadd.s32 $0xFFFFE000  }
0x35: {  	_ =	swait.ge [sflag:s19], $0x2000  }
0x36: {  	[sflag:s19] =	ssyncset.done $0x0  }
0x37: {  	s31 =	sadd.s32 $0x800, s28;
	[sflag:s19] =	ssyncadd.s32 $0xFFFFE000  }
0x38: {  	[spmem:s2] =	stream.indirect.scatter.add.f32 [tilespmem:s15], [sflag:$0x4], $0x80, s31, s20, $0xb8;
	[tilespmem:$0x1E000] =	vst v63  }
0x39: {  	_ =	swait.ge [sflag:s21], $0x4000  }
0x3a: {  	[sflag:s21] =	ssyncset.done $0x0  }
0x3b: {  	s30 =	sadd.s32 $0x100, s28;
	[sflag:s21] =	ssyncadd.s32 $0xFFFFC000  }
0x3c: {  	[tilespmem:s15], [sflag:$0x2] =	stream.indirect.gather [hbm4b:s5+s14], $0x80, s30, s14, $0xb8;
	[tilespmem:$0x1E000] =	vst v63  }
0x3d: {  	s31 =	sadd.s32 $0x140, s28  }
0x3e: {  	[tilespmem:s16], [sflag:$0x2] =	stream.indirect.gather [hbm4b:s5+s14], $0x80, s31, s14, $0xb8;
	[tilespmem:$0x1E000] =	vst v63  }
0x3f: {  	_ =	swait.ge [sflag:s22], $0x2000  }
0x40: {  	[sflag:s22] =	ssyncset.done $0x0  }
0x41: {  	[sflag:s22] =	ssyncadd.s32 $0xFFFFE000  }
0x42: {  	_ =	swait.ge [sflag:s22], $0x2000  }
0x43: {  	[sflag:s22] =	ssyncset.done $0x0  }
0x44: {  	s30 =	sadd.s32 $0x880, s28;
	[sflag:s22] =	ssyncadd.s32 $0xFFFFE000  }
0x45: {  	[spmem:s2] =	stream.indirect.scatter.add.f32 [tilespmem:s17], [sflag:$0x5], $0x80, s30, s20, $0xb8;
	[tilespmem:$0x1E000] =	vst v63  }
0x46: {  	_ =	swait.ge [sflag:s23], $0x4000  }
0x47: {  	[sflag:s23] =	ssyncset.done $0x0  }
0x48: {  	s31 =	sadd.s32 $0x180, s28;
	[sflag:s23] =	ssyncadd.s32 $0xFFFFC000  }
0x49: {  	[tilespmem:s17], [sflag:$0x3] =	stream.indirect.gather [hbm4b:s5+s14], $0x80, s31, s14, $0xb8;
	[tilespmem:$0x1E000] =	vst v63  }
0x4a: {  	s30 =	sadd.s32 $0x1C0, s28  }
0x4b: {  	[tilespmem:s18], [sflag:$0x3] =	stream.indirect.gather [hbm4b:s5+s14], $0x80, s30, s14, $0xb8;
	[tilespmem:$0x1E000] =	vst v63  }
0x4c: {  	_ =	swait.ge [sflag:s19], $0x2000  }
0x4d: {  	[sflag:s19] =	ssyncset.done $0x0  }
0x4e: {  	[sflag:s19] =	ssyncadd.s32 $0xFFFFE000  }
0x4f: {  	_ =	swait.ge [sflag:s19], $0x2000  }
0x50: {  	[sflag:s19] =	ssyncset.done $0x0  }
0x51: {  	s31 =	sadd.s32 $0x900, s28;
	[sflag:s19] =	ssyncadd.s32 $0xFFFFE000  }
0x52: {  	[spmem:s2] =	stream.indirect.scatter.add.f32 [tilespmem:s15], [sflag:$0x4], $0x80, s31, s20, $0xb8;
	[tilespmem:$0x1E000] =	vst v63  }
0x53: {  	_ =	swait.ge [sflag:s21], $0x4000  }
0x54: {  	[sflag:s21] =	ssyncset.done $0x0  }
0x55: {  	s30 =	sadd.s32 $0x200, s28;
	[sflag:s21] =	ssyncadd.s32 $0xFFFFC000  }
0x56: {  	[tilespmem:s15], [sflag:$0x2] =	stream.indirect.gather [hbm4b:s5+s14], $0x80, s30, s14, $0xb8;
	[tilespmem:$0x1E000] =	vst v63  }
0x57: {  	s31 =	sadd.s32 $0x240, s28  }
0x58: {  	[tilespmem:s16], [sflag:$0x2] =	stream.indirect.gather [hbm4b:s5+s14], $0x80, s31, s14, $0xb8;
	[tilespmem:$0x1E000] =	vst v63  }
0x59: {  	_ =	swait.ge [sflag:s22], $0x2000  }
0x5a: {  	[sflag:s22] =	ssyncset.done $0x0  }
0x5b: {  	[sflag:s22] =	ssyncadd.s32 $0xFFFFE000  }
0x5c: {  	_ =	swait.ge [sflag:s22], $0x2000  }
0x5d: {  	[sflag:s22] =	ssyncset.done $0x0  }
0x5e: {  	s30 =	sadd.s32 $0x980, s28;
	[sflag:s22] =	ssyncadd.s32 $0xFFFFE000  }
0x5f: {  	[spmem:s2] =	stream.indirect.scatter.add.f32 [tilespmem:s17], [sflag:$0x5], $0x80, s30, s20, $0xb8;
	[tilespmem:$0x1E000] =	vst v63  }
0x60: {  	_ =	swait.ge [sflag:s23], $0x4000  }
0x61: {  	[sflag:s23] =	ssyncset.done $0x0  }
0x62: {  	s31 =	sadd.s32 $0x280, s28;
	[sflag:s23] =	ssyncadd.s32 $0xFFFFC000  }
0x63: {  	[tilespmem:s17], [sflag:$0x3] =	stream.indirect.gather [hbm4b:s5+s14], $0x80, s31, s14, $0xb8;
	[tilespmem:$0x1E000] =	vst v63  }
0x64: {  	s30 =	sadd.s32 $0x2C0, s28  }
0x65: {  	[tilespmem:s18], [sflag:$0x3] =	stream.indirect.gather [hbm4b:s5+s14], $0x80, s30, s14, $0xb8;
	[tilespmem:$0x1E000] =	vst v63  }
0x66: {  	_ =	swait.ge [sflag:s19], $0x2000  }
0x67: {  	[sflag:s19] =	ssyncset.done $0x0  }
0x68: {  	[sflag:s19] =	ssyncadd.s32 $0xFFFFE000  }
0x69: {  	_ =	swait.ge [sflag:s19], $0x2000  }
0x6a: {  	[sflag:s19] =	ssyncset.done $0x0  }
0x6b: {  	s31 =	sadd.s32 $0xA00, s28;
	[sflag:s19] =	ssyncadd.s32 $0xFFFFE000  }
0x6c: {  	[spmem:s2] =	stream.indirect.scatter.add.f32 [tilespmem:s15], [sflag:$0x4], $0x80, s31, s20, $0xb8;
	[tilespmem:$0x1E000] =	vst v63  }
0x6d: {  	_ =	swait.ge [sflag:s21], $0x4000  }
0x6e: {  	[sflag:s21] =	ssyncset.done $0x0  }
0x6f: {  	s30 =	sadd.s32 $0x300, s28;
	[sflag:s21] =	ssyncadd.s32 $0xFFFFC000  }
0x70: {  	[tilespmem:s15], [sflag:$0x2] =	stream.indirect.gather [hbm4b:s5+s14], $0x80, s30, s14, $0xb8;
	[tilespmem:$0x1E000] =	vst v63  }
0x71: {  	s31 =	sadd.s32 $0x340, s28  }
0x72: {  	[tilespmem:s16], [sflag:$0x2] =	stream.indirect.gather [hbm4b:s5+s14], $0x80, s31, s14, $0xb8;
	[tilespmem:$0x1E000] =	vst v63  }
0x73: {  	_ =	swait.ge [sflag:s22], $0x2000  }
0x74: {  	[sflag:s22] =	ssyncset.done $0x0  }
0x75: {  	[sflag:s22] =	ssyncadd.s32 $0xFFFFE000  }
0x76: {  	_ =	swait.ge [sflag:s22], $0x2000  }
0x77: {  	[sflag:s22] =	ssyncset.done $0x0  }
0x78: {  	s30 =	sadd.s32 $0xA80, s28;
	[sflag:s22] =	ssyncadd.s32 $0xFFFFE000  }
0x79: {  	[spmem:s2] =	stream.indirect.scatter.add.f32 [tilespmem:s17], [sflag:$0x5], $0x80, s30, s20, $0xb8;
	[tilespmem:$0x1E000] =	vst v63  }
0x7a: {  	_ =	swait.ge [sflag:s23], $0x4000  }
0x7b: {  	[sflag:s23] =	ssyncset.done $0x0  }
0x7c: {  	s31 =	sadd.s32 $0x380, s28;
	[sflag:s23] =	ssyncadd.s32 $0xFFFFC000  }
0x7d: {  	[tilespmem:s17], [sflag:$0x3] =	stream.indirect.gather [hbm4b:s5+s14], $0x80, s31, s14, $0xb8;
	[tilespmem:$0x1E000] =	vst v63  }
0x7e: {  	s30 =	sadd.s32 $0x3C0, s28  }
0x7f: {  	[tilespmem:s18], [sflag:$0x3] =	stream.indirect.gather [hbm4b:s5+s14], $0x80, s30, s14, $0xb8;
	[tilespmem:$0x1E000] =	vst v63  }
0x80: {  	_ =	swait.ge [sflag:s19], $0x2000  }
0x81: {  	[sflag:s19] =	ssyncset.done $0x0  }
0x82: {  	[sflag:s19] =	ssyncadd.s32 $0xFFFFE000  }
0x83: {  	_ =	swait.ge [sflag:s19], $0x2000  }
0x84: {  	[sflag:s19] =	ssyncset.done $0x0  }
0x85: {  	s31 =	sadd.s32 $0xB00, s28;
	[sflag:s19] =	ssyncadd.s32 $0xFFFFE000  }
0x86: {  	[spmem:s2] =	stream.indirect.scatter.add.f32 [tilespmem:s15], [sflag:$0x4], $0x80, s31, s20, $0xb8;
	[tilespmem:$0x1E000] =	vst v63  }
0x87: {  	_ =	swait.ge [sflag:s21], $0x4000  }
0x88: {  	[sflag:s21] =	ssyncset.done $0x0  }
0x89: {  	s30 =	sadd.s32 $0x400, s28;
	[sflag:s21] =	ssyncadd.s32 $0xFFFFC000  }
0x8a: {  	[tilespmem:s15], [sflag:$0x2] =	stream.indirect.gather [hbm4b:s5+s14], $0x80, s30, s14, $0xb8;
	[tilespmem:$0x1E000] =	vst v63  }
0x8b: {  	s31 =	sadd.s32 $0x440, s28  }
0x8c: {  	[tilespmem:s16], [sflag:$0x2] =	stream.indirect.gather [hbm4b:s5+s14], $0x80, s31, s14, $0xb8;
	[tilespmem:$0x1E000] =	vst v63  }
0x8d: {  	_ =	swait.ge [sflag:s22], $0x2000  }
0x8e: {  	[sflag:s22] =	ssyncset.done $0x0  }
0x8f: {  	[sflag:s22] =	ssyncadd.s32 $0xFFFFE000  }
0x90: {  	_ =	swait.ge [sflag:s22], $0x2000  }
0x91: {  	[sflag:s22] =	ssyncset.done $0x0  }
0x92: {  	s30 =	sadd.s32 $0xB80, s28;
	[sflag:s22] =	ssyncadd.s32 $0xFFFFE000  }
0x93: {  	[spmem:s2] =	stream.indirect.scatter.add.f32 [tilespmem:s17], [sflag:$0x5], $0x80, s30, s20, $0xb8;
	[tilespmem:$0x1E000] =	vst v63  }
0x94: {  	_ =	swait.ge [sflag:s23], $0x4000  }
0x95: {  	[sflag:s23] =	ssyncset.done $0x0  }
0x96: {  	s31 =	sadd.s32 $0x480, s28;
	[sflag:s23] =	ssyncadd.s32 $0xFFFFC000  }
0x97: {  	[tilespmem:s17], [sflag:$0x3] =	stream.indirect.gather [hbm4b:s5+s14], $0x80, s31, s14, $0xb8;
	[tilespmem:$0x1E000] =	vst v63  }
0x98: {  	s30 =	sadd.s32 $0x4C0, s28  }
0x99: {  	[tilespmem:s18], [sflag:$0x3] =	stream.indirect.gather [hbm4b:s5+s14], $0x80, s30, s14, $0xb8;
	[tilespmem:$0x1E000] =	vst v63  }
0x9a: {  	_ =	swait.ge [sflag:s19], $0x2000  }
0x9b: {  	[sflag:s19] =	ssyncset.done $0x0  }
0x9c: {  	[sflag:s19] =	ssyncadd.s32 $0xFFFFE000  }
0x9d: {  	_ =	swait.ge [sflag:s19], $0x2000  }
0x9e: {  	[sflag:s19] =	ssyncset.done $0x0  }
0x9f: {  	s31 =	sadd.s32 $0xC00, s28;
	[sflag:s19] =	ssyncadd.s32 $0xFFFFE000  }
0xa0: {  	[spmem:s2] =	stream.indirect.scatter.add.f32 [tilespmem:s15], [sflag:$0x4], $0x80, s31, s20, $0xb8;
	[tilespmem:$0x1E000] =	vst v63  }
0xa1: {  	_ =	swait.ge [sflag:s21], $0x4000  }
0xa2: {  	[sflag:s21] =	ssyncset.done $0x0  }
0xa3: {  	s30 =	sadd.s32 $0x500, s28;
	[sflag:s21] =	ssyncadd.s32 $0xFFFFC000  }
0xa4: {  	[tilespmem:s15], [sflag:$0x2] =	stream.indirect.gather [hbm4b:s5+s14], $0x80, s30, s14, $0xb8;
	[tilespmem:$0x1E000] =	vst v63  }
0xa5: {  	s31 =	sadd.s32 $0x540, s28  }
0xa6: {  	[tilespmem:s16], [sflag:$0x2] =	stream.indirect.gather [hbm4b:s5+s14], $0x80, s31, s14, $0xb8;
	[tilespmem:$0x1E000] =	vst v63  }
0xa7: {  	_ =	swait.ge [sflag:s22], $0x2000  }
0xa8: {  	[sflag:s22] =	ssyncset.done $0x0  }
0xa9: {  	[sflag:s22] =	ssyncadd.s32 $0xFFFFE000  }
0xaa: {  	_ =	swait.ge [sflag:s22], $0x2000  }
0xab: {  	[sflag:s22] =	ssyncset.done $0x0  }
0xac: {  	s30 =	sadd.s32 $0xC80, s28;
	[sflag:s22] =	ssyncadd.s32 $0xFFFFE000  }
0xad: {  	[spmem:s2] =	stream.indirect.scatter.add.f32 [tilespmem:s17], [sflag:$0x5], $0x80, s30, s20, $0xb8;
	[tilespmem:$0x1E000] =	vst v63  }
0xae: {  	_ =	swait.ge [sflag:s23], $0x4000  }
0xaf: {  	[sflag:s23] =	ssyncset.done $0x0  }
0xb0: {  	s31 =	sadd.s32 $0x580, s28;
	[sflag:s23] =	ssyncadd.s32 $0xFFFFC000  }
0xb1: {  	[tilespmem:s17], [sflag:$0x3] =	stream.indirect.gather [hbm4b:s5+s14], $0x80, s31, s14, $0xb8;
	[tilespmem:$0x1E000] =	vst v63  }
0xb2: {  	s30 =	sadd.s32 $0x5C0, s28  }
0xb3: {  	[tilespmem:s18], [sflag:$0x3] =	stream.indirect.gather [hbm4b:s5+s14], $0x80, s30, s14, $0xb8;
	[tilespmem:$0x1E000] =	vst v63  }
0xb4: {  	_ =	swait.ge [sflag:s19], $0x2000  }
0xb5: {  	[sflag:s19] =	ssyncset.done $0x0  }
0xb6: {  	[sflag:s19] =	ssyncadd.s32 $0xFFFFE000  }
0xb7: {  	_ =	swait.ge [sflag:s19], $0x2000  }
0xb8: {  	[sflag:s19] =	ssyncset.done $0x0  }
0xb9: {  	s31 =	sadd.s32 $0xD00, s28;
	[sflag:s19] =	ssyncadd.s32 $0xFFFFE000  }
0xba: {  	[spmem:s2] =	stream.indirect.scatter.add.f32 [tilespmem:s15], [sflag:$0x4], $0x80, s31, s20, $0xb8;
	[tilespmem:$0x1E000] =	vst v63  }
0xbb: {  	_ =	swait.ge [sflag:s21], $0x4000  }
0xbc: {  	[sflag:s21] =	ssyncset.done $0x0  }
0xbd: {  	s30 =	sadd.s32 $0x600, s28;
	[sflag:s21] =	ssyncadd.s32 $0xFFFFC000  }
0xbe: {  	[tilespmem:s15], [sflag:$0x2] =	stream.indirect.gather [hbm4b:s5+s14], $0x80, s30, s14, $0xb8;
	[tilespmem:$0x1E000] =	vst v63  }
0xbf: {  	s31 =	sadd.s32 $0x640, s28  }
0xc0: {  	[tilespmem:s16], [sflag:$0x2] =	stream.indirect.gather [hbm4b:s5+s14], $0x80, s31, s14, $0xb8;
	[tilespmem:$0x1E000] =	vst v63  }
0xc1: {  	_ =	swait.ge [sflag:s22], $0x2000  }
0xc2: {  	[sflag:s22] =	ssyncset.done $0x0  }
0xc3: {  	[sflag:s22] =	ssyncadd.s32 $0xFFFFE000  }
0xc4: {  	_ =	swait.ge [sflag:s22], $0x2000  }
0xc5: {  	[sflag:s22] =	ssyncset.done $0x0  }
0xc6: {  	s30 =	sadd.s32 $0xD80, s28;
	[sflag:s22] =	ssyncadd.s32 $0xFFFFE000  }
0xc7: {  	[spmem:s2] =	stream.indirect.scatter.add.f32 [tilespmem:s17], [sflag:$0x5], $0x80, s30, s20, $0xb8;
	[tilespmem:$0x1E000] =	vst v63  }
0xc8: {  	_ =	swait.ge [sflag:s23], $0x4000  }
0xc9: {  	[sflag:s23] =	ssyncset.done $0x0  }
0xca: {  	s31 =	sadd.s32 $0x680, s28;
	[sflag:s23] =	ssyncadd.s32 $0xFFFFC000  }
0xcb: {  	[tilespmem:s17], [sflag:$0x3] =	stream.indirect.gather [hbm4b:s5+s14], $0x80, s31, s14, $0xb8;
	[tilespmem:$0x1E000] =	vst v63  }
0xcc: {  	s30 =	sadd.s32 $0x6C0, s28  }
0xcd: {  	[tilespmem:s18], [sflag:$0x3] =	stream.indirect.gather [hbm4b:s5+s14], $0x80, s30, s14, $0xb8;
	[tilespmem:$0x1E000] =	vst v63  }
0xce: {  	_ =	swait.ge [sflag:s19], $0x2000  }
0xcf: {  	[sflag:s19] =	ssyncset.done $0x0  }
0xd0: {  	[sflag:s19] =	ssyncadd.s32 $0xFFFFE000  }
0xd1: {  	_ =	swait.ge [sflag:s19], $0x2000  }
0xd2: {  	[sflag:s19] =	ssyncset.done $0x0  }
0xd3: {  	s31 =	sadd.s32 $0xE00, s28;
	[sflag:s19] =	ssyncadd.s32 $0xFFFFE000  }
0xd4: {  	[spmem:s2] =	stream.indirect.scatter.add.f32 [tilespmem:s15], [sflag:$0x4], $0x80, s31, s20, $0xb8;
	[tilespmem:$0x1E000] =	vst v63  }
0xd5: {  	_ =	swait.ge [sflag:s21], $0x4000  }
0xd6: {  	[sflag:s21] =	ssyncset.done $0x0  }
0xd7: {  	s30 =	sadd.s32 $0x700, s28;
	[sflag:s21] =	ssyncadd.s32 $0xFFFFC000  }
0xd8: {  	[tilespmem:s15], [sflag:$0x2] =	stream.indirect.gather [hbm4b:s5+s14], $0x80, s30, s14, $0xb8;
	[tilespmem:$0x1E000] =	vst v63  }
0xd9: {  	s31 =	sadd.s32 $0x740, s28  }
0xda: {  	[tilespmem:s16], [sflag:$0x2] =	stream.indirect.gather [hbm4b:s5+s14], $0x80, s31, s14, $0xb8;
	[tilespmem:$0x1E000] =	vst v63  }
0xdb: {  	_ =	swait.ge [sflag:s22], $0x2000  }
0xdc: {  	[sflag:s22] =	ssyncset.done $0x0  }
0xdd: {  	[sflag:s22] =	ssyncadd.s32 $0xFFFFE000  }
0xde: {  	_ =	swait.ge [sflag:s22], $0x2000  }
0xdf: {  	[sflag:s22] =	ssyncset.done $0x0  }
0xe0: {  	s30 =	sadd.s32 $0xE80, s28;
	[sflag:s22] =	ssyncadd.s32 $0xFFFFE000  }
0xe1: {  	[spmem:s2] =	stream.indirect.scatter.add.f32 [tilespmem:s17], [sflag:$0x5], $0x80, s30, s20, $0xb8;
	[tilespmem:$0x1E000] =	vst v63  }
0xe2: {  	_ =	swait.ge [sflag:s23], $0x4000  }
0xe3: {  	[sflag:s23] =	ssyncset.done $0x0  }
0xe4: {  	s31 =	sadd.s32 $0x780, s28;
	[sflag:s23] =	ssyncadd.s32 $0xFFFFC000  }
0xe5: {  	[tilespmem:s17], [sflag:$0x3] =	stream.indirect.gather [hbm4b:s5+s14], $0x80, s31, s14, $0xb8;
	[tilespmem:$0x1E000] =	vst v63  }
0xe6: {  	s30 =	sadd.s32 $0x7C0, s28  }
0xe7: {  	[tilespmem:s18], [sflag:$0x3] =	stream.indirect.gather [hbm4b:s5+s14], $0x80, s30, s14, $0xb8;
	[tilespmem:$0x1E000] =	vst v63  }
0xe8: {  	_ =	swait.ge [sflag:s19], $0x2000  }
0xe9: {  	[sflag:s19] =	ssyncset.done $0x0  }
0xea: {  	[sflag:s19] =	ssyncadd.s32 $0xFFFFE000  }
0xeb: {  	_ =	swait.ge [sflag:s19], $0x2000  }
0xec: {  	[sflag:s19] =	ssyncset.done $0x0  }
0xed: {  	s31 =	sadd.s32 $0xF00, s28;
	[sflag:s19] =	ssyncadd.s32 $0xFFFFE000  }
0xee: {  	[spmem:s2] =	stream.indirect.scatter.add.f32 [tilespmem:s15], [sflag:$0x4], $0x80, s31, s20, $0xb8;
	[tilespmem:$0x1E000] =	vst v63  }
0xef: {  	_ =	swait.ge [sflag:s22], $0x2000  }
0xf0: {  	[sflag:s22] =	ssyncset.done $0x0  }
0xf1: {  	[sflag:s22] =	ssyncadd.s32 $0xFFFFE000  }
0xf2: {  	_ =	swait.ge [sflag:s22], $0x2000  }
0xf3: {  	[sflag:s22] =	ssyncset.done $0x0  }
0xf4: {  	s28 =	sadd.s32 $0xF80, s28;
	[sflag:s22] =	ssyncadd.s32 $0xFFFFE000  }
0xf5: {  	[spmem:s2] =	stream.indirect.scatter.add.f32 [tilespmem:s17], [sflag:$0x5], $0x80, s28, s20, $0xb8;
	[tilespmem:$0x1E000] =	vst v63  }
0xf6: {  	_ =	swait.ge [sflag:s21], $0x4000  }
.Ltmp2:
0xf7: {  	[sflag:s21] =	ssyncset.done $0x0;
	(pc) =	sbr.rel @p0 .LBB2_4-.Ltmp2, $4  }
0xf8: {  	[sflag:s21] =	ssyncadd.s32 $0xFFFFC000  }
0xf9: {  	_ =	swait.ge [sflag:s23], $0x4000  }
0xfa: {  	[sflag:s23] =	ssyncset.done $0x0  }
0xfb: {  	[sflag:s23] =	ssyncadd.s32 $0xFFFFC000  }
.Ltmp3:
0xfc: {  	(pc) =	sbr.rel .LBB2_2-.Ltmp3, $4  }
0xfd: {  	_ = 	snop  }
0xfe: {  	_ =	swait.ge [sflag:s24], $0x1000  }
0xff: {  	[sflag:s24] =	ssyncset.done $0x0  }
0x100: {  	s26 =	sadd.s32 $0x1000, s26;
	[sflag:s24] =	ssyncadd.s32 $0xFFFFF000  }
.LBB2_5:
0x101: {  	_ =	sfence.sel $0x180000  }
0x102: {  	[bflag:$0x0] =	sbarrier.arrive $0xFFFF  }
0x103: {  	p0 =	sne.s32 s3, $0x0;
	_ =	strace $0x9000004A  }
0x104: {  	s0 =	sadd.s32 @!p0 $0x100000, s0;
	[bflag:$0x2] =	sbarrier.arrive $0xFFFF  }
0x105: {  	[sflag:s0] =	ssyncadd.tile.s32 @!p0 $0x1;
	_ =	shalt  }
.Lfunc_end2:
_tile_overlayer_lowered:
.L_overlay_start_2:
0x106: {  	(tag) =	ssettag $0x2  }
0x107: {  	s0 =	rddreg [dreg:$0x0];
	s2 =	stileid.u32  }
0x108: {  	s1 =	rddreg [dreg:$0x1];
	p0 =	sne.s32 s2, $0x0  }
0x109: {  	s3 =	rddreg [dreg:$0x2];
	[bflag:$0x3] =	sbarrier.arrive $0xFFFF;
	s2 =	simm.s32 @!p0 $0x1C06  }
0x10a: {  	[timem:s3], [sflag:s2] =	dma.local @!p0 [hbm:s0], s1  }
0x10b: {  	s0 =	simm.s32 @!p0 $0x6  }
0x10c: {  	_ =	swait.ge @!p0 [sflag:s0], s1  }
0x10d: {  	s1 =	ssub.s32 @!p0 $0x0, s1;
	[sflag:s0] =	ssyncset.done @!p0 $0x0  }
0x10e: {  	[sflag:s0] =	ssyncadd.s32 @!p0 s1  }
0x10f: {  	[bflag:$0x3] =	sbarrier.arrive $0xFFFF  }
0x110: {  	_ =	shalt  }

// kernel: kernel.14.cloned.1.call-start
scs
__scs_entry_jumppad:
0x0: {  	(pc) =	sbr.rel $0x88, $3  }
0x1: {  	(tag) =	ssettag $0x0;
	lr =	simm.s32 $0x1  }
0x2: {  	[smem:$0x3F9B] =	sst lr;
	_ =	strace $0xD0000000  }
0x3: {  	_ = 	snop  }
0x4: {  	_ = 	snop  }
0x5: {  	_ = 	snop  }
0x6: {  	_ = 	snop  }
0x7: {  	_ = 	snop  }
__scs_overlays_trampoline_lowered:
0x8: {  	[smem:$0x3FAA] =	sst s0  }
0x9: {  	[smem:$0x3FAB] =	sst s1  }
0xa: {  	[smem:$0x3FAC] =	sst s2  }
0xb: {  	[smem:$0x3FAD] =	sst s3  }
0xc: {  	[smem:$0x3FAE] =	sst s4  }
0xd: {  	[smem:$0x3FAF] =	sst s5  }
0xe: {  	[smem:$0x3FB0] =	sst s6  }
0xf: {  	[smem:$0x3FB1] =	sst s7  }
0x10: {  	[smem:$0x3FB2] =	sst s8  }
0x11: {  	[smem:$0x3FB3] =	sst s9;
	s0 =	simm.s32 @!p0 $0x0  }
0x12: {  	s1 =	sld [smem:$0x3F99];
	s0 =	simm.s32 @p0 $0x1  }
0x13: {  	[smem:$0x3FB4] =	sst s0;
	s0 =	simm.s32 @!p1 $0x0  }
0x14: {  	s2 =	sld [smem:$0x3F98];
	s0 =	simm.s32 @p1 $0x1  }
0x15: {  	[smem:$0x3FB5] =	sst s0;
	s0 =	simm.s32 @!p2 $0x0  }
0x16: {  	s3 =	sld [smem:$0x3FDB];
	s0 =	simm.s32 @p2 $0x1  }
0x17: {  	s4 =	simm.s32 $0x1BF5;
	[smem:$0x3FB7] =	sst s0  }
0x18: {  	s0 =	sld [smem:$0x3F9A];
	_ =	swait.ge [sflag:s4], $0x0  }
0x19: {  	s7 =	sld [smem:$0x3F9B]  }
0x1a: {  	s8 =	sadd.s32 $0xFFFFE003, lr  }
0x1b: {  	s9 =	sadd.s32 $0xFFFFFEF7, lr;
	s5 =	simm.s32 $0xFFFFFFFF;
	p2 =	slt.u32 s8, $0xFFFFF086  }
0x1c: {  	p1 =	slt.u32 s9, $0xF7A;
	s5 =	simm.s32 @!p2 $0x0  }
0x1d: {  	s5 =	simm.s32 @p1 $0x1;
	p0 =	seq.s32 s7, s2  }
0x1e: {  	s7 =	smul.u32 @!p0 $0xF7A, s2;
	p2 =	seq.s32 @!p0 s5, $0x0  }
0x1f: {  	s9 =	smul.u32 $0xF7A, s1;
	s8 =	simm.s32 @!p0 $0x1BF5;
	p2 =	por !p2, p0  }
0x20: {  	[sflag:s8] =	ssyncset.s32 @!p0 $0xFFFFF086;
	s6 =	sadd.s32 @!p0 s3, s7;
	s7 =	simm.s32 @!p0 $0x108  }
0x21: {  	s3 =	sadd.s32 s3, s9;
	s6 =	sadd.s32 @!p0 $0x88, s6;
	s7 =	simm.s32 @p2 $0x1082  }
0x22: {  	[simem:s7], [sflag:s8] =	dma.local @!p0 [hbm:s6], $0xF7A  }
0x23: {  	s9 =	sor.u32 $0xD0000000, s2;
	s6 =	simm.s32 $0x108;
	_ =	swait.ge @!p0 [sflag:s8], $0x0  }
0x24: {  	s3 =	sadd.s32 $0x88, s3;
	s6 =	simm.s32 @!p1 $0x1082;
	[sflag:s4] =	ssyncset.s32 $0xFFFFF086  }
0x25: {  	[simem:s6], [sflag:s4] =	dma.local [hbm:s3], $0xF7A  }
0x26: {  	[smem:$0x3F9B] =	sst s1;
	(tag) =	ssettag s2;
	_ =	strace s9  }
0x27: {  	s1 =	sld [smem:$0x3FAB]  }
0x28: {  	s2 =	sld [smem:$0x3FAC]  }
0x29: {  	s4 =	sld [smem:$0x3FAE]  }
0x2a: {  	p0 =	seq.s32 s5, $0x0;
	s5 =	sld [smem:$0x3FAF]  }
0x2b: {  	s6 =	sld [smem:$0x3FB0]  }
0x2c: {  	s7 =	sld [smem:$0x3FB1]  }
0x2d: {  	s3 =	simm.s32 $0x108;
	s8 =	sld [smem:$0x3FB2]  }
0x2e: {  	s3 =	simm.s32 @!p0 $0x1082;
	s9 =	sld [smem:$0x3FB3]  }
0x2f: {  	lr =	sadd.s32 s0, s3;
	s0 =	sld [smem:$0x3FAA]  }
0x30: {  	s3 =	sld [smem:$0x3FAD]  }
0x31: {  	[smem:$0x3FB6] =	sst s10  }
0x32: {  	s10 =	sld [smem:$0x3FB4];
	_ =	sdelay $0x3  }
0x33: {  	p0 =	seq.s32 s10, $0x1;
	s10 =	sld [smem:$0x3FB6];
	_ =	sdelay $0x3  }
0x34: {  	[smem:$0x3FB6] =	sst s10  }
0x35: {  	s10 =	sld [smem:$0x3FB5];
	_ =	sdelay $0x3  }
0x36: {  	p1 =	seq.s32 s10, $0x1;
	s10 =	sld [smem:$0x3FB6];
	_ =	sdelay $0x3  }
0x37: {  	[smem:$0x3FB6] =	sst s10  }
0x38: {  	s10 =	sld [smem:$0x3FB7]  }
0x39: {  	_ = 	snop;
	(pc) =	sbr.ind lr, $3  }
0x3a: {  	_ = 	snop  }
0x3b: {  	_ = 	snop  }
0x3c: {  	p2 =	seq.s32 s10, $0x1;
	s10 =	sld [smem:$0x3FB6]  }
0x3d: {  	_ =	shalt  }
0x3e: {  	_ =	shalt  }
0x3f: {  	_ =	shalt  }
0x40: {  	_ =	shalt  }
0x41: {  	_ =	shalt  }
0x42: {  	_ =	shalt  }
0x43: {  	_ =	shalt  }
0x44: {  	_ =	shalt  }
0x45: {  	_ =	shalt  }
0x46: {  	_ =	shalt  }
0x47: {  	_ =	shalt  }
0x48: {  	_ =	shalt  }
0x49: {  	_ =	shalt  }
0x4a: {  	_ =	shalt  }
0x4b: {  	_ =	shalt  }
0x4c: {  	_ =	shalt  }
0x4d: {  	_ =	shalt  }
0x4e: {  	_ =	shalt  }
0x4f: {  	_ =	shalt  }
0x50: {  	_ =	shalt  }
0x51: {  	_ =	shalt  }
0x52: {  	_ =	shalt  }
0x53: {  	_ =	shalt  }
0x54: {  	_ =	shalt  }
0x55: {  	_ =	shalt  }
0x56: {  	_ =	shalt  }
0x57: {  	_ =	shalt  }
0x58: {  	_ =	shalt  }
0x59: {  	_ =	shalt  }
0x5a: {  	_ =	shalt  }
0x5b: {  	_ =	shalt  }
0x5c: {  	_ =	shalt  }
0x5d: {  	_ =	shalt  }
0x5e: {  	_ =	shalt  }
0x5f: {  	_ =	shalt  }
0x60: {  	_ =	shalt  }
0x61: {  	_ =	shalt  }
0x62: {  	_ =	shalt  }
0x63: {  	_ =	shalt  }
0x64: {  	_ =	shalt  }
0x65: {  	_ =	shalt  }
0x66: {  	_ =	shalt  }
0x67: {  	_ =	shalt  }
0x68: {  	_ =	shalt  }
0x69: {  	_ =	shalt  }
0x6a: {  	_ =	shalt  }
0x6b: {  	_ =	shalt  }
0x6c: {  	_ =	shalt  }
0x6d: {  	_ =	shalt  }
0x6e: {  	_ =	shalt  }
0x6f: {  	_ =	shalt  }
0x70: {  	_ =	shalt  }
0x71: {  	_ =	shalt  }
0x72: {  	_ =	shalt  }
0x73: {  	_ =	shalt  }
0x74: {  	_ =	shalt  }
0x75: {  	_ =	shalt  }
0x76: {  	_ =	shalt  }
0x77: {  	_ =	shalt  }
0x78: {  	_ =	shalt  }
0x79: {  	_ =	shalt  }
0x7a: {  	_ =	shalt  }
0x7b: {  	_ =	shalt  }
0x7c: {  	_ =	shalt  }
0x7d: {  	_ =	shalt  }
0x7e: {  	_ =	shalt  }
0x7f: {  	_ =	shalt  }
0x80: {  	_ =	shalt  }
0x81: {  	_ =	shalt  }
0x82: {  	_ =	shalt  }
0x83: {  	_ =	shalt  }
0x84: {  	_ =	shalt  }
0x85: {  	_ =	shalt  }
0x86: {  	_ =	shalt  }
0x87: {  	_ =	shalt  }
.Lfunc_end0:
.L_simem_size_0:
called_computation.2_lowered:
.L_overlay_start_0:
0x88: {  	s2 =	sld [smem:$0x3FD9]  }
0x89: {  	s3 =	sld [smem:$0x3FFE];
	_ =	sdelay $0x1  }
0x8a: {  	s1 =	srdreg.scid  }
0x8b: {  	s0 =	sand.u32 $0x1, s1  }
0x8c: {  	s17 =	sshll.u32 s0, $0xA;
	s2 =	sadd.s32 s3, s2  }
0x8d: {  	s2 =	sadd.s32 s2, s17  }
0x8e: {  	[smem:$0x3FC2] =	sst s2  }
0x8f: {  	_ = 	snop  }
0x90: {  	s2 =	sld [smem:$0x3FD0];
	(tm) =	ssettm $0x1  }
0x91: {  	s18 =	sld [smem:$0x3FFB];
	_ =	sdelay $0x3  }
0x92: {  	_ =	strace s18  }
0x93: {  	s3 =	sld [smem:$0x3FFC];
	_ =	sdelay $0x3  }
0x94: {  	_ =	strace s3  }
0x95: {  	s3 =	sld [smem:$0x3FFD];
	_ =	sdelay $0x3  }
0x96: {  	_ =	strace s3  }
0x97: {  	_ =	strace $0x8FFFFFFF  }
0x98: {  	s19 =	sld [smem:$0x3FDB];
	_ =	sdelay $0x1  }
0x99: {  	s4 =	simm.s32 $_scs_section_size  }
0x9a: {  	s5 =	simm.s32 $_size__tile_overlayer_lowered;
	s6 =	simm.s32 $_tile_overlayer_lowered  }
0x9b: {  	s22 =	simm.s32 $0x1BFF;
	s21 =	sshll.u32 s6, $0x1;
	s3 =	sadd.s32 s4, s19  }
0x9c: {  	s7 =	simm.s32 $0x0;
	s20 =	sshll.u32 s5, $0x1;
	s5 =	sadd.s32 s21, s3  }
0x9d: {  	[timem:s7], [sflag:s22] =	dma.local [hbm:s5], s20  }
0x9e: {  	_ =	swait.ge [sflag:s22], s20  }
0x9f: {  	s4 =	ssub.s32 $0x0, s20;
	[sflag:s22] =	ssyncset.done $0x0  }
0xa0: {  	[sflag:s22] =	ssyncadd.s32 s4;
	_ =	sdelay $0x1  }
0xa1: {  	s23 =	simm.s32 $0x1B8B  }
0xa2: {  	_ =	swait.ge [sflag:s23], $0x1  }
0xa3: {  	[sflag:s23] =	ssyncset.done $0x0  }
0xa4: {  	s25 =	simm.s32 $0x1B8E;
	s24 =	sld [smem:$0x3FFE];
	[sflag:s23] =	ssyncadd.s32 $0xFFFFFFFF  }
0xa5: {  	s26 =	simm.s32 $execute0_lowered;
	[smem:$0x3FD2] =	sst s25  }
0xa6: {  	s5 =	sshll.u32 s26, $0x1;
	_ =	strace $0x8000004C;
	[dreg:$0x1] =	wrdreg $0xFFFFFFFF  }
0xa7: {  	s28 =	simm.s32 $_size_execute0_lowered;
	s3 =	sadd.s32 s3, s5;
	[dreg:$0x0] =	wrdreg $0x0  }
0xa8: {  	s5 =	sshll.u32 s28, $0x1;
	[dreg:$0x2] =	wrdreg s3  }
0xa9: {  	[dreg:$0x3] =	wrdreg s5  }
0xaa: {  	[dreg:$0x4] =	wrdreg $0xC0  }
0xab: {  	_ =	task [dreg:s7], $0x5FFFF  }
0xac: {  	[dreg:$0x1] =	wrdreg $0xFFFFFFFF  }
0xad: {  	[dreg:$0x0] =	wrdreg $0x60  }
0xae: {  	[dreg:$0x2] =	wrdreg s24  }
0xaf: {  	[dreg:$0x3] =	wrdreg s2  }
0xb0: {  	[dreg:$0x4] =	wrdreg $0xA0000  }
0xb1: {  	[dreg:$0x5] =	wrdreg $0x9  }
0xb2: {  	_ =	task.clear_ibuf [dreg:s7], $0x6FFFF;
	_ =	strace $0x9000004C  }
0xb3: {  	s29 =	simm.s32 $0x9;
	_ =	strace $0x8000004E  }
0xb4: {  	_ =	swait.ge [sflag:s29], $0x1  }
0xb5: {  	[sflag:s29] =	ssyncadd.s32 $0xFFFFFFFF  }
0xb6: {  	_ =	strace $0x9000004E  }
0xb7: {  	_ =	sfence  }
0xb8: {  	s30 =	sld [smem:$0x0];
	_ =	sdelay $0x2  }
0xb9: {  	s31 =	sshll.u32 s1, $0xD;
	s1 =	sshrl.u32 s1, $0x2  }
0xba: {  	s3 =	sand.u32 $0x4000, s31;
	s1 =	sadd.s32 s1, s30  }
0xbb: {  	s0 =	sor.u32 s3, s0;
	s1 =	sshll.u32 s1, $0x11  }
0xbc: {  	s0 =	sor.u32 s1, s0  }
0xbd: {  	s0 =	sadd.s32 $0x8F2B, s0  }
0xbe: {  	[sflag:s0] =	ssyncadd.remote.s32 $0x1  }
0xbf: {  	_ =	sfence.sel $0xFFFF  }
0xc0: {  	[dreg:$0x0] =	wrdreg $0xFFFFFFFF;
	(pc) =	sbr.abs _section_cstart, $3  }
0xc1: {  	[dreg:$0x1] =	wrdreg $0xFFFFFFFF  }
0xc2: {  	_ =	task.clear_ibuf [dreg:s7], $0x2FFFF;
	_ =	strace $0x9FFFFFFF  }
0xc3: {  	(tm) =	ssettm $0x7FFFFFFF  }
tec
execute0_lowered:
.L_overlay_start_1:
0x0: {  	(tag) =	ssettag $0x1  }
0x1: {  	s6 =	rddreg [dreg:$0x0]  }
0x2: {  	s1 =	rddreg [dreg:$0x1]  }
0x3: {  	s2 =	rddreg [dreg:$0x2]  }
0x4: {  	s0 =	rddreg [dreg:$0x3]  }
0x5: {  	s4 =	simm.s32 $0x0;
	s3 =	srdreg.scid;
	s15 =	simm.s32 $0x2000  }
0x6: {  	s16 =	simm.s32 $0x4000;
	s17 =	simm.s32 $0x6000;
	s18 =	simm.s32 $0x8000  }
0x7: {  	s19 =	simm.s32 $0x2;
	s20 =	simm.s32 $0x80;
	s7 =	sand.u32 $0x1, s3  }
0x8: {  	s21 =	simm.s32 $0x4;
	s3 =	stileid.u32;
	s8 =	smul.u32 $0x140000, s7  }
0x9: {  	s22 =	simm.s32 $0x3;
	s23 =	simm.s32 $0x5;
	s9 =	smul.u32 $0x14000, s3  }
0xa: {  	s24 =	simm.s32 $0x1;
	[smem:$0x7FF] =	sst s4;
	s11 =	smul.u32 $0x50000, s7  }
0xb: {  	s5 =	sadd.s32 $0x2A800, s6;
	s10 =	sadd.s32 $0x2800, s6;
	s12 =	smul.u32 $0x5000, s3  }
0xc: {  	_ =	strace $0x8000004D;
	s25 =	ssub.s32 $0x2, s7;
	s14 =	smul.u32 $0x50000, s3  }
0xd: {  	p0 =	seq.s32 s7, $0x0;
	s30 =	smul.u32 $0x2800, s3;
	s31 =	sshll.u32 s3, $0x6  }
0xe: {  	s13 =	sshrl.u32 s25, $0x1;
	s10 =	smov.u32 @p0 s5;
	s8 =	sadd.s32 s9, s8  }
0xf: {  	s9 =	ssub.s32 s25, s13;
	s11 =	sadd.s32 s12, s11;
	s26 =	sshrl.u32 s14, $0x2  }
.Ltmp0:
0x10: {  	s13 =	simm.s32 $0x6;
	s14 =	simm.s32 $0x40;
	(pc) =	sbr.rel .LBB2_1-.Ltmp0, $4  }
0x11: {  	s25 =	simm.s32 $0x0;
	s8 =	sshrl.u32 s8, $0x3;
	s28 =	sshrl.u32 s11, $0x3  }
0x12: {  	s29 =	sadd.s32 s26, s2;
	s11 =	sadd.s32 $0x1000, s11;
	s8 =	sadd.s32 s8, s6  }
0x13: {  	s6 =	sadd.s32 s1, s28;
	s12 =	sshrl.u32 s29, $0x3;
	s7 =	sadd.s32 $0xA2800, s8  }
0x14: {  	s8 =	smax.u32 s9, $0x1;
	s9 =	sadd.s32 s10, s30;
	s10 =	sor.u32 $0x1C06, s31  }
.LBB2_4:
0x15: {  	s25 =	sadd.s32 $0x1, s25  }
0x16: {  	p0 =	sne.s32 s25, s8  }
.Ltmp1:
0x17: {  	[bflag:$0x0] =	sbarrier.arrive $0xFFFF;
	(pc) =	sbr.rel @!p0 .LBB2_5-.Ltmp1, $4  }
0x18: {  	[hbm:s7], [sflag:s10] =	dma.local [spmem:s12], $0x2800  }
0x19: {  	_ =	swait.ge [sflag:s13], $0x2800  }
0x1a: {  	[sflag:s13] =	ssyncset.done $0x0  }
0x1b: {  	[sflag:s13] =	ssyncadd.s32 $0xFFFFD800  }
.LBB2_1:
0x1c: {  	[spmem:s12], [sflag:s10] =	dma.local [hbm:s9], $0x2800  }
0x1d: {  	_ =	swait.ge [sflag:s13], $0x2800  }
0x1e: {  	[sflag:s13] =	ssyncset.done $0x0  }
0x1f: {  	[sflag:s13] =	ssyncadd.s32 $0xFFFFD800  }
0x20: {  	[tilespmem:s4], [sflag:$0x6] =	stream.linear.gather [hbm4b:s6+s4], $0x1000, $0x38;
	[tilespmem:$0x1E000] =	vst v63  }
0x21: {  	_ =	swait.ge [sflag:s13], $0x1000  }
0x22: {  	[sflag:s13] =	ssyncset.done $0x0  }
0x23: {  	[sflag:s13] =	ssyncadd.s32 $0xFFFFF000  }
0x24: {  	s26 =	simm.s32 $0x0;
	[bflag:$0x0] =	sbarrier.arrive $0xFFFF  }
.LBB2_2:
0x25: {  	p0 =	seq.s32 s26, $0x4000  }
0x26: {  	s29 =	sadd.s32 @!p0 s26, s11  }
0x27: {  	s28 =	sand.u32 @!p0 $0x1000, s26;
	s29 =	sshrl.u32 @!p0 s29, $0x3  }
0x28: {  	s31 =	simm.s32 @!p0 $0x0;
	s30 =	sxor.u32 @!p0 $0x1000, s28;
	s29 =	sadd.s32 @!p0 s1, s29  }
0x29: {  	[tilespmem:s30], [sflag:$0x1] =	stream.linear.gather @!p0 [hbm4b:s29+s31], $0x1000, $0x38;
	[tilespmem:$0x1E000] =	vst v63  }
0x2a: {  	s28 =	simm.s32 @p0 $0x0  }
0x2b: {  	[tilespmem:s15], [sflag:$0x2] =	stream.indirect.gather [hbm4b:s5+s14], $0x80, s28, s14, $0xb8;
	[tilespmem:$0x1E000] =	vst v63  }
0x2c: {  	s30 =	sadd.s32 $0x40, s28  }
0x2d: {  	[tilespmem:s16], [sflag:$0x2] =	stream.indirect.gather [hbm4b:s5+s14], $0x80, s30, s14, $0xb8;
	[tilespmem:$0x1E000] =	vst v63  }
0x2e: {  	s31 =	sadd.s32 $0x80, s28  }
0x2f: {  	[tilespmem:s17], [sflag:$0x3] =	stream.indirect.gather [hbm4b:s5+s14], $0x80, s31, s14, $0xb8;
	[tilespmem:$0x1E000] =	vst v63  }
0x30: {  	s30 =	sadd.s32 $0xC0, s28  }
0x31: {  	[tilespmem:s18], [sflag:$0x3] =	stream.indirect.gather [hbm4b:s5+s14], $0x80, s30, s14, $0xb8;
	[tilespmem:$0x1E000] =	vst v63  }
0x32: {  	_ =	swait.ge [sflag:s19], $0x2000  }
0x33: {  	[sflag:s19] =	ssyncset.done $0x0  }
0x34: {  	[sflag:s19] =	ssyncadd.s32 $0xFFFFE000  }
0x35: {  	_ =	swait.ge [sflag:s19], $0x2000  }
0x36: {  	[sflag:s19] =	ssyncset.done $0x0  }
0x37: {  	s31 =	sadd.s32 $0x800, s28;
	[sflag:s19] =	ssyncadd.s32 $0xFFFFE000  }
0x38: {  	[spmem:s2] =	stream.indirect.scatter.add.f32 [tilespmem:s15], [sflag:$0x4], $0x80, s31, s20, $0xb8;
	[tilespmem:$0x1E000] =	vst v63  }
0x39: {  	_ =	swait.ge [sflag:s21], $0x4000  }
0x3a: {  	[sflag:s21] =	ssyncset.done $0x0  }
0x3b: {  	s30 =	sadd.s32 $0x100, s28;
	[sflag:s21] =	ssyncadd.s32 $0xFFFFC000  }
0x3c: {  	[tilespmem:s15], [sflag:$0x2] =	stream.indirect.gather [hbm4b:s5+s14], $0x80, s30, s14, $0xb8;
	[tilespmem:$0x1E000] =	vst v63  }
0x3d: {  	s31 =	sadd.s32 $0x140, s28  }
0x3e: {  	[tilespmem:s16], [sflag:$0x2] =	stream.indirect.gather [hbm4b:s5+s14], $0x80, s31, s14, $0xb8;
	[tilespmem:$0x1E000] =	vst v63  }
0x3f: {  	_ =	swait.ge [sflag:s22], $0x2000  }
0x40: {  	[sflag:s22] =	ssyncset.done $0x0  }
0x41: {  	[sflag:s22] =	ssyncadd.s32 $0xFFFFE000  }
0x42: {  	_ =	swait.ge [sflag:s22], $0x2000  }
0x43: {  	[sflag:s22] =	ssyncset.done $0x0  }
0x44: {  	s30 =	sadd.s32 $0x880, s28;
	[sflag:s22] =	ssyncadd.s32 $0xFFFFE000  }
0x45: {  	[spmem:s2] =	stream.indirect.scatter.add.f32 [tilespmem:s17], [sflag:$0x5], $0x80, s30, s20, $0xb8;
	[tilespmem:$0x1E000] =	vst v63  }
0x46: {  	_ =	swait.ge [sflag:s23], $0x4000  }
0x47: {  	[sflag:s23] =	ssyncset.done $0x0  }
0x48: {  	s31 =	sadd.s32 $0x180, s28;
	[sflag:s23] =	ssyncadd.s32 $0xFFFFC000  }
0x49: {  	[tilespmem:s17], [sflag:$0x3] =	stream.indirect.gather [hbm4b:s5+s14], $0x80, s31, s14, $0xb8;
	[tilespmem:$0x1E000] =	vst v63  }
0x4a: {  	s30 =	sadd.s32 $0x1C0, s28  }
0x4b: {  	[tilespmem:s18], [sflag:$0x3] =	stream.indirect.gather [hbm4b:s5+s14], $0x80, s30, s14, $0xb8;
	[tilespmem:$0x1E000] =	vst v63  }
0x4c: {  	_ =	swait.ge [sflag:s19], $0x2000  }
0x4d: {  	[sflag:s19] =	ssyncset.done $0x0  }
0x4e: {  	[sflag:s19] =	ssyncadd.s32 $0xFFFFE000  }
0x4f: {  	_ =	swait.ge [sflag:s19], $0x2000  }
0x50: {  	[sflag:s19] =	ssyncset.done $0x0  }
0x51: {  	s31 =	sadd.s32 $0x900, s28;
	[sflag:s19] =	ssyncadd.s32 $0xFFFFE000  }
0x52: {  	[spmem:s2] =	stream.indirect.scatter.add.f32 [tilespmem:s15], [sflag:$0x4], $0x80, s31, s20, $0xb8;
	[tilespmem:$0x1E000] =	vst v63  }
0x53: {  	_ =	swait.ge [sflag:s21], $0x4000  }
0x54: {  	[sflag:s21] =	ssyncset.done $0x0  }
0x55: {  	s30 =	sadd.s32 $0x200, s28;
	[sflag:s21] =	ssyncadd.s32 $0xFFFFC000  }
0x56: {  	[tilespmem:s15], [sflag:$0x2] =	stream.indirect.gather [hbm4b:s5+s14], $0x80, s30, s14, $0xb8;
	[tilespmem:$0x1E000] =	vst v63  }
0x57: {  	s31 =	sadd.s32 $0x240, s28  }
0x58: {  	[tilespmem:s16], [sflag:$0x2] =	stream.indirect.gather [hbm4b:s5+s14], $0x80, s31, s14, $0xb8;
	[tilespmem:$0x1E000] =	vst v63  }
0x59: {  	_ =	swait.ge [sflag:s22], $0x2000  }
0x5a: {  	[sflag:s22] =	ssyncset.done $0x0  }
0x5b: {  	[sflag:s22] =	ssyncadd.s32 $0xFFFFE000  }
0x5c: {  	_ =	swait.ge [sflag:s22], $0x2000  }
0x5d: {  	[sflag:s22] =	ssyncset.done $0x0  }
0x5e: {  	s30 =	sadd.s32 $0x980, s28;
	[sflag:s22] =	ssyncadd.s32 $0xFFFFE000  }
0x5f: {  	[spmem:s2] =	stream.indirect.scatter.add.f32 [tilespmem:s17], [sflag:$0x5], $0x80, s30, s20, $0xb8;
	[tilespmem:$0x1E000] =	vst v63  }
0x60: {  	_ =	swait.ge [sflag:s23], $0x4000  }
0x61: {  	[sflag:s23] =	ssyncset.done $0x0  }
0x62: {  	s31 =	sadd.s32 $0x280, s28;
	[sflag:s23] =	ssyncadd.s32 $0xFFFFC000  }
0x63: {  	[tilespmem:s17], [sflag:$0x3] =	stream.indirect.gather [hbm4b:s5+s14], $0x80, s31, s14, $0xb8;
	[tilespmem:$0x1E000] =	vst v63  }
0x64: {  	s30 =	sadd.s32 $0x2C0, s28  }
0x65: {  	[tilespmem:s18], [sflag:$0x3] =	stream.indirect.gather [hbm4b:s5+s14], $0x80, s30, s14, $0xb8;
	[tilespmem:$0x1E000] =	vst v63  }
0x66: {  	_ =	swait.ge [sflag:s19], $0x2000  }
0x67: {  	[sflag:s19] =	ssyncset.done $0x0  }
0x68: {  	[sflag:s19] =	ssyncadd.s32 $0xFFFFE000  }
0x69: {  	_ =	swait.ge [sflag:s19], $0x2000  }
0x6a: {  	[sflag:s19] =	ssyncset.done $0x0  }
0x6b: {  	s31 =	sadd.s32 $0xA00, s28;
	[sflag:s19] =	ssyncadd.s32 $0xFFFFE000  }
0x6c: {  	[spmem:s2] =	stream.indirect.scatter.add.f32 [tilespmem:s15], [sflag:$0x4], $0x80, s31, s20, $0xb8;
	[tilespmem:$0x1E000] =	vst v63  }
0x6d: {  	_ =	swait.ge [sflag:s21], $0x4000  }
0x6e: {  	[sflag:s21] =	ssyncset.done $0x0  }
0x6f: {  	s30 =	sadd.s32 $0x300, s28;
	[sflag:s21] =	ssyncadd.s32 $0xFFFFC000  }
0x70: {  	[tilespmem:s15], [sflag:$0x2] =	stream.indirect.gather [hbm4b:s5+s14], $0x80, s30, s14, $0xb8;
	[tilespmem:$0x1E000] =	vst v63  }
0x71: {  	s31 =	sadd.s32 $0x340, s28  }
0x72: {  	[tilespmem:s16], [sflag:$0x2] =	stream.indirect.gather [hbm4b:s5+s14], $0x80, s31, s14, $0xb8;
	[tilespmem:$0x1E000] =	vst v63  }
0x73: {  	_ =	swait.ge [sflag:s22], $0x2000  }
0x74: {  	[sflag:s22] =	ssyncset.done $0x0  }
0x75: {  	[sflag:s22] =	ssyncadd.s32 $0xFFFFE000  }
0x76: {  	_ =	swait.ge [sflag:s22], $0x2000  }
0x77: {  	[sflag:s22] =	ssyncset.done $0x0  }
0x78: {  	s30 =	sadd.s32 $0xA80, s28;
	[sflag:s22] =	ssyncadd.s32 $0xFFFFE000  }
0x79: {  	[spmem:s2] =	stream.indirect.scatter.add.f32 [tilespmem:s17], [sflag:$0x5], $0x80, s30, s20, $0xb8;
	[tilespmem:$0x1E000] =	vst v63  }
0x7a: {  	_ =	swait.ge [sflag:s23], $0x4000  }
0x7b: {  	[sflag:s23] =	ssyncset.done $0x0  }
0x7c: {  	s31 =	sadd.s32 $0x380, s28;
	[sflag:s23] =	ssyncadd.s32 $0xFFFFC000  }
0x7d: {  	[tilespmem:s17], [sflag:$0x3] =	stream.indirect.gather [hbm4b:s5+s14], $0x80, s31, s14, $0xb8;
	[tilespmem:$0x1E000] =	vst v63  }
0x7e: {  	s30 =	sadd.s32 $0x3C0, s28  }
0x7f: {  	[tilespmem:s18], [sflag:$0x3] =	stream.indirect.gather [hbm4b:s5+s14], $0x80, s30, s14, $0xb8;
	[tilespmem:$0x1E000] =	vst v63  }
0x80: {  	_ =	swait.ge [sflag:s19], $0x2000  }
0x81: {  	[sflag:s19] =	ssyncset.done $0x0  }
0x82: {  	[sflag:s19] =	ssyncadd.s32 $0xFFFFE000  }
0x83: {  	_ =	swait.ge [sflag:s19], $0x2000  }
0x84: {  	[sflag:s19] =	ssyncset.done $0x0  }
0x85: {  	s31 =	sadd.s32 $0xB00, s28;
	[sflag:s19] =	ssyncadd.s32 $0xFFFFE000  }
0x86: {  	[spmem:s2] =	stream.indirect.scatter.add.f32 [tilespmem:s15], [sflag:$0x4], $0x80, s31, s20, $0xb8;
	[tilespmem:$0x1E000] =	vst v63  }
0x87: {  	_ =	swait.ge [sflag:s21], $0x4000  }
0x88: {  	[sflag:s21] =	ssyncset.done $0x0  }
0x89: {  	s30 =	sadd.s32 $0x400, s28;
	[sflag:s21] =	ssyncadd.s32 $0xFFFFC000  }
0x8a: {  	[tilespmem:s15], [sflag:$0x2] =	stream.indirect.gather [hbm4b:s5+s14], $0x80, s30, s14, $0xb8;
	[tilespmem:$0x1E000] =	vst v63  }
0x8b: {  	s31 =	sadd.s32 $0x440, s28  }
0x8c: {  	[tilespmem:s16], [sflag:$0x2] =	stream.indirect.gather [hbm4b:s5+s14], $0x80, s31, s14, $0xb8;
	[tilespmem:$0x1E000] =	vst v63  }
0x8d: {  	_ =	swait.ge [sflag:s22], $0x2000  }
0x8e: {  	[sflag:s22] =	ssyncset.done $0x0  }
0x8f: {  	[sflag:s22] =	ssyncadd.s32 $0xFFFFE000  }
0x90: {  	_ =	swait.ge [sflag:s22], $0x2000  }
0x91: {  	[sflag:s22] =	ssyncset.done $0x0  }
0x92: {  	s30 =	sadd.s32 $0xB80, s28;
	[sflag:s22] =	ssyncadd.s32 $0xFFFFE000  }
0x93: {  	[spmem:s2] =	stream.indirect.scatter.add.f32 [tilespmem:s17], [sflag:$0x5], $0x80, s30, s20, $0xb8;
	[tilespmem:$0x1E000] =	vst v63  }
0x94: {  	_ =	swait.ge [sflag:s23], $0x4000  }
0x95: {  	[sflag:s23] =	ssyncset.done $0x0  }
0x96: {  	s31 =	sadd.s32 $0x480, s28;
	[sflag:s23] =	ssyncadd.s32 $0xFFFFC000  }
0x97: {  	[tilespmem:s17], [sflag:$0x3] =	stream.indirect.gather [hbm4b:s5+s14], $0x80, s31, s14, $0xb8;
	[tilespmem:$0x1E000] =	vst v63  }
0x98: {  	s30 =	sadd.s32 $0x4C0, s28  }
0x99: {  	[tilespmem:s18], [sflag:$0x3] =	stream.indirect.gather [hbm4b:s5+s14], $0x80, s30, s14, $0xb8;
	[tilespmem:$0x1E000] =	vst v63  }
0x9a: {  	_ =	swait.ge [sflag:s19], $0x2000  }
0x9b: {  	[sflag:s19] =	ssyncset.done $0x0  }
0x9c: {  	[sflag:s19] =	ssyncadd.s32 $0xFFFFE000  }
0x9d: {  	_ =	swait.ge [sflag:s19], $0x2000  }
0x9e: {  	[sflag:s19] =	ssyncset.done $0x0  }
0x9f: {  	s31 =	sadd.s32 $0xC00, s28;
	[sflag:s19] =	ssyncadd.s32 $0xFFFFE000  }
0xa0: {  	[spmem:s2] =	stream.indirect.scatter.add.f32 [tilespmem:s15], [sflag:$0x4], $0x80, s31, s20, $0xb8;
	[tilespmem:$0x1E000] =	vst v63  }
0xa1: {  	_ =	swait.ge [sflag:s21], $0x4000  }
0xa2: {  	[sflag:s21] =	ssyncset.done $0x0  }
0xa3: {  	s30 =	sadd.s32 $0x500, s28;
	[sflag:s21] =	ssyncadd.s32 $0xFFFFC000  }
0xa4: {  	[tilespmem:s15], [sflag:$0x2] =	stream.indirect.gather [hbm4b:s5+s14], $0x80, s30, s14, $0xb8;
	[tilespmem:$0x1E000] =	vst v63  }
0xa5: {  	s31 =	sadd.s32 $0x540, s28  }
0xa6: {  	[tilespmem:s16], [sflag:$0x2] =	stream.indirect.gather [hbm4b:s5+s14], $0x80, s31, s14, $0xb8;
	[tilespmem:$0x1E000] =	vst v63  }
0xa7: {  	_ =	swait.ge [sflag:s22], $0x2000  }
0xa8: {  	[sflag:s22] =	ssyncset.done $0x0  }
0xa9: {  	[sflag:s22] =	ssyncadd.s32 $0xFFFFE000  }
0xaa: {  	_ =	swait.ge [sflag:s22], $0x2000  }
0xab: {  	[sflag:s22] =	ssyncset.done $0x0  }
0xac: {  	s30 =	sadd.s32 $0xC80, s28;
	[sflag:s22] =	ssyncadd.s32 $0xFFFFE000  }
0xad: {  	[spmem:s2] =	stream.indirect.scatter.add.f32 [tilespmem:s17], [sflag:$0x5], $0x80, s30, s20, $0xb8;
	[tilespmem:$0x1E000] =	vst v63  }
0xae: {  	_ =	swait.ge [sflag:s23], $0x4000  }
0xaf: {  	[sflag:s23] =	ssyncset.done $0x0  }
0xb0: {  	s31 =	sadd.s32 $0x580, s28;
	[sflag:s23] =	ssyncadd.s32 $0xFFFFC000  }
0xb1: {  	[tilespmem:s17], [sflag:$0x3] =	stream.indirect.gather [hbm4b:s5+s14], $0x80, s31, s14, $0xb8;
	[tilespmem:$0x1E000] =	vst v63  }
0xb2: {  	s30 =	sadd.s32 $0x5C0, s28  }
0xb3: {  	[tilespmem:s18], [sflag:$0x3] =	stream.indirect.gather [hbm4b:s5+s14], $0x80, s30, s14, $0xb8;
	[tilespmem:$0x1E000] =	vst v63  }
0xb4: {  	_ =	swait.ge [sflag:s19], $0x2000  }
0xb5: {  	[sflag:s19] =	ssyncset.done $0x0  }
0xb6: {  	[sflag:s19] =	ssyncadd.s32 $0xFFFFE000  }
0xb7: {  	_ =	swait.ge [sflag:s19], $0x2000  }
0xb8: {  	[sflag:s19] =	ssyncset.done $0x0  }
0xb9: {  	s31 =	sadd.s32 $0xD00, s28;
	[sflag:s19] =	ssyncadd.s32 $0xFFFFE000  }
0xba: {  	[spmem:s2] =	stream.indirect.scatter.add.f32 [tilespmem:s15], [sflag:$0x4], $0x80, s31, s20, $0xb8;
	[tilespmem:$0x1E000] =	vst v63  }
0xbb: {  	_ =	swait.ge [sflag:s21], $0x4000  }
0xbc: {  	[sflag:s21] =	ssyncset.done $0x0  }
0xbd: {  	s30 =	sadd.s32 $0x600, s28;
	[sflag:s21] =	ssyncadd.s32 $0xFFFFC000  }
0xbe: {  	[tilespmem:s15], [sflag:$0x2] =	stream.indirect.gather [hbm4b:s5+s14], $0x80, s30, s14, $0xb8;
	[tilespmem:$0x1E000] =	vst v63  }
0xbf: {  	s31 =	sadd.s32 $0x640, s28  }
0xc0: {  	[tilespmem:s16], [sflag:$0x2] =	stream.indirect.gather [hbm4b:s5+s14], $0x80, s31, s14, $0xb8;
	[tilespmem:$0x1E000] =	vst v63  }
0xc1: {  	_ =	swait.ge [sflag:s22], $0x2000  }
0xc2: {  	[sflag:s22] =	ssyncset.done $0x0  }
0xc3: {  	[sflag:s22] =	ssyncadd.s32 $0xFFFFE000  }
0xc4: {  	_ =	swait.ge [sflag:s22], $0x2000  }
0xc5: {  	[sflag:s22] =	ssyncset.done $0x0  }
0xc6: {  	s30 =	sadd.s32 $0xD80, s28;
	[sflag:s22] =	ssyncadd.s32 $0xFFFFE000  }
0xc7: {  	[spmem:s2] =	stream.indirect.scatter.add.f32 [tilespmem:s17], [sflag:$0x5], $0x80, s30, s20, $0xb8;
	[tilespmem:$0x1E000] =	vst v63  }
0xc8: {  	_ =	swait.ge [sflag:s23], $0x4000  }
0xc9: {  	[sflag:s23] =	ssyncset.done $0x0  }
0xca: {  	s31 =	sadd.s32 $0x680, s28;
	[sflag:s23] =	ssyncadd.s32 $0xFFFFC000  }
0xcb: {  	[tilespmem:s17], [sflag:$0x3] =	stream.indirect.gather [hbm4b:s5+s14], $0x80, s31, s14, $0xb8;
	[tilespmem:$0x1E000] =	vst v63  }
0xcc: {  	s30 =	sadd.s32 $0x6C0, s28  }
0xcd: {  	[tilespmem:s18], [sflag:$0x3] =	stream.indirect.gather [hbm4b:s5+s14], $0x80, s30, s14, $0xb8;
	[tilespmem:$0x1E000] =	vst v63  }
0xce: {  	_ =	swait.ge [sflag:s19], $0x2000  }
0xcf: {  	[sflag:s19] =	ssyncset.done $0x0  }
0xd0: {  	[sflag:s19] =	ssyncadd.s32 $0xFFFFE000  }
0xd1: {  	_ =	swait.ge [sflag:s19], $0x2000  }
0xd2: {  	[sflag:s19] =	ssyncset.done $0x0  }
0xd3: {  	s31 =	sadd.s32 $0xE00, s28;
	[sflag:s19] =	ssyncadd.s32 $0xFFFFE000  }
0xd4: {  	[spmem:s2] =	stream.indirect.scatter.add.f32 [tilespmem:s15], [sflag:$0x4], $0x80, s31, s20, $0xb8;
	[tilespmem:$0x1E000] =	vst v63  }
0xd5: {  	_ =	swait.ge [sflag:s21], $0x4000  }
0xd6: {  	[sflag:s21] =	ssyncset.done $0x0  }
0xd7: {  	s30 =	sadd.s32 $0x700, s28;
	[sflag:s21] =	ssyncadd.s32 $0xFFFFC000  }
0xd8: {  	[tilespmem:s15], [sflag:$0x2] =	stream.indirect.gather [hbm4b:s5+s14], $0x80, s30, s14, $0xb8;
	[tilespmem:$0x1E000] =	vst v63  }
0xd9: {  	s31 =	sadd.s32 $0x740, s28  }
0xda: {  	[tilespmem:s16], [sflag:$0x2] =	stream.indirect.gather [hbm4b:s5+s14], $0x80, s31, s14, $0xb8;
	[tilespmem:$0x1E000] =	vst v63  }
0xdb: {  	_ =	swait.ge [sflag:s22], $0x2000  }
0xdc: {  	[sflag:s22] =	ssyncset.done $0x0  }
0xdd: {  	[sflag:s22] =	ssyncadd.s32 $0xFFFFE000  }
0xde: {  	_ =	swait.ge [sflag:s22], $0x2000  }
0xdf: {  	[sflag:s22] =	ssyncset.done $0x0  }
0xe0: {  	s30 =	sadd.s32 $0xE80, s28;
	[sflag:s22] =	ssyncadd.s32 $0xFFFFE000  }
0xe1: {  	[spmem:s2] =	stream.indirect.scatter.add.f32 [tilespmem:s17], [sflag:$0x5], $0x80, s30, s20, $0xb8;
	[tilespmem:$0x1E000] =	vst v63  }
0xe2: {  	_ =	swait.ge [sflag:s23], $0x4000  }
0xe3: {  	[sflag:s23] =	ssyncset.done $0x0  }
0xe4: {  	s31 =	sadd.s32 $0x780, s28;
	[sflag:s23] =	ssyncadd.s32 $0xFFFFC000  }
0xe5: {  	[tilespmem:s17], [sflag:$0x3] =	stream.indirect.gather [hbm4b:s5+s14], $0x80, s31, s14, $0xb8;
	[tilespmem:$0x1E000] =	vst v63  }
0xe6: {  	s30 =	sadd.s32 $0x7C0, s28  }
0xe7: {  	[tilespmem:s18], [sflag:$0x3] =	stream.indirect.gather [hbm4b:s5+s14], $0x80, s30, s14, $0xb8;
	[tilespmem:$0x1E000] =	vst v63  }
0xe8: {  	_ =	swait.ge [sflag:s19], $0x2000  }
0xe9: {  	[sflag:s19] =	ssyncset.done $0x0  }
0xea: {  	[sflag:s19] =	ssyncadd.s32 $0xFFFFE000  }
0xeb: {  	_ =	swait.ge [sflag:s19], $0x2000  }
0xec: {  	[sflag:s19] =	ssyncset.done $0x0  }
0xed: {  	s31 =	sadd.s32 $0xF00, s28;
	[sflag:s19] =	ssyncadd.s32 $0xFFFFE000  }
0xee: {  	[spmem:s2] =	stream.indirect.scatter.add.f32 [tilespmem:s15], [sflag:$0x4], $0x80, s31, s20, $0xb8;
	[tilespmem:$0x1E000] =	vst v63  }
0xef: {  	_ =	swait.ge [sflag:s22], $0x2000  }
0xf0: {  	[sflag:s22] =	ssyncset.done $0x0  }
0xf1: {  	[sflag:s22] =	ssyncadd.s32 $0xFFFFE000  }
0xf2: {  	_ =	swait.ge [sflag:s22], $0x2000  }
0xf3: {  	[sflag:s22] =	ssyncset.done $0x0  }
0xf4: {  	s28 =	sadd.s32 $0xF80, s28;
	[sflag:s22] =	ssyncadd.s32 $0xFFFFE000  }
0xf5: {  	[spmem:s2] =	stream.indirect.scatter.add.f32 [tilespmem:s17], [sflag:$0x5], $0x80, s28, s20, $0xb8;
	[tilespmem:$0x1E000] =	vst v63  }
0xf6: {  	_ =	swait.ge [sflag:s21], $0x4000  }
.Ltmp2:
0xf7: {  	[sflag:s21] =	ssyncset.done $0x0;
	(pc) =	sbr.rel @p0 .LBB2_4-.Ltmp2, $4  }
0xf8: {  	[sflag:s21] =	ssyncadd.s32 $0xFFFFC000  }
0xf9: {  	_ =	swait.ge [sflag:s23], $0x4000  }
0xfa: {  	[sflag:s23] =	ssyncset.done $0x0  }
0xfb: {  	[sflag:s23] =	ssyncadd.s32 $0xFFFFC000  }
.Ltmp3:
0xfc: {  	(pc) =	sbr.rel .LBB2_2-.Ltmp3, $4  }
0xfd: {  	_ = 	snop  }
0xfe: {  	_ =	swait.ge [sflag:s24], $0x1000  }
0xff: {  	[sflag:s24] =	ssyncset.done $0x0  }
0x100: {  	s26 =	sadd.s32 $0x1000, s26;
	[sflag:s24] =	ssyncadd.s32 $0xFFFFF000  }
.LBB2_5:
0x101: {  	_ =	sfence.sel $0x180000  }
0x102: {  	[bflag:$0x0] =	sbarrier.arrive $0xFFFF  }
0x103: {  	p0 =	sne.s32 s3, $0x0;
	_ =	strace $0x9000004D  }
0x104: {  	s0 =	sadd.s32 @!p0 $0x100000, s0;
	[bflag:$0x2] =	sbarrier.arrive $0xFFFF  }
0x105: {  	[sflag:s0] =	ssyncadd.tile.s32 @!p0 $0x1;
	_ =	shalt  }
.Lfunc_end2:
_tile_overlayer_lowered:
.L_overlay_start_2:
0x106: {  	(tag) =	ssettag $0x2  }
0x107: {  	s0 =	rddreg [dreg:$0x0];
	s2 =	stileid.u32  }
0x108: {  	s1 =	rddreg [dreg:$0x1];
	p0 =	sne.s32 s2, $0x0  }
0x109: {  	s3 =	rddreg [dreg:$0x2];
	[bflag:$0x3] =	sbarrier.arrive $0xFFFF;
	s2 =	simm.s32 @!p0 $0x1C06  }
0x10a: {  	[timem:s3], [sflag:s2] =	dma.local @!p0 [hbm:s0], s1  }
0x10b: {  	s0 =	simm.s32 @!p0 $0x6  }
0x10c: {  	_ =	swait.ge @!p0 [sflag:s0], s1  }
0x10d: {  	s1 =	ssub.s32 @!p0 $0x0, s1;
	[sflag:s0] =	ssyncset.done @!p0 $0x0  }
0x10e: {  	[sflag:s0] =	ssyncadd.s32 @!p0 s1  }
0x10f: {  	[bflag:$0x3] =	sbarrier.arrive $0xFFFF  }
0x110: {  	_ =	shalt  }

// kernel: kernel.8.cloned.1.call-start
scs
__scs_entry_jumppad:
0x0: {  	(pc) =	sbr.rel $0x88, $3  }
0x1: {  	(tag) =	ssettag $0x0;
	lr =	simm.s32 $0x1  }
0x2: {  	[smem:$0x3F9B] =	sst lr;
	_ =	strace $0xD0000000  }
0x3: {  	_ = 	snop  }
0x4: {  	_ = 	snop  }
0x5: {  	_ = 	snop  }
0x6: {  	_ = 	snop  }
0x7: {  	_ = 	snop  }
__scs_overlays_trampoline_lowered:
0x8: {  	[smem:$0x3FAA] =	sst s0  }
0x9: {  	[smem:$0x3FAB] =	sst s1  }
0xa: {  	[smem:$0x3FAC] =	sst s2  }
0xb: {  	[smem:$0x3FAD] =	sst s3  }
0xc: {  	[smem:$0x3FAE] =	sst s4  }
0xd: {  	[smem:$0x3FAF] =	sst s5  }
0xe: {  	[smem:$0x3FB0] =	sst s6  }
0xf: {  	[smem:$0x3FB1] =	sst s7  }
0x10: {  	[smem:$0x3FB2] =	sst s8  }
0x11: {  	[smem:$0x3FB3] =	sst s9;
	s0 =	simm.s32 @!p0 $0x0  }
0x12: {  	s1 =	sld [smem:$0x3F99];
	s0 =	simm.s32 @p0 $0x1  }
0x13: {  	[smem:$0x3FB4] =	sst s0;
	s0 =	simm.s32 @!p1 $0x0  }
0x14: {  	s2 =	sld [smem:$0x3F98];
	s0 =	simm.s32 @p1 $0x1  }
0x15: {  	[smem:$0x3FB5] =	sst s0;
	s0 =	simm.s32 @!p2 $0x0  }
0x16: {  	s3 =	sld [smem:$0x3FDB];
	s0 =	simm.s32 @p2 $0x1  }
0x17: {  	s4 =	simm.s32 $0x1BF5;
	[smem:$0x3FB7] =	sst s0  }
0x18: {  	s0 =	sld [smem:$0x3F9A];
	_ =	swait.ge [sflag:s4], $0x0  }
0x19: {  	s7 =	sld [smem:$0x3F9B]  }
0x1a: {  	s8 =	sadd.s32 $0xFFFFE003, lr  }
0x1b: {  	s9 =	sadd.s32 $0xFFFFFEF7, lr;
	s5 =	simm.s32 $0xFFFFFFFF;
	p2 =	slt.u32 s8, $0xFFFFF086  }
0x1c: {  	p1 =	slt.u32 s9, $0xF7A;
	s5 =	simm.s32 @!p2 $0x0  }
0x1d: {  	s5 =	simm.s32 @p1 $0x1;
	p0 =	seq.s32 s7, s2  }
0x1e: {  	s7 =	smul.u32 @!p0 $0xF7A, s2;
	p2 =	seq.s32 @!p0 s5, $0x0  }
0x1f: {  	s9 =	smul.u32 $0xF7A, s1;
	s8 =	simm.s32 @!p0 $0x1BF5;
	p2 =	por !p2, p0  }
0x20: {  	[sflag:s8] =	ssyncset.s32 @!p0 $0xFFFFF086;
	s6 =	sadd.s32 @!p0 s3, s7;
	s7 =	simm.s32 @!p0 $0x108  }
0x21: {  	s3 =	sadd.s32 s3, s9;
	s6 =	sadd.s32 @!p0 $0x88, s6;
	s7 =	simm.s32 @p2 $0x1082  }
0x22: {  	[simem:s7], [sflag:s8] =	dma.local @!p0 [hbm:s6], $0xF7A  }
0x23: {  	s9 =	sor.u32 $0xD0000000, s2;
	s6 =	simm.s32 $0x108;
	_ =	swait.ge @!p0 [sflag:s8], $0x0  }
0x24: {  	s3 =	sadd.s32 $0x88, s3;
	s6 =	simm.s32 @!p1 $0x1082;
	[sflag:s4] =	ssyncset.s32 $0xFFFFF086  }
0x25: {  	[simem:s6], [sflag:s4] =	dma.local [hbm:s3], $0xF7A  }
0x26: {  	[smem:$0x3F9B] =	sst s1;
	(tag) =	ssettag s2;
	_ =	strace s9  }
0x27: {  	s1 =	sld [smem:$0x3FAB]  }
0x28: {  	s2 =	sld [smem:$0x3FAC]  }
0x29: {  	s4 =	sld [smem:$0x3FAE]  }
0x2a: {  	p0 =	seq.s32 s5, $0x0;
	s5 =	sld [smem:$0x3FAF]  }
0x2b: {  	s6 =	sld [smem:$0x3FB0]  }
0x2c: {  	s7 =	sld [smem:$0x3FB1]  }
0x2d: {  	s3 =	simm.s32 $0x108;
	s8 =	sld [smem:$0x3FB2]  }
0x2e: {  	s3 =	simm.s32 @!p0 $0x1082;
	s9 =	sld [smem:$0x3FB3]  }
0x2f: {  	lr =	sadd.s32 s0, s3;
	s0 =	sld [smem:$0x3FAA]  }
0x30: {  	s3 =	sld [smem:$0x3FAD]  }
0x31: {  	[smem:$0x3FB6] =	sst s10  }
0x32: {  	s10 =	sld [smem:$0x3FB4];
	_ =	sdelay $0x3  }
0x33: {  	p0 =	seq.s32 s10, $0x1;
	s10 =	sld [smem:$0x3FB6];
	_ =	sdelay $0x3  }
0x34: {  	[smem:$0x3FB6] =	sst s10  }
0x35: {  	s10 =	sld [smem:$0x3FB5];
	_ =	sdelay $0x3  }
0x36: {  	p1 =	seq.s32 s10, $0x1;
	s10 =	sld [smem:$0x3FB6];
	_ =	sdelay $0x3  }
0x37: {  	[smem:$0x3FB6] =	sst s10  }
0x38: {  	s10 =	sld [smem:$0x3FB7]  }
0x39: {  	_ = 	snop;
	(pc) =	sbr.ind lr, $3  }
0x3a: {  	_ = 	snop  }
0x3b: {  	_ = 	snop  }
0x3c: {  	p2 =	seq.s32 s10, $0x1;
	s10 =	sld [smem:$0x3FB6]  }
0x3d: {  	_ =	shalt  }
0x3e: {  	_ =	shalt  }
0x3f: {  	_ =	shalt  }
0x40: {  	_ =	shalt  }
0x41: {  	_ =	shalt  }
0x42: {  	_ =	shalt  }
0x43: {  	_ =	shalt  }
0x44: {  	_ =	shalt  }
0x45: {  	_ =	shalt  }
0x46: {  	_ =	shalt  }
0x47: {  	_ =	shalt  }
0x48: {  	_ =	shalt  }
0x49: {  	_ =	shalt  }
0x4a: {  	_ =	shalt  }
0x4b: {  	_ =	shalt  }
0x4c: {  	_ =	shalt  }
0x4d: {  	_ =	shalt  }
0x4e: {  	_ =	shalt  }
0x4f: {  	_ =	shalt  }
0x50: {  	_ =	shalt  }
0x51: {  	_ =	shalt  }
0x52: {  	_ =	shalt  }
0x53: {  	_ =	shalt  }
0x54: {  	_ =	shalt  }
0x55: {  	_ =	shalt  }
0x56: {  	_ =	shalt  }
0x57: {  	_ =	shalt  }
0x58: {  	_ =	shalt  }
0x59: {  	_ =	shalt  }
0x5a: {  	_ =	shalt  }
0x5b: {  	_ =	shalt  }
0x5c: {  	_ =	shalt  }
0x5d: {  	_ =	shalt  }
0x5e: {  	_ =	shalt  }
0x5f: {  	_ =	shalt  }
0x60: {  	_ =	shalt  }
0x61: {  	_ =	shalt  }
0x62: {  	_ =	shalt  }
0x63: {  	_ =	shalt  }
0x64: {  	_ =	shalt  }
0x65: {  	_ =	shalt  }
0x66: {  	_ =	shalt  }
0x67: {  	_ =	shalt  }
0x68: {  	_ =	shalt  }
0x69: {  	_ =	shalt  }
0x6a: {  	_ =	shalt  }
0x6b: {  	_ =	shalt  }
0x6c: {  	_ =	shalt  }
0x6d: {  	_ =	shalt  }
0x6e: {  	_ =	shalt  }
0x6f: {  	_ =	shalt  }
0x70: {  	_ =	shalt  }
0x71: {  	_ =	shalt  }
0x72: {  	_ =	shalt  }
0x73: {  	_ =	shalt  }
0x74: {  	_ =	shalt  }
0x75: {  	_ =	shalt  }
0x76: {  	_ =	shalt  }
0x77: {  	_ =	shalt  }
0x78: {  	_ =	shalt  }
0x79: {  	_ =	shalt  }
0x7a: {  	_ =	shalt  }
0x7b: {  	_ =	shalt  }
0x7c: {  	_ =	shalt  }
0x7d: {  	_ =	shalt  }
0x7e: {  	_ =	shalt  }
0x7f: {  	_ =	shalt  }
0x80: {  	_ =	shalt  }
0x81: {  	_ =	shalt  }
0x82: {  	_ =	shalt  }
0x83: {  	_ =	shalt  }
0x84: {  	_ =	shalt  }
0x85: {  	_ =	shalt  }
0x86: {  	_ =	shalt  }
0x87: {  	_ =	shalt  }
.Lfunc_end0:
.L_simem_size_0:
called_computation_lowered:
.L_overlay_start_0:
0x88: {  	s2 =	sld [smem:$0x3FD9]  }
0x89: {  	s3 =	sld [smem:$0x3FFE];
	_ =	sdelay $0x1  }
0x8a: {  	s1 =	srdreg.scid  }
0x8b: {  	s0 =	sand.u32 $0x1, s1  }
0x8c: {  	s17 =	sshll.u32 s0, $0xA;
	s2 =	sadd.s32 s3, s2  }
0x8d: {  	s2 =	sadd.s32 s2, s17  }
0x8e: {  	[smem:$0x3FC2] =	sst s2  }
0x8f: {  	_ = 	snop  }
0x90: {  	s2 =	sld [smem:$0x3FD0];
	(tm) =	ssettm $0x1  }
0x91: {  	s18 =	sld [smem:$0x3FFB];
	_ =	sdelay $0x3  }
0x92: {  	_ =	strace s18  }
0x93: {  	s3 =	sld [smem:$0x3FFC];
	_ =	sdelay $0x3  }
0x94: {  	_ =	strace s3  }
0x95: {  	s3 =	sld [smem:$0x3FFD];
	_ =	sdelay $0x3  }
0x96: {  	_ =	strace s3  }
0x97: {  	_ =	strace $0x8FFFFFFF  }
0x98: {  	s19 =	sld [smem:$0x3FDB];
	_ =	sdelay $0x1  }
0x99: {  	s4 =	simm.s32 $_scs_section_size  }
0x9a: {  	s5 =	simm.s32 $_size__tile_overlayer_lowered;
	s6 =	simm.s32 $_tile_overlayer_lowered  }
0x9b: {  	s22 =	simm.s32 $0x1BFF;
	s21 =	sshll.u32 s6, $0x1;
	s3 =	sadd.s32 s4, s19  }
0x9c: {  	s7 =	simm.s32 $0x0;
	s20 =	sshll.u32 s5, $0x1;
	s5 =	sadd.s32 s21, s3  }
0x9d: {  	[timem:s7], [sflag:s22] =	dma.local [hbm:s5], s20  }
0x9e: {  	_ =	swait.ge [sflag:s22], s20  }
0x9f: {  	s4 =	ssub.s32 $0x0, s20;
	[sflag:s22] =	ssyncset.done $0x0  }
0xa0: {  	[sflag:s22] =	ssyncadd.s32 s4;
	_ =	sdelay $0x1  }
0xa1: {  	s23 =	simm.s32 $0x1B8B  }
0xa2: {  	_ =	swait.ge [sflag:s23], $0x1  }
0xa3: {  	[sflag:s23] =	ssyncset.done $0x0  }
0xa4: {  	s25 =	simm.s32 $0x1B8E;
	s24 =	sld [smem:$0x3FFE];
	[sflag:s23] =	ssyncadd.s32 $0xFFFFFFFF  }
0xa5: {  	s26 =	simm.s32 $execute0_lowered;
	[smem:$0x3FD2] =	sst s25  }
0xa6: {  	s5 =	sshll.u32 s26, $0x1;
	_ =	strace $0x80000046;
	[dreg:$0x1] =	wrdreg $0xFFFFFFFF  }
0xa7: {  	s28 =	simm.s32 $_size_execute0_lowered;
	s3 =	sadd.s32 s3, s5;
	[dreg:$0x0] =	wrdreg $0x0  }
0xa8: {  	s5 =	sshll.u32 s28, $0x1;
	[dreg:$0x2] =	wrdreg s3  }
0xa9: {  	[dreg:$0x3] =	wrdreg s5  }
0xaa: {  	[dreg:$0x4] =	wrdreg $0xC0  }
0xab: {  	_ =	task [dreg:s7], $0x5FFFF  }
0xac: {  	[dreg:$0x1] =	wrdreg $0xFFFFFFFF  }
0xad: {  	[dreg:$0x0] =	wrdreg $0x60  }
0xae: {  	[dreg:$0x2] =	wrdreg s2  }
0xaf: {  	[dreg:$0x3] =	wrdreg s24  }
0xb0: {  	[dreg:$0x4] =	wrdreg $0x68000  }
0xb1: {  	[dreg:$0x5] =	wrdreg $0x9  }
0xb2: {  	_ =	task.clear_ibuf [dreg:s7], $0x6FFFF;
	_ =	strace $0x90000046  }
0xb3: {  	s29 =	simm.s32 $0x9;
	_ =	strace $0x80000048  }
0xb4: {  	_ =	swait.ge [sflag:s29], $0x1  }
0xb5: {  	[sflag:s29] =	ssyncadd.s32 $0xFFFFFFFF  }
0xb6: {  	_ =	strace $0x90000048  }
0xb7: {  	_ =	sfence  }
0xb8: {  	s30 =	sld [smem:$0x0];
	_ =	sdelay $0x2  }
0xb9: {  	s31 =	sshll.u32 s1, $0xD;
	s1 =	sshrl.u32 s1, $0x2  }
0xba: {  	s3 =	sand.u32 $0x4000, s31;
	s1 =	sadd.s32 s1, s30  }
0xbb: {  	s0 =	sor.u32 s3, s0;
	s1 =	sshll.u32 s1, $0x11  }
0xbc: {  	s0 =	sor.u32 s1, s0  }
0xbd: {  	s0 =	sadd.s32 $0x8F2B, s0  }
0xbe: {  	[sflag:s0] =	ssyncadd.remote.s32 $0x1  }
0xbf: {  	_ =	sfence.sel $0xFFFF  }
0xc0: {  	[dreg:$0x0] =	wrdreg $0xFFFFFFFF;
	(pc) =	sbr.abs _section_cstart, $3  }
0xc1: {  	[dreg:$0x1] =	wrdreg $0xFFFFFFFF  }
0xc2: {  	_ =	task.clear_ibuf [dreg:s7], $0x2FFFF;
	_ =	strace $0x9FFFFFFF  }
0xc3: {  	(tm) =	ssettm $0x7FFFFFFF  }
tec
execute0_lowered:
.L_overlay_start_1:
0x0: {  	(tag) =	ssettag $0x1  }
0x1: {  	s5 =	rddreg [dreg:$0x0]  }
0x2: {  	s12 =	rddreg [dreg:$0x1]  }
0x3: {  	s1 =	rddreg [dreg:$0x2];
	s2 =	srdreg.scid  }
0x4: {  	s0 =	rddreg [dreg:$0x3];
	s3 =	simm.s32 $0x0;
	s17 =	simm.s32 $0x2A800  }
0x5: {  	s18 =	simm.s32 $0x1800;
	s19 =	simm.s32 $0x2000;
	s6 =	sand.u32 $0x1, s2  }
0x6: {  	s20 =	simm.s32 $0x2800;
	s2 =	stileid.u32;
	s7 =	smul.u32 $0x140000, s6  }
0x7: {  	s21 =	simm.s32 $0x80;
	s22 =	simm.s32 $0x1;
	s8 =	smul.u32 $0x14000, s2  }
0x8: {  	s23 =	simm.s32 $0x0;
	[smem:$0x7FF] =	sst s3;
	s9 =	smul.u32 $0x50000, s6  }
0x9: {  	s4 =	sadd.s32 $0x2000, s12;
	_ =	strace $0x80000047;
	s26 =	smul.u32 $0x5000, s2  }
0xa: {  	s10 =	ssub.s32 $0x2, s6;
	s11 =	smul.u32 $0x50000, s2;
	p0 =	seq.s32 s6, $0x0  }
0xb: {  	s16 =	smul.u32 $0x2800, s2;
	s31 =	sshll.u32 s2, $0x6;
	s28 =	sshrl.u32 s10, $0x1  }
0xc: {  	s17 =	simm.s32 @!p0 $0x2800;
	s7 =	sadd.s32 s8, s7;
	s8 =	sadd.s32 s26, s9  }
0xd: {  	s14 =	ssub.s32 s10, s28;
	s29 =	sshrl.u32 s11, $0x2;
	s7 =	sshrl.u32 s7, $0x3  }
0xe: {  	s8 =	sshrl.u32 s8, $0x3;
	s15 =	sadd.s32 s29, s1;
	s11 =	smax.u32 s14, $0x1  }
0xf: {  	s13 =	sadd.s32 s7, s12;
	s30 =	sadd.s32 s5, s8;
	s12 =	sadd.s32 s17, s12  }
0x10: {  	s14 =	sshrl.u32 s15, $0x3;
	s15 =	simm.s32 $0x2;
	s17 =	simm.s32 $0x1000  }
0x11: {  	s5 =	sadd.s32 $0x100, s30;
	s6 =	sadd.s32 $0x300, s30;
	s7 =	sadd.s32 $0x500, s30  }
0x12: {  	s8 =	sadd.s32 $0x700, s30;
	s9 =	sadd.s32 $0x900, s30;
	s10 =	sadd.s32 $0x52800, s13  }
0x13: {  	s12 =	sadd.s32 s12, s16;
	s13 =	sor.u32 $0x1C02, s31;
	s16 =	simm.s32 $0x800  }
.LBB2_1:
0x14: {  	[spmem:s14], [sflag:s13] =	dma.local [hbm:s12], $0x2800  }
0x15: {  	_ =	swait.ge [sflag:s15], $0x2800  }
0x16: {  	[sflag:s15] =	ssyncset.done $0x0  }
0x17: {  	[sflag:s15] =	ssyncadd.s32 $0xFFFFD800  }
0x18: {  	[tilespmem:s3], [sflag:$0x2] =	stream.linear.gather [hbm4b:s5+s3], $0x800, $0x38;
	[tilespmem:$0x1A800] =	vst v63  }
0x19: {  	_ =	swait.ge [sflag:s15], $0x800  }
0x1a: {  	[sflag:s15] =	ssyncset.done $0x0  }
0x1b: {  	[sflag:s15] =	ssyncadd.s32 $0xFFFFF800  }
0x1c: {  	[tilespmem:s16], [sflag:$0x2] =	stream.linear.gather [hbm4b:s6+s3], $0x800, $0x38;
	[tilespmem:$0x1A800] =	vst v63  }
0x1d: {  	_ =	swait.ge [sflag:s15], $0x800  }
0x1e: {  	[sflag:s15] =	ssyncset.done $0x0  }
0x1f: {  	[sflag:s15] =	ssyncadd.s32 $0xFFFFF800  }
0x20: {  	[tilespmem:s17], [sflag:$0x2] =	stream.linear.gather [hbm4b:s7+s3], $0x800, $0x38;
	[tilespmem:$0x1A800] =	vst v63  }
0x21: {  	_ =	swait.ge [sflag:s15], $0x800  }
0x22: {  	[sflag:s15] =	ssyncset.done $0x0  }
0x23: {  	[sflag:s15] =	ssyncadd.s32 $0xFFFFF800  }
0x24: {  	[tilespmem:s18], [sflag:$0x2] =	stream.linear.gather [hbm4b:s8+s3], $0x800, $0x38;
	[tilespmem:$0x1A800] =	vst v63  }
0x25: {  	_ =	swait.ge [sflag:s15], $0x800  }
0x26: {  	[sflag:s15] =	ssyncset.done $0x0  }
0x27: {  	[sflag:s15] =	ssyncadd.s32 $0xFFFFF800  }
0x28: {  	[tilespmem:s19], [sflag:$0x2] =	stream.linear.gather [hbm4b:s9+s3], $0x800, $0x38;
	[tilespmem:$0x1A800] =	vst v63  }
0x29: {  	_ =	swait.ge [sflag:s15], $0x800  }
0x2a: {  	[sflag:s15] =	ssyncset.done $0x0  }
0x2b: {  	[sflag:s15] =	ssyncadd.s32 $0xFFFFF800  }
0x2c: {  	[tilespmem:s20], [sflag:$0x2] =	stream.linear.gather [hbm4b:s4+s3], $0x4000, $0x38;
	[tilespmem:$0x1A800] =	vst v63  }
0x2d: {  	_ =	swait.ge [sflag:s15], $0x4000  }
0x2e: {  	[sflag:s15] =	ssyncset.done $0x0  }
0x2f: {  	[sflag:s15] =	ssyncadd.s32 $0xFFFFC000  }
0x30: {  	s24 =	simm.s32 $0x0;
	[bflag:$0x0] =	sbarrier.arrive $0xFFFF  }
0x31: {  	[spmem:s1] =	stream.indirect.scatter.add.f32 [tilespmem:s20], [sflag:$0x1], $0x80, s24, s21, $0xb8;
	[tilespmem:$0x1A800] =	vst v63  }
0x32: {  	s25 =	simm.s32 $0x80  }
0x33: {  	[spmem:s1] =	stream.indirect.scatter.add.f32 [tilespmem:s20], [sflag:$0x1], $0x80, s25, s21, $0xb8;
	[tilespmem:$0x1A800] =	vst v63  }
0x34: {  	s26 =	simm.s32 $0x100  }
0x35: {  	[spmem:s1] =	stream.indirect.scatter.add.f32 [tilespmem:s20], [sflag:$0x1], $0x80, s26, s21, $0xb8;
	[tilespmem:$0x1A800] =	vst v63  }
0x36: {  	s29 =	simm.s32 $0x180  }
0x37: {  	[spmem:s1] =	stream.indirect.scatter.add.f32 [tilespmem:s20], [sflag:$0x1], $0x80, s29, s21, $0xb8;
	[tilespmem:$0x1A800] =	vst v63  }
0x38: {  	s30 =	simm.s32 $0x200  }
0x39: {  	[spmem:s1] =	stream.indirect.scatter.add.f32 [tilespmem:s20], [sflag:$0x1], $0x80, s30, s21, $0xb8;
	[tilespmem:$0x1A800] =	vst v63  }
0x3a: {  	s31 =	simm.s32 $0x280  }
0x3b: {  	[spmem:s1] =	stream.indirect.scatter.add.f32 [tilespmem:s20], [sflag:$0x1], $0x80, s31, s21, $0xb8;
	[tilespmem:$0x1A800] =	vst v63  }
0x3c: {  	s25 =	simm.s32 $0x300  }
0x3d: {  	[spmem:s1] =	stream.indirect.scatter.add.f32 [tilespmem:s20], [sflag:$0x1], $0x80, s25, s21, $0xb8;
	[tilespmem:$0x1A800] =	vst v63  }
0x3e: {  	s26 =	simm.s32 $0x380  }
0x3f: {  	[spmem:s1] =	stream.indirect.scatter.add.f32 [tilespmem:s20], [sflag:$0x1], $0x80, s26, s21, $0xb8;
	[tilespmem:$0x1A800] =	vst v63  }
0x40: {  	s29 =	simm.s32 $0x400  }
0x41: {  	[spmem:s1] =	stream.indirect.scatter.add.f32 [tilespmem:s20], [sflag:$0x1], $0x80, s29, s21, $0xb8;
	[tilespmem:$0x1A800] =	vst v63  }
0x42: {  	s30 =	simm.s32 $0x480  }
0x43: {  	[spmem:s1] =	stream.indirect.scatter.add.f32 [tilespmem:s20], [sflag:$0x1], $0x80, s30, s21, $0xb8;
	[tilespmem:$0x1A800] =	vst v63  }
0x44: {  	s31 =	simm.s32 $0x500  }
0x45: {  	[spmem:s1] =	stream.indirect.scatter.add.f32 [tilespmem:s20], [sflag:$0x1], $0x80, s31, s21, $0xb8;
	[tilespmem:$0x1A800] =	vst v63  }
0x46: {  	s25 =	simm.s32 $0x580  }
0x47: {  	[spmem:s1] =	stream.indirect.scatter.add.f32 [tilespmem:s20], [sflag:$0x1], $0x80, s25, s21, $0xb8;
	[tilespmem:$0x1A800] =	vst v63  }
0x48: {  	s26 =	simm.s32 $0x600  }
0x49: {  	[spmem:s1] =	stream.indirect.scatter.add.f32 [tilespmem:s20], [sflag:$0x1], $0x80, s26, s21, $0xb8;
	[tilespmem:$0x1A800] =	vst v63  }
0x4a: {  	s29 =	simm.s32 $0x680  }
0x4b: {  	[spmem:s1] =	stream.indirect.scatter.add.f32 [tilespmem:s20], [sflag:$0x1], $0x80, s29, s21, $0xb8;
	[tilespmem:$0x1A800] =	vst v63  }
0x4c: {  	s30 =	simm.s32 $0x700  }
0x4d: {  	[spmem:s1] =	stream.indirect.scatter.add.f32 [tilespmem:s20], [sflag:$0x1], $0x80, s30, s21, $0xb8;
	[tilespmem:$0x1A800] =	vst v63  }
0x4e: {  	s31 =	simm.s32 $0x780  }
0x4f: {  	[spmem:s1] =	stream.indirect.scatter.add.f32 [tilespmem:s20], [sflag:$0x1], $0x80, s31, s21, $0xb8;
	[tilespmem:$0x1A800] =	vst v63  }
0x50: {  	_ =	swait.ge [sflag:s22], $0x4000  }
0x51: {  	[sflag:s22] =	ssyncset.done $0x0  }
0x52: {  	[sflag:s22] =	ssyncadd.s32 $0xFFFFC000  }
0x53: {  	_ =	swait.ge [sflag:s22], $0x4000  }
0x54: {  	[sflag:s22] =	ssyncset.done $0x0  }
0x55: {  	[sflag:s22] =	ssyncadd.s32 $0xFFFFC000  }
0x56: {  	_ =	swait.ge [sflag:s22], $0x4000  }
0x57: {  	[sflag:s22] =	ssyncset.done $0x0  }
0x58: {  	[sflag:s22] =	ssyncadd.s32 $0xFFFFC000  }
0x59: {  	_ =	swait.ge [sflag:s22], $0x4000  }
0x5a: {  	[sflag:s22] =	ssyncset.done $0x0  }
0x5b: {  	[sflag:s22] =	ssyncadd.s32 $0xFFFFC000  }
0x5c: {  	_ =	swait.ge [sflag:s22], $0x4000  }
0x5d: {  	[sflag:s22] =	ssyncset.done $0x0  }
0x5e: {  	[sflag:s22] =	ssyncadd.s32 $0xFFFFC000  }
0x5f: {  	_ =	swait.ge [sflag:s22], $0x4000  }
0x60: {  	[sflag:s22] =	ssyncset.done $0x0  }
0x61: {  	[sflag:s22] =	ssyncadd.s32 $0xFFFFC000  }
0x62: {  	_ =	swait.ge [sflag:s22], $0x4000  }
0x63: {  	[sflag:s22] =	ssyncset.done $0x0  }
0x64: {  	[sflag:s22] =	ssyncadd.s32 $0xFFFFC000  }
0x65: {  	_ =	swait.ge [sflag:s22], $0x4000  }
0x66: {  	[sflag:s22] =	ssyncset.done $0x0  }
0x67: {  	[sflag:s22] =	ssyncadd.s32 $0xFFFFC000  }
0x68: {  	_ =	swait.ge [sflag:s22], $0x4000  }
0x69: {  	[sflag:s22] =	ssyncset.done $0x0  }
0x6a: {  	[sflag:s22] =	ssyncadd.s32 $0xFFFFC000  }
0x6b: {  	_ =	swait.ge [sflag:s22], $0x4000  }
0x6c: {  	[sflag:s22] =	ssyncset.done $0x0  }
0x6d: {  	[sflag:s22] =	ssyncadd.s32 $0xFFFFC000  }
0x6e: {  	_ =	swait.ge [sflag:s22], $0x4000  }
0x6f: {  	[sflag:s22] =	ssyncset.done $0x0  }
0x70: {  	[sflag:s22] =	ssyncadd.s32 $0xFFFFC000  }
0x71: {  	_ =	swait.ge [sflag:s22], $0x4000  }
0x72: {  	[sflag:s22] =	ssyncset.done $0x0  }
0x73: {  	[sflag:s22] =	ssyncadd.s32 $0xFFFFC000  }
0x74: {  	_ =	swait.ge [sflag:s22], $0x4000  }
0x75: {  	[sflag:s22] =	ssyncset.done $0x0  }
0x76: {  	[sflag:s22] =	ssyncadd.s32 $0xFFFFC000  }
0x77: {  	_ =	swait.ge [sflag:s22], $0x4000  }
0x78: {  	[sflag:s22] =	ssyncset.done $0x0  }
0x79: {  	[sflag:s22] =	ssyncadd.s32 $0xFFFFC000  }
0x7a: {  	_ =	swait.ge [sflag:s22], $0x4000  }
0x7b: {  	[sflag:s22] =	ssyncset.done $0x0  }
0x7c: {  	[sflag:s22] =	ssyncadd.s32 $0xFFFFC000  }
0x7d: {  	_ =	swait.ge [sflag:s22], $0x4000  }
0x7e: {  	s28 =	simm.s32 $0x4000;
	s24 =	simm.s32 $0x2000;
	[sflag:s22] =	ssyncset.done $0x0  }
.LBB2_2:
0x7f: {  	s26 =	sshra.s32 s24, $0x2  }
0x80: {  	[sflag:s22] =	ssyncadd.s32 $0xFFFFC000;
	s24 =	smov.u32 s28;
	s25 =	sadd.s32 $0x2000, s28  }
0x81: {  	[spmem:s1] =	stream.indirect.scatter.add.f32 [tilespmem:s20], [sflag:$0x1], $0x80, s26, s21, $0xb8;
	[tilespmem:$0x1A800] =	vst v63  }
0x82: {  	p0 =	sne.s32 s28, $0x8000;
	s28 =	sadd.s32 $0x80, s26  }
0x83: {  	[spmem:s1] =	stream.indirect.scatter.add.f32 [tilespmem:s20], [sflag:$0x1], $0x80, s28, s21, $0xb8;
	[tilespmem:$0x1A800] =	vst v63  }
0x84: {  	s28 =	sadd.s32 $0x100, s26  }
0x85: {  	[spmem:s1] =	stream.indirect.scatter.add.f32 [tilespmem:s20], [sflag:$0x1], $0x80, s28, s21, $0xb8;
	[tilespmem:$0x1A800] =	vst v63  }
0x86: {  	s28 =	sadd.s32 $0x180, s26  }
0x87: {  	[spmem:s1] =	stream.indirect.scatter.add.f32 [tilespmem:s20], [sflag:$0x1], $0x80, s28, s21, $0xb8;
	[tilespmem:$0x1A800] =	vst v63  }
0x88: {  	s28 =	sadd.s32 $0x200, s26  }
0x89: {  	[spmem:s1] =	stream.indirect.scatter.add.f32 [tilespmem:s20], [sflag:$0x1], $0x80, s28, s21, $0xb8;
	[tilespmem:$0x1A800] =	vst v63  }
0x8a: {  	s28 =	sadd.s32 $0x280, s26  }
0x8b: {  	[spmem:s1] =	stream.indirect.scatter.add.f32 [tilespmem:s20], [sflag:$0x1], $0x80, s28, s21, $0xb8;
	[tilespmem:$0x1A800] =	vst v63  }
0x8c: {  	s28 =	sadd.s32 $0x300, s26  }
0x8d: {  	[spmem:s1] =	stream.indirect.scatter.add.f32 [tilespmem:s20], [sflag:$0x1], $0x80, s28, s21, $0xb8;
	[tilespmem:$0x1A800] =	vst v63  }
0x8e: {  	s28 =	sadd.s32 $0x380, s26  }
0x8f: {  	[spmem:s1] =	stream.indirect.scatter.add.f32 [tilespmem:s20], [sflag:$0x1], $0x80, s28, s21, $0xb8;
	[tilespmem:$0x1A800] =	vst v63  }
0x90: {  	s28 =	sadd.s32 $0x400, s26  }
0x91: {  	[spmem:s1] =	stream.indirect.scatter.add.f32 [tilespmem:s20], [sflag:$0x1], $0x80, s28, s21, $0xb8;
	[tilespmem:$0x1A800] =	vst v63  }
0x92: {  	s28 =	sadd.s32 $0x480, s26  }
0x93: {  	[spmem:s1] =	stream.indirect.scatter.add.f32 [tilespmem:s20], [sflag:$0x1], $0x80, s28, s21, $0xb8;
	[tilespmem:$0x1A800] =	vst v63  }
0x94: {  	s28 =	sadd.s32 $0x500, s26  }
0x95: {  	[spmem:s1] =	stream.indirect.scatter.add.f32 [tilespmem:s20], [sflag:$0x1], $0x80, s28, s21, $0xb8;
	[tilespmem:$0x1A800] =	vst v63  }
0x96: {  	s28 =	sadd.s32 $0x580, s26  }
0x97: {  	[spmem:s1] =	stream.indirect.scatter.add.f32 [tilespmem:s20], [sflag:$0x1], $0x80, s28, s21, $0xb8;
	[tilespmem:$0x1A800] =	vst v63  }
0x98: {  	s28 =	sadd.s32 $0x600, s26  }
0x99: {  	[spmem:s1] =	stream.indirect.scatter.add.f32 [tilespmem:s20], [sflag:$0x1], $0x80, s28, s21, $0xb8;
	[tilespmem:$0x1A800] =	vst v63  }
0x9a: {  	s28 =	sadd.s32 $0x680, s26  }
0x9b: {  	[spmem:s1] =	stream.indirect.scatter.add.f32 [tilespmem:s20], [sflag:$0x1], $0x80, s28, s21, $0xb8;
	[tilespmem:$0x1A800] =	vst v63  }
0x9c: {  	s28 =	sadd.s32 $0x700, s26  }
0x9d: {  	[spmem:s1] =	stream.indirect.scatter.add.f32 [tilespmem:s20], [sflag:$0x1], $0x80, s28, s21, $0xb8;
	[tilespmem:$0x1A800] =	vst v63  }
0x9e: {  	s26 =	sadd.s32 $0x780, s26  }
0x9f: {  	[spmem:s1] =	stream.indirect.scatter.add.f32 [tilespmem:s20], [sflag:$0x1], $0x80, s26, s21, $0xb8;
	[tilespmem:$0x1A800] =	vst v63  }
0xa0: {  	_ =	swait.ge [sflag:s22], $0x4000  }
0xa1: {  	[sflag:s22] =	ssyncset.done $0x0  }
0xa2: {  	[sflag:s22] =	ssyncadd.s32 $0xFFFFC000  }
0xa3: {  	_ =	swait.ge [sflag:s22], $0x4000  }
0xa4: {  	[sflag:s22] =	ssyncset.done $0x0  }
0xa5: {  	[sflag:s22] =	ssyncadd.s32 $0xFFFFC000  }
0xa6: {  	_ =	swait.ge [sflag:s22], $0x4000  }
0xa7: {  	[sflag:s22] =	ssyncset.done $0x0  }
0xa8: {  	[sflag:s22] =	ssyncadd.s32 $0xFFFFC000  }
0xa9: {  	_ =	swait.ge [sflag:s22], $0x4000  }
0xaa: {  	[sflag:s22] =	ssyncset.done $0x0  }
0xab: {  	[sflag:s22] =	ssyncadd.s32 $0xFFFFC000  }
0xac: {  	_ =	swait.ge [sflag:s22], $0x4000  }
0xad: {  	[sflag:s22] =	ssyncset.done $0x0  }
0xae: {  	[sflag:s22] =	ssyncadd.s32 $0xFFFFC000  }
0xaf: {  	_ =	swait.ge [sflag:s22], $0x4000  }
0xb0: {  	[sflag:s22] =	ssyncset.done $0x0  }
0xb1: {  	[sflag:s22] =	ssyncadd.s32 $0xFFFFC000  }
0xb2: {  	_ =	swait.ge [sflag:s22], $0x4000  }
0xb3: {  	[sflag:s22] =	ssyncset.done $0x0  }
0xb4: {  	[sflag:s22] =	ssyncadd.s32 $0xFFFFC000  }
0xb5: {  	_ =	swait.ge [sflag:s22], $0x4000  }
0xb6: {  	[sflag:s22] =	ssyncset.done $0x0  }
0xb7: {  	[sflag:s22] =	ssyncadd.s32 $0xFFFFC000  }
0xb8: {  	_ =	swait.ge [sflag:s22], $0x4000  }
0xb9: {  	[sflag:s22] =	ssyncset.done $0x0  }
0xba: {  	[sflag:s22] =	ssyncadd.s32 $0xFFFFC000  }
0xbb: {  	_ =	swait.ge [sflag:s22], $0x4000  }
0xbc: {  	[sflag:s22] =	ssyncset.done $0x0  }
0xbd: {  	[sflag:s22] =	ssyncadd.s32 $0xFFFFC000  }
0xbe: {  	_ =	swait.ge [sflag:s22], $0x4000  }
0xbf: {  	[sflag:s22] =	ssyncset.done $0x0  }
0xc0: {  	[sflag:s22] =	ssyncadd.s32 $0xFFFFC000  }
0xc1: {  	_ =	swait.ge [sflag:s22], $0x4000  }
0xc2: {  	[sflag:s22] =	ssyncset.done $0x0  }
0xc3: {  	[sflag:s22] =	ssyncadd.s32 $0xFFFFC000  }
0xc4: {  	_ =	swait.ge [sflag:s22], $0x4000  }
0xc5: {  	[sflag:s22] =	ssyncset.done $0x0  }
0xc6: {  	[sflag:s22] =	ssyncadd.s32 $0xFFFFC000  }
0xc7: {  	_ =	swait.ge [sflag:s22], $0x4000  }
0xc8: {  	[sflag:s22] =	ssyncset.done $0x0  }
0xc9: {  	[sflag:s22] =	ssyncadd.s32 $0xFFFFC000  }
.Ltmp0:
0xca: {  	_ =	swait.ge [sflag:s22], $0x4000;
	(pc) =	sbr.rel @p0 .LBB2_2-.Ltmp0, $4  }
0xcb: {  	[sflag:s22] =	ssyncset.done $0x0  }
0xcc: {  	[sflag:s22] =	ssyncadd.s32 $0xFFFFC000  }
0xcd: {  	_ =	swait.ge [sflag:s22], $0x4000  }
0xce: {  	s28 =	smov.u32 s25;
	[sflag:s22] =	ssyncset.done $0x0  }
0xcf: {  	s24 =	sshra.s32 s24, $0x2;
	[sflag:s22] =	ssyncadd.s32 $0xFFFFC000  }
0xd0: {  	[spmem:s1] =	stream.indirect.scatter.add.f32 [tilespmem:s20], [sflag:$0x1], $0x80, s24, s21, $0xb8;
	[tilespmem:$0x1A800] =	vst v63  }
0xd1: {  	s25 =	sadd.s32 $0x80, s24  }
0xd2: {  	[spmem:s1] =	stream.indirect.scatter.add.f32 [tilespmem:s20], [sflag:$0x1], $0x80, s25, s21, $0xb8;
	[tilespmem:$0x1A800] =	vst v63  }
0xd3: {  	s29 =	sadd.s32 $0x100, s24  }
0xd4: {  	[spmem:s1] =	stream.indirect.scatter.add.f32 [tilespmem:s20], [sflag:$0x1], $0x80, s29, s21, $0xb8;
	[tilespmem:$0x1A800] =	vst v63  }
0xd5: {  	s30 =	sadd.s32 $0x180, s24  }
0xd6: {  	[spmem:s1] =	stream.indirect.scatter.add.f32 [tilespmem:s20], [sflag:$0x1], $0x80, s30, s21, $0xb8;
	[tilespmem:$0x1A800] =	vst v63  }
0xd7: {  	s31 =	sadd.s32 $0x200, s24  }
0xd8: {  	[spmem:s1] =	stream.indirect.scatter.add.f32 [tilespmem:s20], [sflag:$0x1], $0x80, s31, s21, $0xb8;
	[tilespmem:$0x1A800] =	vst v63  }
0xd9: {  	s26 =	sadd.s32 $0x280, s24  }
0xda: {  	[spmem:s1] =	stream.indirect.scatter.add.f32 [tilespmem:s20], [sflag:$0x1], $0x80, s26, s21, $0xb8;
	[tilespmem:$0x1A800] =	vst v63  }
0xdb: {  	s28 =	sadd.s32 $0x300, s24  }
0xdc: {  	[spmem:s1] =	stream.indirect.scatter.add.f32 [tilespmem:s20], [sflag:$0x1], $0x80, s28, s21, $0xb8;
	[tilespmem:$0x1A800] =	vst v63  }
0xdd: {  	s29 =	sadd.s32 $0x380, s24  }
0xde: {  	[spmem:s1] =	stream.indirect.scatter.add.f32 [tilespmem:s20], [sflag:$0x1], $0x80, s29, s21, $0xb8;
	[tilespmem:$0x1A800] =	vst v63  }
0xdf: {  	s30 =	sadd.s32 $0x400, s24  }
0xe0: {  	[spmem:s1] =	stream.indirect.scatter.add.f32 [tilespmem:s20], [sflag:$0x1], $0x80, s30, s21, $0xb8;
	[tilespmem:$0x1A800] =	vst v63  }
0xe1: {  	s31 =	sadd.s32 $0x480, s24  }
0xe2: {  	[spmem:s1] =	stream.indirect.scatter.add.f32 [tilespmem:s20], [sflag:$0x1], $0x80, s31, s21, $0xb8;
	[tilespmem:$0x1A800] =	vst v63  }
0xe3: {  	s26 =	sadd.s32 $0x500, s24  }
0xe4: {  	[spmem:s1] =	stream.indirect.scatter.add.f32 [tilespmem:s20], [sflag:$0x1], $0x80, s26, s21, $0xb8;
	[tilespmem:$0x1A800] =	vst v63  }
0xe5: {  	s28 =	sadd.s32 $0x580, s24  }
0xe6: {  	[spmem:s1] =	stream.indirect.scatter.add.f32 [tilespmem:s20], [sflag:$0x1], $0x80, s28, s21, $0xb8;
	[tilespmem:$0x1A800] =	vst v63  }
0xe7: {  	s29 =	sadd.s32 $0x600, s24  }
0xe8: {  	[spmem:s1] =	stream.indirect.scatter.add.f32 [tilespmem:s20], [sflag:$0x1], $0x80, s29, s21, $0xb8;
	[tilespmem:$0x1A800] =	vst v63  }
0xe9: {  	s30 =	sadd.s32 $0x680, s24  }
0xea: {  	[spmem:s1] =	stream.indirect.scatter.add.f32 [tilespmem:s20], [sflag:$0x1], $0x80, s30, s21, $0xb8;
	[tilespmem:$0x1A800] =	vst v63  }
0xeb: {  	s31 =	sadd.s32 $0x700, s24  }
0xec: {  	[spmem:s1] =	stream.indirect.scatter.add.f32 [tilespmem:s20], [sflag:$0x1], $0x80, s31, s21, $0xb8;
	[tilespmem:$0x1A800] =	vst v63  }
0xed: {  	s24 =	sadd.s32 $0x780, s24  }
0xee: {  	[spmem:s1] =	stream.indirect.scatter.add.f32 [tilespmem:s20], [sflag:$0x1], $0x80, s24, s21, $0xb8;
	[tilespmem:$0x1A800] =	vst v63  }
0xef: {  	_ =	swait.ge [sflag:s22], $0x4000  }
0xf0: {  	[sflag:s22] =	ssyncset.done $0x0  }
0xf1: {  	[sflag:s22] =	ssyncadd.s32 $0xFFFFC000  }
0xf2: {  	_ =	swait.ge [sflag:s22], $0x4000  }
0xf3: {  	[sflag:s22] =	ssyncset.done $0x0  }
0xf4: {  	[sflag:s22] =	ssyncadd.s32 $0xFFFFC000  }
0xf5: {  	_ =	swait.ge [sflag:s22], $0x4000  }
0xf6: {  	[sflag:s22] =	ssyncset.done $0x0  }
0xf7: {  	[sflag:s22] =	ssyncadd.s32 $0xFFFFC000  }
0xf8: {  	_ =	swait.ge [sflag:s22], $0x4000  }
0xf9: {  	[sflag:s22] =	ssyncset.done $0x0  }
0xfa: {  	[sflag:s22] =	ssyncadd.s32 $0xFFFFC000  }
0xfb: {  	_ =	swait.ge [sflag:s22], $0x4000  }
0xfc: {  	[sflag:s22] =	ssyncset.done $0x0  }
0xfd: {  	[sflag:s22] =	ssyncadd.s32 $0xFFFFC000  }
0xfe: {  	_ =	swait.ge [sflag:s22], $0x4000  }
0xff: {  	[sflag:s22] =	ssyncset.done $0x0  }
0x100: {  	[sflag:s22] =	ssyncadd.s32 $0xFFFFC000  }
0x101: {  	_ =	swait.ge [sflag:s22], $0x4000  }
0x102: {  	[sflag:s22] =	ssyncset.done $0x0  }
0x103: {  	[sflag:s22] =	ssyncadd.s32 $0xFFFFC000  }
0x104: {  	_ =	swait.ge [sflag:s22], $0x4000  }
0x105: {  	[sflag:s22] =	ssyncset.done $0x0  }
0x106: {  	[sflag:s22] =	ssyncadd.s32 $0xFFFFC000  }
0x107: {  	_ =	swait.ge [sflag:s22], $0x4000  }
0x108: {  	[sflag:s22] =	ssyncset.done $0x0  }
0x109: {  	[sflag:s22] =	ssyncadd.s32 $0xFFFFC000  }
0x10a: {  	_ =	swait.ge [sflag:s22], $0x4000  }
0x10b: {  	[sflag:s22] =	ssyncset.done $0x0  }
0x10c: {  	[sflag:s22] =	ssyncadd.s32 $0xFFFFC000  }
0x10d: {  	_ =	swait.ge [sflag:s22], $0x4000  }
0x10e: {  	[sflag:s22] =	ssyncset.done $0x0  }
0x10f: {  	[sflag:s22] =	ssyncadd.s32 $0xFFFFC000  }
0x110: {  	_ =	swait.ge [sflag:s22], $0x4000  }
0x111: {  	[sflag:s22] =	ssyncset.done $0x0  }
0x112: {  	[sflag:s22] =	ssyncadd.s32 $0xFFFFC000  }
0x113: {  	_ =	swait.ge [sflag:s22], $0x4000  }
0x114: {  	[sflag:s22] =	ssyncset.done $0x0  }
0x115: {  	[sflag:s22] =	ssyncadd.s32 $0xFFFFC000  }
0x116: {  	_ =	swait.ge [sflag:s22], $0x4000  }
0x117: {  	[sflag:s22] =	ssyncset.done $0x0  }
0x118: {  	[sflag:s22] =	ssyncadd.s32 $0xFFFFC000  }
0x119: {  	_ =	swait.ge [sflag:s22], $0x4000  }
0x11a: {  	[sflag:s22] =	ssyncset.done $0x0  }
0x11b: {  	[sflag:s22] =	ssyncadd.s32 $0xFFFFC000  }
0x11c: {  	_ =	swait.ge [sflag:s22], $0x4000  }
0x11d: {  	s23 =	sadd.s32 $0x1, s23;
	[sflag:s22] =	ssyncset.done $0x0  }
0x11e: {  	p0 =	sne.s32 s23, s11;
	[sflag:s22] =	ssyncadd.s32 $0xFFFFC000  }
.Ltmp1:
0x11f: {  	[bflag:$0x0] =	sbarrier.arrive $0xFFFF;
	(pc) =	sbr.rel @p0 .LBB2_1-.Ltmp1, $4  }
0x120: {  	[hbm:s10], [sflag:s13] =	dma.local [spmem:s14], $0x2800  }
0x121: {  	_ =	swait.ge [sflag:s15], $0x2800  }
0x122: {  	[sflag:s15] =	ssyncset.done $0x0  }
0x123: {  	[sflag:s15] =	ssyncadd.s32 $0xFFFFD800  }
0x124: {  	_ =	sfence.sel $0x180000  }
0x125: {  	[bflag:$0x0] =	sbarrier.arrive $0xFFFF  }
0x126: {  	p0 =	sne.s32 s2, $0x0;
	_ =	strace $0x90000047  }
0x127: {  	s0 =	sadd.s32 @!p0 $0x100000, s0;
	[bflag:$0x2] =	sbarrier.arrive $0xFFFF  }
0x128: {  	[sflag:s0] =	ssyncadd.tile.s32 @!p0 $0x1;
	_ =	shalt  }
.Lfunc_end2:
_tile_overlayer_lowered:
.L_overlay_start_2:
0x129: {  	(tag) =	ssettag $0x2  }
0x12a: {  	s0 =	rddreg [dreg:$0x0];
	s2 =	stileid.u32  }
0x12b: {  	s1 =	rddreg [dreg:$0x1];
	p0 =	sne.s32 s2, $0x0  }
0x12c: {  	s3 =	rddreg [dreg:$0x2];
	[bflag:$0x3] =	sbarrier.arrive $0xFFFF;
	s2 =	simm.s32 @!p0 $0x1C02  }
0x12d: {  	[timem:s3], [sflag:s2] =	dma.local @!p0 [hbm:s0], s1  }
0x12e: {  	s0 =	simm.s32 @!p0 $0x2  }
0x12f: {  	_ =	swait.ge @!p0 [sflag:s0], s1  }
0x130: {  	s1 =	ssub.s32 @!p0 $0x0, s1;
	[sflag:s0] =	ssyncset.done @!p0 $0x0  }
0x131: {  	[sflag:s0] =	ssyncadd.s32 @!p0 s1  }
0x132: {  	[bflag:$0x3] =	sbarrier.arrive $0xFFFF  }
0x133: {  	_ =	shalt  }

</sc_bundles>
